<compile_context>
chip_gen: v7x
topology: tpu7x:2x2x1
jax: 0.10.2.dev20260603
libtpu: 0.0.44.dev20260713+nightly
codegen_flags: <defaults>
</compile_context>

<pallas_src>
import functools

import jax
import jax.numpy as jnp
from jax import lax
from jax.experimental import pallas as pl
from jax.experimental.pallas import tpu as pltpu
from jax.experimental.pallas import tpu_sc as plsc

_TRAIN_N = 10000
_HYPER = 0.01
_BS = 4096
_FT = 50
_TBL = _TRAIN_N * 100

_NC, _NS = 2, 16
_NW = _NC * _NS
_RPW = _BS // _NW
_LG = _RPW // 16
_mesh = plsc.VectorSubcoreMesh(core_axis_name="c", subcore_axis_name="s",
                               num_cores=_NC, num_subcores=_NS)


@functools.partial(
    pl.kernel,
    compiler_params=pltpu.CompilerParams(
        use_tc_tiling_on_sc=False,
        needs_layout_passes=False,
    ),
    out_type=(
        jax.ShapeDtypeStruct((_BS,), jnp.float32),
        jax.ShapeDtypeStruct((_NW, 16), jnp.float32),
    ),
    mesh=_mesh,
    scratch_types=[
        pltpu.VMEM((_FT, _RPW), jnp.int32),
        pltpu.VMEM((_RPW,), jnp.int32),
        pltpu.VMEM((_RPW,), jnp.float32),
        pltpu.VMEM((_RPW,), jnp.float32),
        pltpu.VMEM((_FT * _RPW,), jnp.int32),
        pltpu.VMEM((_FT * _RPW,), jnp.int32),
        pltpu.VMEM((_FT * _RPW,), jnp.float32),
        pltpu.VMEM((_FT * _RPW,), jnp.float32),
        pltpu.VMEM((_RPW,), jnp.float32),
        pltpu.VMEM((16,), jnp.float32),
        pltpu.SemaphoreType.DMA,
        pltpu.SemaphoreType.DMA,
    ],
)
def _sim_kernel(ot_hbm, tsid_hbm, bef_hbm, aft_hbm, ab_hbm,
                pred_out, misc_out,
                ord_v, tsid_v, bef_v, aft_v, ia_v, ib_v, aa_v, bb_v, pred_v,
                buf_v, gsem, ssem):
    w = lax.axis_index("s") * _NC + lax.axis_index("c")

    h_ord = pltpu.async_copy(ot_hbm.at[:, pl.ds(w * _RPW, _RPW)], ord_v, ssem)
    h_tsid = pltpu.async_copy(tsid_hbm.at[pl.ds(w * _RPW, _RPW)], tsid_v, ssem)
    h_bef = pltpu.async_copy(bef_hbm.at[pl.ds(w * _RPW, _RPW)], bef_v, ssem)
    h_aft = pltpu.async_copy(aft_hbm.at[pl.ds(w * _RPW, _RPW)], aft_v, ssem)
    h_ord.wait()
    h_tsid.wait()

    def _build(s, _):
        base = s * _RPW
        for l in range(_LG):
            o = ord_v[s, pl.ds(l * 16, 16)]
            t = tsid_v[pl.ds(l * 16, 16)]
            ia = t * _TRAIN_N + o
            ia_v[pl.ds(base + l * 16, 16)] = ia
            ib_v[pl.ds(base + l * 16, 16)] = ia + _TBL
        return 0

    _NCH = 5
    _SPC = _FT // _NCH
    _IPC = _SPC * _RPW
    ghandles = []
    for c in range(_NCH):
        lax.fori_loop(c * _SPC, (c + 1) * _SPC, _build, 0)
        sl = pl.ds(c * _IPC, _IPC)
        ghandles.append(
            (pltpu.async_copy(ab_hbm.at[ia_v.at[sl]], aa_v.at[sl], gsem),
             pltpu.async_copy(ab_hbm.at[ib_v.at[sl]], bb_v.at[sl], gsem)))

    def _slot(s, carry):
        base = s * _RPW
        out = []
        for l in range(_LG):
            aa, bb = carry[2 * l], carry[2 * l + 1]
            out.append(aa + aa_v[pl.ds(base + l * 16, 16)])
            out.append(bb + bb_v[pl.ds(base + l * 16, 16)])
        return tuple(out)

    acc = tuple(jnp.zeros((16,), jnp.float32) for _ in range(2 * _LG))
    for c in range(_NCH):
        ha, hb = ghandles[c]
        ha.wait()
        hb.wait()
        acc = lax.fori_loop(c * _SPC, (c + 1) * _SPC, _slot, acc)

    h_bef.wait()
    h_aft.wait()
    for l in range(_LG):
        aa, bb = acc[2 * l], acc[2 * l + 1]
        bef = bef_v[pl.ds(l * 16, 16)]
        aft = aft_v[pl.ds(l * 16, 16)]
        pred = aa * bef + bb
        pred_v[pl.ds(l * 16, 16)] = pred
        e = aft - pred
        if l == 0:
            sq_acc = e * e
        else:
            sq_acc = sq_acc + e * e

    buf_v[pl.ds(0, 16)] = sq_acc
    pltpu.sync_copy(pred_v, pred_out.at[pl.ds(w * _RPW, _RPW)])
    pltpu.sync_copy(buf_v, misc_out.at[w])


def _l2_body(ab_ref, out_ref):
    x = ab_ref[...]
    sq = x * x
    half = jax.lax.broadcasted_iota(jnp.int32, (2 * _TBL,), 0) < _TBL
    za = jnp.where(half, sq, 0.0)
    out_ref[0, :] = jnp.sum(za.reshape(-1, 128), axis=0)
    zb = jnp.where(half, 0.0, sq)
    out_ref[1, :] = jnp.sum(zb.reshape(-1, 128), axis=0)


_l2_kernel = pl.pallas_call(
    _l2_body,
    out_shape=jax.ShapeDtypeStruct((2, 128), jnp.float32),
)


def kernel(orders, before_loss, after_loss, test_sample_ids, emb_weight):
    ot = orders.astype(jnp.int32).T
    tsid = test_sample_ids.astype(jnp.int32)
    ab = emb_weight.T.reshape(-1)
    pred, misc = _sim_kernel(ot, tsid, before_loss, after_loss, ab)
    ssq = _l2_kernel(ab)
    mse = jnp.sum(misc) / _BS
    ssq_a = jnp.sum(ssq[0])
    ssq_b = jnp.sum(ssq[1])
    l2 = _HYPER * (jnp.sqrt(ssq_a) + jnp.sqrt(ssq_b))
    tot = mse + l2
    return (mse, l2, pred, tot)

# --- scband reference (transcript-rebuilt; emitter-appended) ---
"""Pipeline reference for scband-simulator-4604204941458 (READ-ONLY COPY).

The authoritative reference and input builder live on the scoring server;
editing this copy changes nothing except your own understanding.
"""

import jax, jax.numpy as jnp
import numpy as np

TRAIN_N = 10000
TEST_N = 100
HYPER = 0.01
BS = 4096
FT_BSZ = 50


def setup_inputs(seed: int = 0) -> dict:
    key = jax.random.key(seed)
    k1, k2, k3, k4, k5 = jax.random.split(key, 5)
    orders = jax.random.randint(k1, (BS, FT_BSZ), 0, TRAIN_N)
    test_sample_ids = jax.random.randint(k2, (BS,), 0, TEST_N)
    before_loss = jax.random.uniform(k3, (BS,), dtype=jnp.float32)
    after_loss = jax.random.uniform(k4, (BS,), dtype=jnp.float32)
    emb_weight = jax.random.normal(k5, (TRAIN_N * TEST_N, 2), dtype=jnp.float32) * 0.01
    return {
        "orders": orders,
        "before_loss": before_loss,
        "after_loss": after_loss,
        "test_sample_ids": test_sample_ids,
        "emb_weight": emb_weight,
    }


def reference(orders, before_loss, after_loss, test_sample_ids, emb_weight):
    # _adjust_orders: vectorized form of the per-row loop
    adj_orders = TRAIN_N * test_sample_ids[:, None] + orders  # (bs, finetune_gpt2_bsz)
    # embedding lookup into 1M x 2 table
    hidden_states = jnp.take(emb_weight, adj_orders, axis=0)  # (bs, ft_bsz, 2)
    a = hidden_states[:, :, 0]
    b = hidden_states[:, :, 1]
    predict_loss = jnp.sum(a, axis=1) * before_loss + jnp.sum(b, axis=1)  # (bs,)
    mse_loss = jnp.mean((after_loss - predict_loss) ** 2)
    # is_train=True path: L2 over the full table columns
    L2_loss = HYPER * (jnp.linalg.norm(emb_weight[:, 0], ord=2) + jnp.linalg.norm(emb_weight[:, 1], ord=2))
    tot_loss = mse_loss + L2_loss
    return (mse_loss, L2_loss, predict_loss, tot_loss)

if __name__ == "__main__":
    import jax
    _d = setup_inputs()
    print(jax.jit(kernel)(*tuple(_d.values())))

</pallas_src>

<mosaic_0001>
#map = affine_map<(d0, d1) -> (0, 0)>
#map1 = affine_map<(d0, d1) -> (0)>
module attributes {stable_mosaic.version = 14 : i64} {
  func.func @_sim_kernel(%arg0: i32, %arg1: i32, %arg2: memref<50x4096xi32, #tpu.memory_space<hbm>>, %arg3: memref<4096xi32, #tpu.memory_space<hbm>>, %arg4: memref<4096xf32, #tpu.memory_space<hbm>>, %arg5: memref<4096xf32, #tpu.memory_space<hbm>>, %arg6: memref<2000000xf32, #tpu.memory_space<hbm>>, %arg7: memref<4096xf32, #tpu.memory_space<hbm>>, %arg8: memref<32x16xf32, #tpu.memory_space<hbm>>, %arg9: memref<50x128xi32, #tpu.memory_space<vmem>>, %arg10: memref<128xi32, #tpu.memory_space<vmem>>, %arg11: memref<128xf32, #tpu.memory_space<vmem>>, %arg12: memref<128xf32, #tpu.memory_space<vmem>>, %arg13: memref<6400xi32, #tpu.memory_space<vmem>>, %arg14: memref<6400xi32, #tpu.memory_space<vmem>>, %arg15: memref<6400xf32, #tpu.memory_space<vmem>>, %arg16: memref<6400xf32, #tpu.memory_space<vmem>>, %arg17: memref<128xf32, #tpu.memory_space<vmem>>, %arg18: memref<16xf32, #tpu.memory_space<vmem>>, %arg19: memref<!tpu.dma_semaphore, #tpu.memory_space<semaphore_mem>>, %arg20: memref<!tpu.dma_semaphore, #tpu.memory_space<semaphore_mem>>) attributes {dimension_semantics = [#tpu.dimension_semantics<core_parallel>, #tpu.dimension_semantics<subcore_parallel>], iteration_bounds = array<i64: 2, 16>, scalar_prefetch = 0 : i64, scratch_operands = 12 : i64, tpu.core_type = #tpu.core_type<sc_vector_subcore>, window_params = [{transform_indices = #map}, {transform_indices = #map1}, {transform_indices = #map1}, {transform_indices = #map1}, {transform_indices = #map1}, {transform_indices = #map1}, {transform_indices = #map}]} {
    %mul3A = arith.constant 2 : i32
    %mul3A_0 = arith.muli %arg1, %mul3A : i32
    %add3A = arith.addi %mul3A_0, %arg0 : i32
    %mul3A_1 = arith.constant 128 : i32
    %mul3A_2 = arith.muli %add3A, %mul3A_1 : i32
    %dma_start3A = arith.constant 0 : i32
    %dma_start3A_3 = tpu.memref_slice %arg2[%dma_start3A, %mul3A_2] : memref<50x4096xi32, #tpu.memory_space<hbm>> -> memref<50x128xi32, #tpu.memory_space<hbm>>
    %dma_start3A_4 = arith.constant 0 : i32
    %dma_start3A_5 = tpu.memref_slice %arg2[%dma_start3A_4, %mul3A_2] : memref<50x4096xi32, #tpu.memory_space<hbm>> -> memref<50x128xi32, #tpu.memory_space<hbm>>
    tpu.enqueue_dma source(%dma_start3A_5 : memref<50x128xi32, #tpu.memory_space<hbm>>) target(%arg9 : memref<50x128xi32, #tpu.memory_space<vmem>>) target_semaphore(%arg20 : memref<!tpu.dma_semaphore, #tpu.memory_space<semaphore_mem>>)
    %mul3A_6 = arith.constant 128 : i32
    %mul3A_7 = arith.muli %add3A, %mul3A_6 : i32
    %dma_start3A_8 = tpu.memref_slice %arg3[%mul3A_7] : memref<4096xi32, #tpu.memory_space<hbm>> -> memref<128xi32, #tpu.memory_space<hbm>>
    %dma_start3A_9 = tpu.memref_slice %arg3[%mul3A_7] : memref<4096xi32, #tpu.memory_space<hbm>> -> memref<128xi32, #tpu.memory_space<hbm>>
    tpu.enqueue_dma source(%dma_start3A_9 : memref<128xi32, #tpu.memory_space<hbm>>) target(%arg10 : memref<128xi32, #tpu.memory_space<vmem>>) target_semaphore(%arg20 : memref<!tpu.dma_semaphore, #tpu.memory_space<semaphore_mem>>)
    %mul3A_10 = arith.constant 128 : i32
    %mul3A_11 = arith.muli %add3A, %mul3A_10 : i32
    %dma_start3A_12 = tpu.memref_slice %arg4[%mul3A_11] : memref<4096xf32, #tpu.memory_space<hbm>> -> memref<128xf32, #tpu.memory_space<hbm>>
    %dma_start3A_13 = tpu.memref_slice %arg4[%mul3A_11] : memref<4096xf32, #tpu.memory_space<hbm>> -> memref<128xf32, #tpu.memory_space<hbm>>
    tpu.enqueue_dma source(%dma_start3A_13 : memref<128xf32, #tpu.memory_space<hbm>>) target(%arg11 : memref<128xf32, #tpu.memory_space<vmem>>) target_semaphore(%arg20 : memref<!tpu.dma_semaphore, #tpu.memory_space<semaphore_mem>>)
    %mul3A_14 = arith.constant 128 : i32
    %mul3A_15 = arith.muli %add3A, %mul3A_14 : i32
    %dma_start3A_16 = tpu.memref_slice %arg5[%mul3A_15] : memref<4096xf32, #tpu.memory_space<hbm>> -> memref<128xf32, #tpu.memory_space<hbm>>
    %dma_start3A_17 = tpu.memref_slice %arg5[%mul3A_15] : memref<4096xf32, #tpu.memory_space<hbm>> -> memref<128xf32, #tpu.memory_space<hbm>>
    tpu.enqueue_dma source(%dma_start3A_17 : memref<128xf32, #tpu.memory_space<hbm>>) target(%arg12 : memref<128xf32, #tpu.memory_space<vmem>>) target_semaphore(%arg20 : memref<!tpu.dma_semaphore, #tpu.memory_space<semaphore_mem>>)
    %dma_wait3A = arith.constant 0 : i32
    %dma_wait3A_18 = tpu.memref_slice %arg2[%dma_wait3A, %mul3A_2] : memref<50x4096xi32, #tpu.memory_space<hbm>> -> memref<50x128xi32, #tpu.memory_space<hbm>>
    %dma_wait3A_19 = arith.constant 0 : i32
    %dma_wait3A_20 = tpu.memref_slice %arg2[%dma_wait3A_19, %mul3A_2] : memref<50x4096xi32, #tpu.memory_space<hbm>> -> memref<50x128xi32, #tpu.memory_space<hbm>>
    tpu.wait_dma2 semaphore(%arg20 : memref<!tpu.dma_semaphore, #tpu.memory_space<semaphore_mem>>) src(%dma_wait3A_20 : memref<50x128xi32, #tpu.memory_space<hbm>>) dst(%arg9 : memref<50x128xi32, #tpu.memory_space<vmem>>)
    %dma_wait3A_21 = tpu.memref_slice %arg3[%mul3A_7] : memref<4096xi32, #tpu.memory_space<hbm>> -> memref<128xi32, #tpu.memory_space<hbm>>
    %dma_wait3A_22 = tpu.memref_slice %arg3[%mul3A_7] : memref<4096xi32, #tpu.memory_space<hbm>> -> memref<128xi32, #tpu.memory_space<hbm>>
    tpu.wait_dma2 semaphore(%arg20 : memref<!tpu.dma_semaphore, #tpu.memory_space<semaphore_mem>>) src(%dma_wait3A_22 : memref<128xi32, #tpu.memory_space<hbm>>) dst(%arg10 : memref<128xi32, #tpu.memory_space<vmem>>)
    %scan3A = arith.constant 0 : i32
    %scan3A_23 = arith.constant 0 : i32
    %scan3A_24 = arith.constant 10 : i32
    %scan3A_25 = arith.addi %scan3A_23, %scan3A_24 : i32
    %scan3A_26 = arith.constant 1 : i32
    %scan3A_27 = scf.for %scan3A_330 = %scan3A_23 to %scan3A_25 step %scan3A_26 iter_args(%scan3A_331 = %scan3A) -> (i32)  : i32 {
      %mul3A_332 = arith.constant 128 : i32
      %mul3A_333 = arith.muli %scan3A_330, %mul3A_332 : i32
      %get3A_334 = arith.index_cast %scan3A_330 : i32 to index
      %get3A_335 = arith.constant 0 : index
      %get3A_336 = tpu.vector_load %arg9[%get3A_334, %get3A_335] {strides = array<i32>} : memref<50x128xi32, #tpu.memory_space<vmem>>, vector<16xi32>,
      %get3A_337 = arith.constant 0 : index
      %get3A_338 = tpu.vector_load %arg10[%get3A_337] {strides = array<i32>} : memref<128xi32, #tpu.memory_space<vmem>>, vector<16xi32>,
      %mul3A_339 = arith.constant 10000 : i32
      %mul3A_340 = vector.broadcast %mul3A_339 : i32 to vector<16xi32>
      %mul3A_341 = arith.muli %get3A_338, %mul3A_340 : vector<16xi32>
      %add3A_342 = arith.addi %mul3A_341, %get3A_336 : vector<16xi32>
      %add3A_343 = arith.constant 0 : i32
      %add3A_344 = arith.addi %mul3A_333, %add3A_343 : i32
      %swap3A_345 = arith.index_cast %add3A_344 : i32 to index
      %swap3A_346 = tpu.vector_load %arg13[%swap3A_345] {strides = array<i32>} : memref<6400xi32, #tpu.memory_space<vmem>>, vector<16xi32>,
      tpu.vector_store %arg13[%swap3A_345], %add3A_342 {strides = array<i32>} : memref<6400xi32, #tpu.memory_space<vmem>>, vector<16xi32>,
      %add3A_347 = arith.constant 1000000 : i32
      %add3A_348 = vector.broadcast %add3A_347 : i32 to vector<16xi32>
      %add3A_349 = arith.addi %add3A_342, %add3A_348 : vector<16xi32>
      %add3A_350 = arith.constant 0 : i32
      %add3A_351 = arith.addi %mul3A_333, %add3A_350 : i32
      %swap3A_352 = arith.index_cast %add3A_351 : i32 to index
      %swap3A_353 = tpu.vector_load %arg14[%swap3A_352] {strides = array<i32>} : memref<6400xi32, #tpu.memory_space<vmem>>, vector<16xi32>,
      tpu.vector_store %arg14[%swap3A_352], %add3A_349 {strides = array<i32>} : memref<6400xi32, #tpu.memory_space<vmem>>, vector<16xi32>,
      %get3A_354 = arith.index_cast %scan3A_330 : i32 to index
      %get3A_355 = arith.constant 16 : index
      %get3A_356 = tpu.vector_load %arg9[%get3A_354, %get3A_355] {strides = array<i32>} : memref<50x128xi32, #tpu.memory_space<vmem>>, vector<16xi32>,
      %get3A_357 = arith.constant 16 : index
      %get3A_358 = tpu.vector_load %arg10[%get3A_357] {strides = array<i32>} : memref<128xi32, #tpu.memory_space<vmem>>, vector<16xi32>,
      %mul3A_359 = arith.constant 10000 : i32
      %mul3A_360 = vector.broadcast %mul3A_359 : i32 to vector<16xi32>
      %mul3A_361 = arith.muli %get3A_358, %mul3A_360 : vector<16xi32>
      %add3A_362 = arith.addi %mul3A_361, %get3A_356 : vector<16xi32>
      %add3A_363 = arith.constant 16 : i32
      %add3A_364 = arith.addi %mul3A_333, %add3A_363 : i32
      %swap3A_365 = arith.index_cast %add3A_364 : i32 to index
      %swap3A_366 = tpu.vector_load %arg13[%swap3A_365] {strides = array<i32>} : memref<6400xi32, #tpu.memory_space<vmem>>, vector<16xi32>,
      tpu.vector_store %arg13[%swap3A_365], %add3A_362 {strides = array<i32>} : memref<6400xi32, #tpu.memory_space<vmem>>, vector<16xi32>,
      %add3A_367 = arith.constant 1000000 : i32
      %add3A_368 = vector.broadcast %add3A_367 : i32 to vector<16xi32>
      %add3A_369 = arith.addi %add3A_362, %add3A_368 : vector<16xi32>
      %add3A_370 = arith.constant 16 : i32
      %add3A_371 = arith.addi %mul3A_333, %add3A_370 : i32
      %swap3A_372 = arith.index_cast %add3A_371 : i32 to index
      %swap3A_373 = tpu.vector_load %arg14[%swap3A_372] {strides = array<i32>} : memref<6400xi32, #tpu.memory_space<vmem>>, vector<16xi32>,
      tpu.vector_store %arg14[%swap3A_372], %add3A_369 {strides = array<i32>} : memref<6400xi32, #tpu.memory_space<vmem>>, vector<16xi32>,
      %get3A_374 = arith.index_cast %scan3A_330 : i32 to index
      %get3A_375 = arith.constant 32 : index
      %get3A_376 = tpu.vector_load %arg9[%get3A_374, %get3A_375] {strides = array<i32>} : memref<50x128xi32, #tpu.memory_space<vmem>>, vector<16xi32>,
      %get3A_377 = arith.constant 32 : index
      %get3A_378 = tpu.vector_load %arg10[%get3A_377] {strides = array<i32>} : memref<128xi32, #tpu.memory_space<vmem>>, vector<16xi32>,
      %mul3A_379 = arith.constant 10000 : i32
      %mul3A_380 = vector.broadcast %mul3A_379 : i32 to vector<16xi32>
      %mul3A_381 = arith.muli %get3A_378, %mul3A_380 : vector<16xi32>
      %add3A_382 = arith.addi %mul3A_381, %get3A_376 : vector<16xi32>
      %add3A_383 = arith.constant 32 : i32
      %add3A_384 = arith.addi %mul3A_333, %add3A_383 : i32
      %swap3A_385 = arith.index_cast %add3A_384 : i32 to index
      %swap3A_386 = tpu.vector_load %arg13[%swap3A_385] {strides = array<i32>} : memref<6400xi32, #tpu.memory_space<vmem>>, vector<16xi32>,
      tpu.vector_store %arg13[%swap3A_385], %add3A_382 {strides = array<i32>} : memref<6400xi32, #tpu.memory_space<vmem>>, vector<16xi32>,
      %add3A_387 = arith.constant 1000000 : i32
      %add3A_388 = vector.broadcast %add3A_387 : i32 to vector<16xi32>
      %add3A_389 = arith.addi %add3A_382, %add3A_388 : vector<16xi32>
      %add3A_390 = arith.constant 32 : i32
      %add3A_391 = arith.addi %mul3A_333, %add3A_390 : i32
      %swap3A_392 = arith.index_cast %add3A_391 : i32 to index
      %swap3A_393 = tpu.vector_load %arg14[%swap3A_392] {strides = array<i32>} : memref<6400xi32, #tpu.memory_space<vmem>>, vector<16xi32>,
      tpu.vector_store %arg14[%swap3A_392], %add3A_389 {strides = array<i32>} : memref<6400xi32, #tpu.memory_space<vmem>>, vector<16xi32>,
      %get3A_394 = arith.index_cast %scan3A_330 : i32 to index
      %get3A_395 = arith.constant 48 : index
      %get3A_396 = tpu.vector_load %arg9[%get3A_394, %get3A_395] {strides = array<i32>} : memref<50x128xi32, #tpu.memory_space<vmem>>, vector<16xi32>,
      %get3A_397 = arith.constant 48 : index
      %get3A_398 = tpu.vector_load %arg10[%get3A_397] {strides = array<i32>} : memref<128xi32, #tpu.memory_space<vmem>>, vector<16xi32>,
      %mul3A_399 = arith.constant 10000 : i32
      %mul3A_400 = vector.broadcast %mul3A_399 : i32 to vector<16xi32>
      %mul3A_401 = arith.muli %get3A_398, %mul3A_400 : vector<16xi32>
      %add3A_402 = arith.addi %mul3A_401, %get3A_396 : vector<16xi32>
      %add3A_403 = arith.constant 48 : i32
      %add3A_404 = arith.addi %mul3A_333, %add3A_403 : i32
      %swap3A_405 = arith.index_cast %add3A_404 : i32 to index
      %swap3A_406 = tpu.vector_load %arg13[%swap3A_405] {strides = array<i32>} : memref<6400xi32, #tpu.memory_space<vmem>>, vector<16xi32>,
      tpu.vector_store %arg13[%swap3A_405], %add3A_402 {strides = array<i32>} : memref<6400xi32, #tpu.memory_space<vmem>>, vector<16xi32>,
      %add3A_407 = arith.constant 1000000 : i32
      %add3A_408 = vector.broadcast %add3A_407 : i32 to vector<16xi32>
      %add3A_409 = arith.addi %add3A_402, %add3A_408 : vector<16xi32>
      %add3A_410 = arith.constant 48 : i32
      %add3A_411 = arith.addi %mul3A_333, %add3A_410 : i32
      %swap3A_412 = arith.index_cast %add3A_411 : i32 to index
      %swap3A_413 = tpu.vector_load %arg14[%swap3A_412] {strides = array<i32>} : memref<6400xi32, #tpu.memory_space<vmem>>, vector<16xi32>,
      tpu.vector_store %arg14[%swap3A_412], %add3A_409 {strides = array<i32>} : memref<6400xi32, #tpu.memory_space<vmem>>, vector<16xi32>,
      %get3A_414 = arith.index_cast %scan3A_330 : i32 to index
      %get3A_415 = arith.constant 64 : index
      %get3A_416 = tpu.vector_load %arg9[%get3A_414, %get3A_415] {strides = array<i32>} : memref<50x128xi32, #tpu.memory_space<vmem>>, vector<16xi32>,
      %get3A_417 = arith.constant 64 : index
      %get3A_418 = tpu.vector_load %arg10[%get3A_417] {strides = array<i32>} : memref<128xi32, #tpu.memory_space<vmem>>, vector<16xi32>,
      %mul3A_419 = arith.constant 10000 : i32
      %mul3A_420 = vector.broadcast %mul3A_419 : i32 to vector<16xi32>
      %mul3A_421 = arith.muli %get3A_418, %mul3A_420 : vector<16xi32>
      %add3A_422 = arith.addi %mul3A_421, %get3A_416 : vector<16xi32>
      %add3A_423 = arith.constant 64 : i32
      %add3A_424 = arith.addi %mul3A_333, %add3A_423 : i32
      %swap3A_425 = arith.index_cast %add3A_424 : i32 to index
      %swap3A_426 = tpu.vector_load %arg13[%swap3A_425] {strides = array<i32>} : memref<6400xi32, #tpu.memory_space<vmem>>, vector<16xi32>,
      tpu.vector_store %arg13[%swap3A_425], %add3A_422 {strides = array<i32>} : memref<6400xi32, #tpu.memory_space<vmem>>, vector<16xi32>,
      %add3A_427 = arith.constant 1000000 : i32
      %add3A_428 = vector.broadcast %add3A_427 : i32 to vector<16xi32>
      %add3A_429 = arith.addi %add3A_422, %add3A_428 : vector<16xi32>
      %add3A_430 = arith.constant 64 : i32
      %add3A_431 = arith.addi %mul3A_333, %add3A_430 : i32
      %swap3A_432 = arith.index_cast %add3A_431 : i32 to index
      %swap3A_433 = tpu.vector_load %arg14[%swap3A_432] {strides = array<i32>} : memref<6400xi32, #tpu.memory_space<vmem>>, vector<16xi32>,
      tpu.vector_store %arg14[%swap3A_432], %add3A_429 {strides = array<i32>} : memref<6400xi32, #tpu.memory_space<vmem>>, vector<16xi32>,
      %get3A_434 = arith.index_cast %scan3A_330 : i32 to index
      %get3A_435 = arith.constant 80 : index
      %get3A_436 = tpu.vector_load %arg9[%get3A_434, %get3A_435] {strides = array<i32>} : memref<50x128xi32, #tpu.memory_space<vmem>>, vector<16xi32>,
      %get3A_437 = arith.constant 80 : index
      %get3A_438 = tpu.vector_load %arg10[%get3A_437] {strides = array<i32>} : memref<128xi32, #tpu.memory_space<vmem>>, vector<16xi32>,
      %mul3A_439 = arith.constant 10000 : i32
      %mul3A_440 = vector.broadcast %mul3A_439 : i32 to vector<16xi32>
      %mul3A_441 = arith.muli %get3A_438, %mul3A_440 : vector<16xi32>
      %add3A_442 = arith.addi %mul3A_441, %get3A_436 : vector<16xi32>
      %add3A_443 = arith.constant 80 : i32
      %add3A_444 = arith.addi %mul3A_333, %add3A_443 : i32
      %swap3A_445 = arith.index_cast %add3A_444 : i32 to index
      %swap3A_446 = tpu.vector_load %arg13[%swap3A_445] {strides = array<i32>} : memref<6400xi32, #tpu.memory_space<vmem>>, vector<16xi32>,
      tpu.vector_store %arg13[%swap3A_445], %add3A_442 {strides = array<i32>} : memref<6400xi32, #tpu.memory_space<vmem>>, vector<16xi32>,
      %add3A_447 = arith.constant 1000000 : i32
      %add3A_448 = vector.broadcast %add3A_447 : i32 to vector<16xi32>
      %add3A_449 = arith.addi %add3A_442, %add3A_448 : vector<16xi32>
      %add3A_450 = arith.constant 80 : i32
      %add3A_451 = arith.addi %mul3A_333, %add3A_450 : i32
      %swap3A_452 = arith.index_cast %add3A_451 : i32 to index
      %swap3A_453 = tpu.vector_load %arg14[%swap3A_452] {strides = array<i32>} : memref<6400xi32, #tpu.memory_space<vmem>>, vector<16xi32>,
      tpu.vector_store %arg14[%swap3A_452], %add3A_449 {strides = array<i32>} : memref<6400xi32, #tpu.memory_space<vmem>>, vector<16xi32>,
      %get3A_454 = arith.index_cast %scan3A_330 : i32 to index
      %get3A_455 = arith.constant 96 : index
      %get3A_456 = tpu.vector_load %arg9[%get3A_454, %get3A_455] {strides = array<i32>} : memref<50x128xi32, #tpu.memory_space<vmem>>, vector<16xi32>,
      %get3A_457 = arith.constant 96 : index
      %get3A_458 = tpu.vector_load %arg10[%get3A_457] {strides = array<i32>} : memref<128xi32, #tpu.memory_space<vmem>>, vector<16xi32>,
      %mul3A_459 = arith.constant 10000 : i32
      %mul3A_460 = vector.broadcast %mul3A_459 : i32 to vector<16xi32>
      %mul3A_461 = arith.muli %get3A_458, %mul3A_460 : vector<16xi32>
      %add3A_462 = arith.addi %mul3A_461, %get3A_456 : vector<16xi32>
      %add3A_463 = arith.constant 96 : i32
      %add3A_464 = arith.addi %mul3A_333, %add3A_463 : i32
      %swap3A_465 = arith.index_cast %add3A_464 : i32 to index
      %swap3A_466 = tpu.vector_load %arg13[%swap3A_465] {strides = array<i32>} : memref<6400xi32, #tpu.memory_space<vmem>>, vector<16xi32>,
      tpu.vector_store %arg13[%swap3A_465], %add3A_462 {strides = array<i32>} : memref<6400xi32, #tpu.memory_space<vmem>>, vector<16xi32>,
      %add3A_467 = arith.constant 1000000 : i32
      %add3A_468 = vector.broadcast %add3A_467 : i32 to vector<16xi32>
      %add3A_469 = arith.addi %add3A_462, %add3A_468 : vector<16xi32>
      %add3A_470 = arith.constant 96 : i32
      %add3A_471 = arith.addi %mul3A_333, %add3A_470 : i32
      %swap3A_472 = arith.index_cast %add3A_471 : i32 to index
      %swap3A_473 = tpu.vector_load %arg14[%swap3A_472] {strides = array<i32>} : memref<6400xi32, #tpu.memory_space<vmem>>, vector<16xi32>,
      tpu.vector_store %arg14[%swap3A_472], %add3A_469 {strides = array<i32>} : memref<6400xi32, #tpu.memory_space<vmem>>, vector<16xi32>,
      %get3A_474 = arith.index_cast %scan3A_330 : i32 to index
      %get3A_475 = arith.constant 112 : index
      %get3A_476 = tpu.vector_load %arg9[%get3A_474, %get3A_475] {strides = array<i32>} : memref<50x128xi32, #tpu.memory_space<vmem>>, vector<16xi32>,
      %get3A_477 = arith.constant 112 : index
      %get3A_478 = tpu.vector_load %arg10[%get3A_477] {strides = array<i32>} : memref<128xi32, #tpu.memory_space<vmem>>, vector<16xi32>,
      %mul3A_479 = arith.constant 10000 : i32
      %mul3A_480 = vector.broadcast %mul3A_479 : i32 to vector<16xi32>
      %mul3A_481 = arith.muli %get3A_478, %mul3A_480 : vector<16xi32>
      %add3A_482 = arith.addi %mul3A_481, %get3A_476 : vector<16xi32>
      %add3A_483 = arith.constant 112 : i32
      %add3A_484 = arith.addi %mul3A_333, %add3A_483 : i32
      %swap3A_485 = arith.index_cast %add3A_484 : i32 to index
      %swap3A_486 = tpu.vector_load %arg13[%swap3A_485] {strides = array<i32>} : memref<6400xi32, #tpu.memory_space<vmem>>, vector<16xi32>,
      tpu.vector_store %arg13[%swap3A_485], %add3A_482 {strides = array<i32>} : memref<6400xi32, #tpu.memory_space<vmem>>, vector<16xi32>,
      %add3A_487 = arith.constant 1000000 : i32
      %add3A_488 = vector.broadcast %add3A_487 : i32 to vector<16xi32>
      %add3A_489 = arith.addi %add3A_482, %add3A_488 : vector<16xi32>
      %add3A_490 = arith.constant 112 : i32
      %add3A_491 = arith.addi %mul3A_333, %add3A_490 : i32
      %swap3A_492 = arith.index_cast %add3A_491 : i32 to index
      %swap3A_493 = tpu.vector_load %arg14[%swap3A_492] {strides = array<i32>} : memref<6400xi32, #tpu.memory_space<vmem>>, vector<16xi32>,
      tpu.vector_store %arg14[%swap3A_492], %add3A_489 {strides = array<i32>} : memref<6400xi32, #tpu.memory_space<vmem>>, vector<16xi32>,
      %scan3A_494 = arith.constant 0 : i32
      scf.yield %scan3A_494 : i32
    }
    %scan3A_28 = arith.constant 10 : i32
    %dma_start3A_29 = arith.constant 0 : i32
    %dma_start3A_30 = tpu.memref_slice %arg15[%dma_start3A_29] : memref<6400xf32, #tpu.memory_space<vmem>> -> memref<1280xf32, #tpu.memory_space<vmem>>
    %dma_start3A_31 = arith.constant 0 : i32
    %dma_start3A_32 = tpu.memref_slice %arg13[%dma_start3A_31] : memref<6400xi32, #tpu.memory_space<vmem>> -> memref<1280xi32, #tpu.memory_space<vmem>>
    %dma_start3A_33 = arith.constant 0 : i32
    %dma_start3A_34 = tpu.memref_slice %arg6[%dma_start3A_33] : memref<2000000xf32, #tpu.memory_space<hbm>> -> memref<2000000xf32, #tpu.memory_space<hbm>>
    tpu.enqueue_indirect_dma source(%dma_start3A_34 : memref<2000000xf32, #tpu.memory_space<hbm>>) target(%dma_start3A_30 : memref<1280xf32, #tpu.memory_space<vmem>>) offsets(%dma_start3A_32 : memref<1280xi32, #tpu.memory_space<vmem>>) semaphore(%arg19 : memref<!tpu.dma_semaphore, #tpu.memory_space<semaphore_mem>>)
    %dma_start3A_35 = arith.constant 0 : i32
    %dma_start3A_36 = tpu.memref_slice %arg16[%dma_start3A_35] : memref<6400xf32, #tpu.memory_space<vmem>> -> memref<1280xf32, #tpu.memory_space<vmem>>
    %dma_start3A_37 = arith.constant 0 : i32
    %dma_start3A_38 = tpu.memref_slice %arg14[%dma_start3A_37] : memref<6400xi32, #tpu.memory_space<vmem>> -> memref<1280xi32, #tpu.memory_space<vmem>>
    %dma_start3A_39 = arith.constant 0 : i32
    %dma_start3A_40 = tpu.memref_slice %arg6[%dma_start3A_39] : memref<2000000xf32, #tpu.memory_space<hbm>> -> memref<2000000xf32, #tpu.memory_space<hbm>>
    tpu.enqueue_indirect_dma source(%dma_start3A_40 : memref<2000000xf32, #tpu.memory_space<hbm>>) target(%dma_start3A_36 : memref<1280xf32, #tpu.memory_space<vmem>>) offsets(%dma_start3A_38 : memref<1280xi32, #tpu.memory_space<vmem>>) semaphore(%arg19 : memref<!tpu.dma_semaphore, #tpu.memory_space<semaphore_mem>>)
    %scan3A_41 = arith.constant 0 : i32
    %scan3A_42 = arith.constant 10 : i32
    %scan3A_43 = arith.constant 10 : i32
    %scan3A_44 = arith.addi %scan3A_42, %scan3A_43 : i32
    %scan3A_45 = arith.constant 1 : i32
    %scan3A_46 = scf.for %scan3A_330 = %scan3A_42 to %scan3A_44 step %scan3A_45 iter_args(%scan3A_331 = %scan3A_41) -> (i32)  : i32 {
      %mul3A_332 = arith.constant 128 : i32
      %mul3A_333 = arith.muli %scan3A_330, %mul3A_332 : i32
      %get3A_334 = arith.index_cast %scan3A_330 : i32 to index
      %get3A_335 = arith.constant 0 : index
      %get3A_336 = tpu.vector_load %arg9[%get3A_334, %get3A_335] {strides = array<i32>} : memref<50x128xi32, #tpu.memory_space<vmem>>, vector<16xi32>,
      %get3A_337 = arith.constant 0 : index
      %get3A_338 = tpu.vector_load %arg10[%get3A_337] {strides = array<i32>} : memref<128xi32, #tpu.memory_space<vmem>>, vector<16xi32>,
      %mul3A_339 = arith.constant 10000 : i32
      %mul3A_340 = vector.broadcast %mul3A_339 : i32 to vector<16xi32>
      %mul3A_341 = arith.muli %get3A_338, %mul3A_340 : vector<16xi32>
      %add3A_342 = arith.addi %mul3A_341, %get3A_336 : vector<16xi32>
      %add3A_343 = arith.constant 0 : i32
      %add3A_344 = arith.addi %mul3A_333, %add3A_343 : i32
      %swap3A_345 = arith.index_cast %add3A_344 : i32 to index
      %swap3A_346 = tpu.vector_load %arg13[%swap3A_345] {strides = array<i32>} : memref<6400xi32, #tpu.memory_space<vmem>>, vector<16xi32>,
      tpu.vector_store %arg13[%swap3A_345], %add3A_342 {strides = array<i32>} : memref<6400xi32, #tpu.memory_space<vmem>>, vector<16xi32>,
      %add3A_347 = arith.constant 1000000 : i32
      %add3A_348 = vector.broadcast %add3A_347 : i32 to vector<16xi32>
      %add3A_349 = arith.addi %add3A_342, %add3A_348 : vector<16xi32>
      %add3A_350 = arith.constant 0 : i32
      %add3A_351 = arith.addi %mul3A_333, %add3A_350 : i32
      %swap3A_352 = arith.index_cast %add3A_351 : i32 to index
      %swap3A_353 = tpu.vector_load %arg14[%swap3A_352] {strides = array<i32>} : memref<6400xi32, #tpu.memory_space<vmem>>, vector<16xi32>,
      tpu.vector_store %arg14[%swap3A_352], %add3A_349 {strides = array<i32>} : memref<6400xi32, #tpu.memory_space<vmem>>, vector<16xi32>,
      %get3A_354 = arith.index_cast %scan3A_330 : i32 to index
      %get3A_355 = arith.constant 16 : index
      %get3A_356 = tpu.vector_load %arg9[%get3A_354, %get3A_355] {strides = array<i32>} : memref<50x128xi32, #tpu.memory_space<vmem>>, vector<16xi32>,
      %get3A_357 = arith.constant 16 : index
      %get3A_358 = tpu.vector_load %arg10[%get3A_357] {strides = array<i32>} : memref<128xi32, #tpu.memory_space<vmem>>, vector<16xi32>,
      %mul3A_359 = arith.constant 10000 : i32
      %mul3A_360 = vector.broadcast %mul3A_359 : i32 to vector<16xi32>
      %mul3A_361 = arith.muli %get3A_358, %mul3A_360 : vector<16xi32>
      %add3A_362 = arith.addi %mul3A_361, %get3A_356 : vector<16xi32>
      %add3A_363 = arith.constant 16 : i32
      %add3A_364 = arith.addi %mul3A_333, %add3A_363 : i32
      %swap3A_365 = arith.index_cast %add3A_364 : i32 to index
      %swap3A_366 = tpu.vector_load %arg13[%swap3A_365] {strides = array<i32>} : memref<6400xi32, #tpu.memory_space<vmem>>, vector<16xi32>,
      tpu.vector_store %arg13[%swap3A_365], %add3A_362 {strides = array<i32>} : memref<6400xi32, #tpu.memory_space<vmem>>, vector<16xi32>,
      %add3A_367 = arith.constant 1000000 : i32
      %add3A_368 = vector.broadcast %add3A_367 : i32 to vector<16xi32>
      %add3A_369 = arith.addi %add3A_362, %add3A_368 : vector<16xi32>
      %add3A_370 = arith.constant 16 : i32
      %add3A_371 = arith.addi %mul3A_333, %add3A_370 : i32
      %swap3A_372 = arith.index_cast %add3A_371 : i32 to index
      %swap3A_373 = tpu.vector_load %arg14[%swap3A_372] {strides = array<i32>} : memref<6400xi32, #tpu.memory_space<vmem>>, vector<16xi32>,
      tpu.vector_store %arg14[%swap3A_372], %add3A_369 {strides = array<i32>} : memref<6400xi32, #tpu.memory_space<vmem>>, vector<16xi32>,
      %get3A_374 = arith.index_cast %scan3A_330 : i32 to index
      %get3A_375 = arith.constant 32 : index
      %get3A_376 = tpu.vector_load %arg9[%get3A_374, %get3A_375] {strides = array<i32>} : memref<50x128xi32, #tpu.memory_space<vmem>>, vector<16xi32>,
      %get3A_377 = arith.constant 32 : index
      %get3A_378 = tpu.vector_load %arg10[%get3A_377] {strides = array<i32>} : memref<128xi32, #tpu.memory_space<vmem>>, vector<16xi32>,
      %mul3A_379 = arith.constant 10000 : i32
      %mul3A_380 = vector.broadcast %mul3A_379 : i32 to vector<16xi32>
      %mul3A_381 = arith.muli %get3A_378, %mul3A_380 : vector<16xi32>
      %add3A_382 = arith.addi %mul3A_381, %get3A_376 : vector<16xi32>
      %add3A_383 = arith.constant 32 : i32
      %add3A_384 = arith.addi %mul3A_333, %add3A_383 : i32
      %swap3A_385 = arith.index_cast %add3A_384 : i32 to index
      %swap3A_386 = tpu.vector_load %arg13[%swap3A_385] {strides = array<i32>} : memref<6400xi32, #tpu.memory_space<vmem>>, vector<16xi32>,
      tpu.vector_store %arg13[%swap3A_385], %add3A_382 {strides = array<i32>} : memref<6400xi32, #tpu.memory_space<vmem>>, vector<16xi32>,
      %add3A_387 = arith.constant 1000000 : i32
      %add3A_388 = vector.broadcast %add3A_387 : i32 to vector<16xi32>
      %add3A_389 = arith.addi %add3A_382, %add3A_388 : vector<16xi32>
      %add3A_390 = arith.constant 32 : i32
      %add3A_391 = arith.addi %mul3A_333, %add3A_390 : i32
      %swap3A_392 = arith.index_cast %add3A_391 : i32 to index
      %swap3A_393 = tpu.vector_load %arg14[%swap3A_392] {strides = array<i32>} : memref<6400xi32, #tpu.memory_space<vmem>>, vector<16xi32>,
      tpu.vector_store %arg14[%swap3A_392], %add3A_389 {strides = array<i32>} : memref<6400xi32, #tpu.memory_space<vmem>>, vector<16xi32>,
      %get3A_394 = arith.index_cast %scan3A_330 : i32 to index
      %get3A_395 = arith.constant 48 : index
      %get3A_396 = tpu.vector_load %arg9[%get3A_394, %get3A_395] {strides = array<i32>} : memref<50x128xi32, #tpu.memory_space<vmem>>, vector<16xi32>,
      %get3A_397 = arith.constant 48 : index
      %get3A_398 = tpu.vector_load %arg10[%get3A_397] {strides = array<i32>} : memref<128xi32, #tpu.memory_space<vmem>>, vector<16xi32>,
      %mul3A_399 = arith.constant 10000 : i32
      %mul3A_400 = vector.broadcast %mul3A_399 : i32 to vector<16xi32>
      %mul3A_401 = arith.muli %get3A_398, %mul3A_400 : vector<16xi32>
      %add3A_402 = arith.addi %mul3A_401, %get3A_396 : vector<16xi32>
      %add3A_403 = arith.constant 48 : i32
      %add3A_404 = arith.addi %mul3A_333, %add3A_403 : i32
      %swap3A_405 = arith.index_cast %add3A_404 : i32 to index
      %swap3A_406 = tpu.vector_load %arg13[%swap3A_405] {strides = array<i32>} : memref<6400xi32, #tpu.memory_space<vmem>>, vector<16xi32>,
      tpu.vector_store %arg13[%swap3A_405], %add3A_402 {strides = array<i32>} : memref<6400xi32, #tpu.memory_space<vmem>>, vector<16xi32>,
      %add3A_407 = arith.constant 1000000 : i32
      %add3A_408 = vector.broadcast %add3A_407 : i32 to vector<16xi32>
      %add3A_409 = arith.addi %add3A_402, %add3A_408 : vector<16xi32>
      %add3A_410 = arith.constant 48 : i32
      %add3A_411 = arith.addi %mul3A_333, %add3A_410 : i32
      %swap3A_412 = arith.index_cast %add3A_411 : i32 to index
      %swap3A_413 = tpu.vector_load %arg14[%swap3A_412] {strides = array<i32>} : memref<6400xi32, #tpu.memory_space<vmem>>, vector<16xi32>,
      tpu.vector_store %arg14[%swap3A_412], %add3A_409 {strides = array<i32>} : memref<6400xi32, #tpu.memory_space<vmem>>, vector<16xi32>,
      %get3A_414 = arith.index_cast %scan3A_330 : i32 to index
      %get3A_415 = arith.constant 64 : index
      %get3A_416 = tpu.vector_load %arg9[%get3A_414, %get3A_415] {strides = array<i32>} : memref<50x128xi32, #tpu.memory_space<vmem>>, vector<16xi32>,
      %get3A_417 = arith.constant 64 : index
      %get3A_418 = tpu.vector_load %arg10[%get3A_417] {strides = array<i32>} : memref<128xi32, #tpu.memory_space<vmem>>, vector<16xi32>,
      %mul3A_419 = arith.constant 10000 : i32
      %mul3A_420 = vector.broadcast %mul3A_419 : i32 to vector<16xi32>
      %mul3A_421 = arith.muli %get3A_418, %mul3A_420 : vector<16xi32>
      %add3A_422 = arith.addi %mul3A_421, %get3A_416 : vector<16xi32>
      %add3A_423 = arith.constant 64 : i32
      %add3A_424 = arith.addi %mul3A_333, %add3A_423 : i32
      %swap3A_425 = arith.index_cast %add3A_424 : i32 to index
      %swap3A_426 = tpu.vector_load %arg13[%swap3A_425] {strides = array<i32>} : memref<6400xi32, #tpu.memory_space<vmem>>, vector<16xi32>,
      tpu.vector_store %arg13[%swap3A_425], %add3A_422 {strides = array<i32>} : memref<6400xi32, #tpu.memory_space<vmem>>, vector<16xi32>,
      %add3A_427 = arith.constant 1000000 : i32
      %add3A_428 = vector.broadcast %add3A_427 : i32 to vector<16xi32>
      %add3A_429 = arith.addi %add3A_422, %add3A_428 : vector<16xi32>
      %add3A_430 = arith.constant 64 : i32
      %add3A_431 = arith.addi %mul3A_333, %add3A_430 : i32
      %swap3A_432 = arith.index_cast %add3A_431 : i32 to index
      %swap3A_433 = tpu.vector_load %arg14[%swap3A_432] {strides = array<i32>} : memref<6400xi32, #tpu.memory_space<vmem>>, vector<16xi32>,
      tpu.vector_store %arg14[%swap3A_432], %add3A_429 {strides = array<i32>} : memref<6400xi32, #tpu.memory_space<vmem>>, vector<16xi32>,
      %get3A_434 = arith.index_cast %scan3A_330 : i32 to index
      %get3A_435 = arith.constant 80 : index
      %get3A_436 = tpu.vector_load %arg9[%get3A_434, %get3A_435] {strides = array<i32>} : memref<50x128xi32, #tpu.memory_space<vmem>>, vector<16xi32>,
      %get3A_437 = arith.constant 80 : index
      %get3A_438 = tpu.vector_load %arg10[%get3A_437] {strides = array<i32>} : memref<128xi32, #tpu.memory_space<vmem>>, vector<16xi32>,
      %mul3A_439 = arith.constant 10000 : i32
      %mul3A_440 = vector.broadcast %mul3A_439 : i32 to vector<16xi32>
      %mul3A_441 = arith.muli %get3A_438, %mul3A_440 : vector<16xi32>
      %add3A_442 = arith.addi %mul3A_441, %get3A_436 : vector<16xi32>
      %add3A_443 = arith.constant 80 : i32
      %add3A_444 = arith.addi %mul3A_333, %add3A_443 : i32
      %swap3A_445 = arith.index_cast %add3A_444 : i32 to index
      %swap3A_446 = tpu.vector_load %arg13[%swap3A_445] {strides = array<i32>} : memref<6400xi32, #tpu.memory_space<vmem>>, vector<16xi32>,
      tpu.vector_store %arg13[%swap3A_445], %add3A_442 {strides = array<i32>} : memref<6400xi32, #tpu.memory_space<vmem>>, vector<16xi32>,
      %add3A_447 = arith.constant 1000000 : i32
      %add3A_448 = vector.broadcast %add3A_447 : i32 to vector<16xi32>
      %add3A_449 = arith.addi %add3A_442, %add3A_448 : vector<16xi32>
      %add3A_450 = arith.constant 80 : i32
      %add3A_451 = arith.addi %mul3A_333, %add3A_450 : i32
      %swap3A_452 = arith.index_cast %add3A_451 : i32 to index
      %swap3A_453 = tpu.vector_load %arg14[%swap3A_452] {strides = array<i32>} : memref<6400xi32, #tpu.memory_space<vmem>>, vector<16xi32>,
      tpu.vector_store %arg14[%swap3A_452], %add3A_449 {strides = array<i32>} : memref<6400xi32, #tpu.memory_space<vmem>>, vector<16xi32>,
      %get3A_454 = arith.index_cast %scan3A_330 : i32 to index
      %get3A_455 = arith.constant 96 : index
      %get3A_456 = tpu.vector_load %arg9[%get3A_454, %get3A_455] {strides = array<i32>} : memref<50x128xi32, #tpu.memory_space<vmem>>, vector<16xi32>,
      %get3A_457 = arith.constant 96 : index
      %get3A_458 = tpu.vector_load %arg10[%get3A_457] {strides = array<i32>} : memref<128xi32, #tpu.memory_space<vmem>>, vector<16xi32>,
      %mul3A_459 = arith.constant 10000 : i32
      %mul3A_460 = vector.broadcast %mul3A_459 : i32 to vector<16xi32>
      %mul3A_461 = arith.muli %get3A_458, %mul3A_460 : vector<16xi32>
      %add3A_462 = arith.addi %mul3A_461, %get3A_456 : vector<16xi32>
      %add3A_463 = arith.constant 96 : i32
      %add3A_464 = arith.addi %mul3A_333, %add3A_463 : i32
      %swap3A_465 = arith.index_cast %add3A_464 : i32 to index
      %swap3A_466 = tpu.vector_load %arg13[%swap3A_465] {strides = array<i32>} : memref<6400xi32, #tpu.memory_space<vmem>>, vector<16xi32>,
      tpu.vector_store %arg13[%swap3A_465], %add3A_462 {strides = array<i32>} : memref<6400xi32, #tpu.memory_space<vmem>>, vector<16xi32>,
      %add3A_467 = arith.constant 1000000 : i32
      %add3A_468 = vector.broadcast %add3A_467 : i32 to vector<16xi32>
      %add3A_469 = arith.addi %add3A_462, %add3A_468 : vector<16xi32>
      %add3A_470 = arith.constant 96 : i32
      %add3A_471 = arith.addi %mul3A_333, %add3A_470 : i32
      %swap3A_472 = arith.index_cast %add3A_471 : i32 to index
      %swap3A_473 = tpu.vector_load %arg14[%swap3A_472] {strides = array<i32>} : memref<6400xi32, #tpu.memory_space<vmem>>, vector<16xi32>,
      tpu.vector_store %arg14[%swap3A_472], %add3A_469 {strides = array<i32>} : memref<6400xi32, #tpu.memory_space<vmem>>, vector<16xi32>,
      %get3A_474 = arith.index_cast %scan3A_330 : i32 to index
      %get3A_475 = arith.constant 112 : index
      %get3A_476 = tpu.vector_load %arg9[%get3A_474, %get3A_475] {strides = array<i32>} : memref<50x128xi32, #tpu.memory_space<vmem>>, vector<16xi32>,
      %get3A_477 = arith.constant 112 : index
      %get3A_478 = tpu.vector_load %arg10[%get3A_477] {strides = array<i32>} : memref<128xi32, #tpu.memory_space<vmem>>, vector<16xi32>,
      %mul3A_479 = arith.constant 10000 : i32
      %mul3A_480 = vector.broadcast %mul3A_479 : i32 to vector<16xi32>
      %mul3A_481 = arith.muli %get3A_478, %mul3A_480 : vector<16xi32>
      %add3A_482 = arith.addi %mul3A_481, %get3A_476 : vector<16xi32>
      %add3A_483 = arith.constant 112 : i32
      %add3A_484 = arith.addi %mul3A_333, %add3A_483 : i32
      %swap3A_485 = arith.index_cast %add3A_484 : i32 to index
      %swap3A_486 = tpu.vector_load %arg13[%swap3A_485] {strides = array<i32>} : memref<6400xi32, #tpu.memory_space<vmem>>, vector<16xi32>,
      tpu.vector_store %arg13[%swap3A_485], %add3A_482 {strides = array<i32>} : memref<6400xi32, #tpu.memory_space<vmem>>, vector<16xi32>,
      %add3A_487 = arith.constant 1000000 : i32
      %add3A_488 = vector.broadcast %add3A_487 : i32 to vector<16xi32>
      %add3A_489 = arith.addi %add3A_482, %add3A_488 : vector<16xi32>
      %add3A_490 = arith.constant 112 : i32
      %add3A_491 = arith.addi %mul3A_333, %add3A_490 : i32
      %swap3A_492 = arith.index_cast %add3A_491 : i32 to index
      %swap3A_493 = tpu.vector_load %arg14[%swap3A_492] {strides = array<i32>} : memref<6400xi32, #tpu.memory_space<vmem>>, vector<16xi32>,
      tpu.vector_store %arg14[%swap3A_492], %add3A_489 {strides = array<i32>} : memref<6400xi32, #tpu.memory_space<vmem>>, vector<16xi32>,
      %scan3A_494 = arith.constant 0 : i32
      scf.yield %scan3A_494 : i32
    }
    %scan3A_47 = arith.constant 10 : i32
    %dma_start3A_48 = arith.constant 1280 : i32
    %dma_start3A_49 = tpu.memref_slice %arg15[%dma_start3A_48] : memref<6400xf32, #tpu.memory_space<vmem>> -> memref<1280xf32, #tpu.memory_space<vmem>>
    %dma_start3A_50 = arith.constant 1280 : i32
    %dma_start3A_51 = tpu.memref_slice %arg13[%dma_start3A_50] : memref<6400xi32, #tpu.memory_space<vmem>> -> memref<1280xi32, #tpu.memory_space<vmem>>
    %dma_start3A_52 = arith.constant 0 : i32
    %dma_start3A_53 = tpu.memref_slice %arg6[%dma_start3A_52] : memref<2000000xf32, #tpu.memory_space<hbm>> -> memref<2000000xf32, #tpu.memory_space<hbm>>
    tpu.enqueue_indirect_dma source(%dma_start3A_53 : memref<2000000xf32, #tpu.memory_space<hbm>>) target(%dma_start3A_49 : memref<1280xf32, #tpu.memory_space<vmem>>) offsets(%dma_start3A_51 : memref<1280xi32, #tpu.memory_space<vmem>>) semaphore(%arg19 : memref<!tpu.dma_semaphore, #tpu.memory_space<semaphore_mem>>)
    %dma_start3A_54 = arith.constant 1280 : i32
    %dma_start3A_55 = tpu.memref_slice %arg16[%dma_start3A_54] : memref<6400xf32, #tpu.memory_space<vmem>> -> memref<1280xf32, #tpu.memory_space<vmem>>
    %dma_start3A_56 = arith.constant 1280 : i32
    %dma_start3A_57 = tpu.memref_slice %arg14[%dma_start3A_56] : memref<6400xi32, #tpu.memory_space<vmem>> -> memref<1280xi32, #tpu.memory_space<vmem>>
    %dma_start3A_58 = arith.constant 0 : i32
    %dma_start3A_59 = tpu.memref_slice %arg6[%dma_start3A_58] : memref<2000000xf32, #tpu.memory_space<hbm>> -> memref<2000000xf32, #tpu.memory_space<hbm>>
    tpu.enqueue_indirect_dma source(%dma_start3A_59 : memref<2000000xf32, #tpu.memory_space<hbm>>) target(%dma_start3A_55 : memref<1280xf32, #tpu.memory_space<vmem>>) offsets(%dma_start3A_57 : memref<1280xi32, #tpu.memory_space<vmem>>) semaphore(%arg19 : memref<!tpu.dma_semaphore, #tpu.memory_space<semaphore_mem>>)
    %scan3A_60 = arith.constant 0 : i32
    %scan3A_61 = arith.constant 20 : i32
    %scan3A_62 = arith.constant 10 : i32
    %scan3A_63 = arith.addi %scan3A_61, %scan3A_62 : i32
    %scan3A_64 = arith.constant 1 : i32
    %scan3A_65 = scf.for %scan3A_330 = %scan3A_61 to %scan3A_63 step %scan3A_64 iter_args(%scan3A_331 = %scan3A_60) -> (i32)  : i32 {
      %mul3A_332 = arith.constant 128 : i32
      %mul3A_333 = arith.muli %scan3A_330, %mul3A_332 : i32
      %get3A_334 = arith.index_cast %scan3A_330 : i32 to index
      %get3A_335 = arith.constant 0 : index
      %get3A_336 = tpu.vector_load %arg9[%get3A_334, %get3A_335] {strides = array<i32>} : memref<50x128xi32, #tpu.memory_space<vmem>>, vector<16xi32>,
      %get3A_337 = arith.constant 0 : index
      %get3A_338 = tpu.vector_load %arg10[%get3A_337] {strides = array<i32>} : memref<128xi32, #tpu.memory_space<vmem>>, vector<16xi32>,
      %mul3A_339 = arith.constant 10000 : i32
      %mul3A_340 = vector.broadcast %mul3A_339 : i32 to vector<16xi32>
      %mul3A_341 = arith.muli %get3A_338, %mul3A_340 : vector<16xi32>
      %add3A_342 = arith.addi %mul3A_341, %get3A_336 : vector<16xi32>
      %add3A_343 = arith.constant 0 : i32
      %add3A_344 = arith.addi %mul3A_333, %add3A_343 : i32
      %swap3A_345 = arith.index_cast %add3A_344 : i32 to index
      %swap3A_346 = tpu.vector_load %arg13[%swap3A_345] {strides = array<i32>} : memref<6400xi32, #tpu.memory_space<vmem>>, vector<16xi32>,
      tpu.vector_store %arg13[%swap3A_345], %add3A_342 {strides = array<i32>} : memref<6400xi32, #tpu.memory_space<vmem>>, vector<16xi32>,
      %add3A_347 = arith.constant 1000000 : i32
      %add3A_348 = vector.broadcast %add3A_347 : i32 to vector<16xi32>
      %add3A_349 = arith.addi %add3A_342, %add3A_348 : vector<16xi32>
      %add3A_350 = arith.constant 0 : i32
      %add3A_351 = arith.addi %mul3A_333, %add3A_350 : i32
      %swap3A_352 = arith.index_cast %add3A_351 : i32 to index
      %swap3A_353 = tpu.vector_load %arg14[%swap3A_352] {strides = array<i32>} : memref<6400xi32, #tpu.memory_space<vmem>>, vector<16xi32>,
      tpu.vector_store %arg14[%swap3A_352], %add3A_349 {strides = array<i32>} : memref<6400xi32, #tpu.memory_space<vmem>>, vector<16xi32>,
      %get3A_354 = arith.index_cast %scan3A_330 : i32 to index
      %get3A_355 = arith.constant 16 : index
      %get3A_356 = tpu.vector_load %arg9[%get3A_354, %get3A_355] {strides = array<i32>} : memref<50x128xi32, #tpu.memory_space<vmem>>, vector<16xi32>,
      %get3A_357 = arith.constant 16 : index
      %get3A_358 = tpu.vector_load %arg10[%get3A_357] {strides = array<i32>} : memref<128xi32, #tpu.memory_space<vmem>>, vector<16xi32>,
      %mul3A_359 = arith.constant 10000 : i32
      %mul3A_360 = vector.broadcast %mul3A_359 : i32 to vector<16xi32>
      %mul3A_361 = arith.muli %get3A_358, %mul3A_360 : vector<16xi32>
      %add3A_362 = arith.addi %mul3A_361, %get3A_356 : vector<16xi32>
      %add3A_363 = arith.constant 16 : i32
      %add3A_364 = arith.addi %mul3A_333, %add3A_363 : i32
      %swap3A_365 = arith.index_cast %add3A_364 : i32 to index
      %swap3A_366 = tpu.vector_load %arg13[%swap3A_365] {strides = array<i32>} : memref<6400xi32, #tpu.memory_space<vmem>>, vector<16xi32>,
      tpu.vector_store %arg13[%swap3A_365], %add3A_362 {strides = array<i32>} : memref<6400xi32, #tpu.memory_space<vmem>>, vector<16xi32>,
      %add3A_367 = arith.constant 1000000 : i32
      %add3A_368 = vector.broadcast %add3A_367 : i32 to vector<16xi32>
      %add3A_369 = arith.addi %add3A_362, %add3A_368 : vector<16xi32>
      %add3A_370 = arith.constant 16 : i32
      %add3A_371 = arith.addi %mul3A_333, %add3A_370 : i32
      %swap3A_372 = arith.index_cast %add3A_371 : i32 to index
      %swap3A_373 = tpu.vector_load %arg14[%swap3A_372] {strides = array<i32>} : memref<6400xi32, #tpu.memory_space<vmem>>, vector<16xi32>,
      tpu.vector_store %arg14[%swap3A_372], %add3A_369 {strides = array<i32>} : memref<6400xi32, #tpu.memory_space<vmem>>, vector<16xi32>,
      %get3A_374 = arith.index_cast %scan3A_330 : i32 to index
      %get3A_375 = arith.constant 32 : index
      %get3A_376 = tpu.vector_load %arg9[%get3A_374, %get3A_375] {strides = array<i32>} : memref<50x128xi32, #tpu.memory_space<vmem>>, vector<16xi32>,
      %get3A_377 = arith.constant 32 : index
      %get3A_378 = tpu.vector_load %arg10[%get3A_377] {strides = array<i32>} : memref<128xi32, #tpu.memory_space<vmem>>, vector<16xi32>,
      %mul3A_379 = arith.constant 10000 : i32
      %mul3A_380 = vector.broadcast %mul3A_379 : i32 to vector<16xi32>
      %mul3A_381 = arith.muli %get3A_378, %mul3A_380 : vector<16xi32>
      %add3A_382 = arith.addi %mul3A_381, %get3A_376 : vector<16xi32>
      %add3A_383 = arith.constant 32 : i32
      %add3A_384 = arith.addi %mul3A_333, %add3A_383 : i32
      %swap3A_385 = arith.index_cast %add3A_384 : i32 to index
      %swap3A_386 = tpu.vector_load %arg13[%swap3A_385] {strides = array<i32>} : memref<6400xi32, #tpu.memory_space<vmem>>, vector<16xi32>,
      tpu.vector_store %arg13[%swap3A_385], %add3A_382 {strides = array<i32>} : memref<6400xi32, #tpu.memory_space<vmem>>, vector<16xi32>,
      %add3A_387 = arith.constant 1000000 : i32
      %add3A_388 = vector.broadcast %add3A_387 : i32 to vector<16xi32>
      %add3A_389 = arith.addi %add3A_382, %add3A_388 : vector<16xi32>
      %add3A_390 = arith.constant 32 : i32
      %add3A_391 = arith.addi %mul3A_333, %add3A_390 : i32
      %swap3A_392 = arith.index_cast %add3A_391 : i32 to index
      %swap3A_393 = tpu.vector_load %arg14[%swap3A_392] {strides = array<i32>} : memref<6400xi32, #tpu.memory_space<vmem>>, vector<16xi32>,
      tpu.vector_store %arg14[%swap3A_392], %add3A_389 {strides = array<i32>} : memref<6400xi32, #tpu.memory_space<vmem>>, vector<16xi32>,
      %get3A_394 = arith.index_cast %scan3A_330 : i32 to index
      %get3A_395 = arith.constant 48 : index
      %get3A_396 = tpu.vector_load %arg9[%get3A_394, %get3A_395] {strides = array<i32>} : memref<50x128xi32, #tpu.memory_space<vmem>>, vector<16xi32>,
      %get3A_397 = arith.constant 48 : index
      %get3A_398 = tpu.vector_load %arg10[%get3A_397] {strides = array<i32>} : memref<128xi32, #tpu.memory_space<vmem>>, vector<16xi32>,
      %mul3A_399 = arith.constant 10000 : i32
      %mul3A_400 = vector.broadcast %mul3A_399 : i32 to vector<16xi32>
      %mul3A_401 = arith.muli %get3A_398, %mul3A_400 : vector<16xi32>
      %add3A_402 = arith.addi %mul3A_401, %get3A_396 : vector<16xi32>
      %add3A_403 = arith.constant 48 : i32
      %add3A_404 = arith.addi %mul3A_333, %add3A_403 : i32
      %swap3A_405 = arith.index_cast %add3A_404 : i32 to index
      %swap3A_406 = tpu.vector_load %arg13[%swap3A_405] {strides = array<i32>} : memref<6400xi32, #tpu.memory_space<vmem>>, vector<16xi32>,
      tpu.vector_store %arg13[%swap3A_405], %add3A_402 {strides = array<i32>} : memref<6400xi32, #tpu.memory_space<vmem>>, vector<16xi32>,
      %add3A_407 = arith.constant 1000000 : i32
      %add3A_408 = vector.broadcast %add3A_407 : i32 to vector<16xi32>
      %add3A_409 = arith.addi %add3A_402, %add3A_408 : vector<16xi32>
      %add3A_410 = arith.constant 48 : i32
      %add3A_411 = arith.addi %mul3A_333, %add3A_410 : i32
      %swap3A_412 = arith.index_cast %add3A_411 : i32 to index
      %swap3A_413 = tpu.vector_load %arg14[%swap3A_412] {strides = array<i32>} : memref<6400xi32, #tpu.memory_space<vmem>>, vector<16xi32>,
      tpu.vector_store %arg14[%swap3A_412], %add3A_409 {strides = array<i32>} : memref<6400xi32, #tpu.memory_space<vmem>>, vector<16xi32>,
      %get3A_414 = arith.index_cast %scan3A_330 : i32 to index
      %get3A_415 = arith.constant 64 : index
      %get3A_416 = tpu.vector_load %arg9[%get3A_414, %get3A_415] {strides = array<i32>} : memref<50x128xi32, #tpu.memory_space<vmem>>, vector<16xi32>,
      %get3A_417 = arith.constant 64 : index
      %get3A_418 = tpu.vector_load %arg10[%get3A_417] {strides = array<i32>} : memref<128xi32, #tpu.memory_space<vmem>>, vector<16xi32>,
      %mul3A_419 = arith.constant 10000 : i32
      %mul3A_420 = vector.broadcast %mul3A_419 : i32 to vector<16xi32>
      %mul3A_421 = arith.muli %get3A_418, %mul3A_420 : vector<16xi32>
      %add3A_422 = arith.addi %mul3A_421, %get3A_416 : vector<16xi32>
      %add3A_423 = arith.constant 64 : i32
      %add3A_424 = arith.addi %mul3A_333, %add3A_423 : i32
      %swap3A_425 = arith.index_cast %add3A_424 : i32 to index
      %swap3A_426 = tpu.vector_load %arg13[%swap3A_425] {strides = array<i32>} : memref<6400xi32, #tpu.memory_space<vmem>>, vector<16xi32>,
      tpu.vector_store %arg13[%swap3A_425], %add3A_422 {strides = array<i32>} : memref<6400xi32, #tpu.memory_space<vmem>>, vector<16xi32>,
      %add3A_427 = arith.constant 1000000 : i32
      %add3A_428 = vector.broadcast %add3A_427 : i32 to vector<16xi32>
      %add3A_429 = arith.addi %add3A_422, %add3A_428 : vector<16xi32>
      %add3A_430 = arith.constant 64 : i32
      %add3A_431 = arith.addi %mul3A_333, %add3A_430 : i32
      %swap3A_432 = arith.index_cast %add3A_431 : i32 to index
      %swap3A_433 = tpu.vector_load %arg14[%swap3A_432] {strides = array<i32>} : memref<6400xi32, #tpu.memory_space<vmem>>, vector<16xi32>,
      tpu.vector_store %arg14[%swap3A_432], %add3A_429 {strides = array<i32>} : memref<6400xi32, #tpu.memory_space<vmem>>, vector<16xi32>,
      %get3A_434 = arith.index_cast %scan3A_330 : i32 to index
      %get3A_435 = arith.constant 80 : index
      %get3A_436 = tpu.vector_load %arg9[%get3A_434, %get3A_435] {strides = array<i32>} : memref<50x128xi32, #tpu.memory_space<vmem>>, vector<16xi32>,
      %get3A_437 = arith.constant 80 : index
      %get3A_438 = tpu.vector_load %arg10[%get3A_437] {strides = array<i32>} : memref<128xi32, #tpu.memory_space<vmem>>, vector<16xi32>,
      %mul3A_439 = arith.constant 10000 : i32
      %mul3A_440 = vector.broadcast %mul3A_439 : i32 to vector<16xi32>
      %mul3A_441 = arith.muli %get3A_438, %mul3A_440 : vector<16xi32>
      %add3A_442 = arith.addi %mul3A_441, %get3A_436 : vector<16xi32>
      %add3A_443 = arith.constant 80 : i32
      %add3A_444 = arith.addi %mul3A_333, %add3A_443 : i32
      %swap3A_445 = arith.index_cast %add3A_444 : i32 to index
      %swap3A_446 = tpu.vector_load %arg13[%swap3A_445] {strides = array<i32>} : memref<6400xi32, #tpu.memory_space<vmem>>, vector<16xi32>,
      tpu.vector_store %arg13[%swap3A_445], %add3A_442 {strides = array<i32>} : memref<6400xi32, #tpu.memory_space<vmem>>, vector<16xi32>,
      %add3A_447 = arith.constant 1000000 : i32
      %add3A_448 = vector.broadcast %add3A_447 : i32 to vector<16xi32>
      %add3A_449 = arith.addi %add3A_442, %add3A_448 : vector<16xi32>
      %add3A_450 = arith.constant 80 : i32
      %add3A_451 = arith.addi %mul3A_333, %add3A_450 : i32
      %swap3A_452 = arith.index_cast %add3A_451 : i32 to index
      %swap3A_453 = tpu.vector_load %arg14[%swap3A_452] {strides = array<i32>} : memref<6400xi32, #tpu.memory_space<vmem>>, vector<16xi32>,
      tpu.vector_store %arg14[%swap3A_452], %add3A_449 {strides = array<i32>} : memref<6400xi32, #tpu.memory_space<vmem>>, vector<16xi32>,
      %get3A_454 = arith.index_cast %scan3A_330 : i32 to index
      %get3A_455 = arith.constant 96 : index
      %get3A_456 = tpu.vector_load %arg9[%get3A_454, %get3A_455] {strides = array<i32>} : memref<50x128xi32, #tpu.memory_space<vmem>>, vector<16xi32>,
      %get3A_457 = arith.constant 96 : index
      %get3A_458 = tpu.vector_load %arg10[%get3A_457] {strides = array<i32>} : memref<128xi32, #tpu.memory_space<vmem>>, vector<16xi32>,
      %mul3A_459 = arith.constant 10000 : i32
      %mul3A_460 = vector.broadcast %mul3A_459 : i32 to vector<16xi32>
      %mul3A_461 = arith.muli %get3A_458, %mul3A_460 : vector<16xi32>
      %add3A_462 = arith.addi %mul3A_461, %get3A_456 : vector<16xi32>
      %add3A_463 = arith.constant 96 : i32
      %add3A_464 = arith.addi %mul3A_333, %add3A_463 : i32
      %swap3A_465 = arith.index_cast %add3A_464 : i32 to index
      %swap3A_466 = tpu.vector_load %arg13[%swap3A_465] {strides = array<i32>} : memref<6400xi32, #tpu.memory_space<vmem>>, vector<16xi32>,
      tpu.vector_store %arg13[%swap3A_465], %add3A_462 {strides = array<i32>} : memref<6400xi32, #tpu.memory_space<vmem>>, vector<16xi32>,
      %add3A_467 = arith.constant 1000000 : i32
      %add3A_468 = vector.broadcast %add3A_467 : i32 to vector<16xi32>
      %add3A_469 = arith.addi %add3A_462, %add3A_468 : vector<16xi32>
      %add3A_470 = arith.constant 96 : i32
      %add3A_471 = arith.addi %mul3A_333, %add3A_470 : i32
      %swap3A_472 = arith.index_cast %add3A_471 : i32 to index
      %swap3A_473 = tpu.vector_load %arg14[%swap3A_472] {strides = array<i32>} : memref<6400xi32, #tpu.memory_space<vmem>>, vector<16xi32>,
      tpu.vector_store %arg14[%swap3A_472], %add3A_469 {strides = array<i32>} : memref<6400xi32, #tpu.memory_space<vmem>>, vector<16xi32>,
      %get3A_474 = arith.index_cast %scan3A_330 : i32 to index
      %get3A_475 = arith.constant 112 : index
      %get3A_476 = tpu.vector_load %arg9[%get3A_474, %get3A_475] {strides = array<i32>} : memref<50x128xi32, #tpu.memory_space<vmem>>, vector<16xi32>,
      %get3A_477 = arith.constant 112 : index
      %get3A_478 = tpu.vector_load %arg10[%get3A_477] {strides = array<i32>} : memref<128xi32, #tpu.memory_space<vmem>>, vector<16xi32>,
      %mul3A_479 = arith.constant 10000 : i32
      %mul3A_480 = vector.broadcast %mul3A_479 : i32 to vector<16xi32>
      %mul3A_481 = arith.muli %get3A_478, %mul3A_480 : vector<16xi32>
      %add3A_482 = arith.addi %mul3A_481, %get3A_476 : vector<16xi32>
      %add3A_483 = arith.constant 112 : i32
      %add3A_484 = arith.addi %mul3A_333, %add3A_483 : i32
      %swap3A_485 = arith.index_cast %add3A_484 : i32 to index
      %swap3A_486 = tpu.vector_load %arg13[%swap3A_485] {strides = array<i32>} : memref<6400xi32, #tpu.memory_space<vmem>>, vector<16xi32>,
      tpu.vector_store %arg13[%swap3A_485], %add3A_482 {strides = array<i32>} : memref<6400xi32, #tpu.memory_space<vmem>>, vector<16xi32>,
      %add3A_487 = arith.constant 1000000 : i32
      %add3A_488 = vector.broadcast %add3A_487 : i32 to vector<16xi32>
      %add3A_489 = arith.addi %add3A_482, %add3A_488 : vector<16xi32>
      %add3A_490 = arith.constant 112 : i32
      %add3A_491 = arith.addi %mul3A_333, %add3A_490 : i32
      %swap3A_492 = arith.index_cast %add3A_491 : i32 to index
      %swap3A_493 = tpu.vector_load %arg14[%swap3A_492] {strides = array<i32>} : memref<6400xi32, #tpu.memory_space<vmem>>, vector<16xi32>,
      tpu.vector_store %arg14[%swap3A_492], %add3A_489 {strides = array<i32>} : memref<6400xi32, #tpu.memory_space<vmem>>, vector<16xi32>,
      %scan3A_494 = arith.constant 0 : i32
      scf.yield %scan3A_494 : i32
    }
    %scan3A_66 = arith.constant 10 : i32
    %dma_start3A_67 = arith.constant 2560 : i32
    %dma_start3A_68 = tpu.memref_slice %arg15[%dma_start3A_67] : memref<6400xf32, #tpu.memory_space<vmem>> -> memref<1280xf32, #tpu.memory_space<vmem>>
    %dma_start3A_69 = arith.constant 2560 : i32
    %dma_start3A_70 = tpu.memref_slice %arg13[%dma_start3A_69] : memref<6400xi32, #tpu.memory_space<vmem>> -> memref<1280xi32, #tpu.memory_space<vmem>>
    %dma_start3A_71 = arith.constant 0 : i32
    %dma_start3A_72 = tpu.memref_slice %arg6[%dma_start3A_71] : memref<2000000xf32, #tpu.memory_space<hbm>> -> memref<2000000xf32, #tpu.memory_space<hbm>>
    tpu.enqueue_indirect_dma source(%dma_start3A_72 : memref<2000000xf32, #tpu.memory_space<hbm>>) target(%dma_start3A_68 : memref<1280xf32, #tpu.memory_space<vmem>>) offsets(%dma_start3A_70 : memref<1280xi32, #tpu.memory_space<vmem>>) semaphore(%arg19 : memref<!tpu.dma_semaphore, #tpu.memory_space<semaphore_mem>>)
    %dma_start3A_73 = arith.constant 2560 : i32
    %dma_start3A_74 = tpu.memref_slice %arg16[%dma_start3A_73] : memref<6400xf32, #tpu.memory_space<vmem>> -> memref<1280xf32, #tpu.memory_space<vmem>>
    %dma_start3A_75 = arith.constant 2560 : i32
    %dma_start3A_76 = tpu.memref_slice %arg14[%dma_start3A_75] : memref<6400xi32, #tpu.memory_space<vmem>> -> memref<1280xi32, #tpu.memory_space<vmem>>
    %dma_start3A_77 = arith.constant 0 : i32
    %dma_start3A_78 = tpu.memref_slice %arg6[%dma_start3A_77] : memref<2000000xf32, #tpu.memory_space<hbm>> -> memref<2000000xf32, #tpu.memory_space<hbm>>
    tpu.enqueue_indirect_dma source(%dma_start3A_78 : memref<2000000xf32, #tpu.memory_space<hbm>>) target(%dma_start3A_74 : memref<1280xf32, #tpu.memory_space<vmem>>) offsets(%dma_start3A_76 : memref<1280xi32, #tpu.memory_space<vmem>>) semaphore(%arg19 : memref<!tpu.dma_semaphore, #tpu.memory_space<semaphore_mem>>)
    %scan3A_79 = arith.constant 0 : i32
    %scan3A_80 = arith.constant 30 : i32
    %scan3A_81 = arith.constant 10 : i32
    %scan3A_82 = arith.addi %scan3A_80, %scan3A_81 : i32
    %scan3A_83 = arith.constant 1 : i32
    %scan3A_84 = scf.for %scan3A_330 = %scan3A_80 to %scan3A_82 step %scan3A_83 iter_args(%scan3A_331 = %scan3A_79) -> (i32)  : i32 {
      %mul3A_332 = arith.constant 128 : i32
      %mul3A_333 = arith.muli %scan3A_330, %mul3A_332 : i32
      %get3A_334 = arith.index_cast %scan3A_330 : i32 to index
      %get3A_335 = arith.constant 0 : index
      %get3A_336 = tpu.vector_load %arg9[%get3A_334, %get3A_335] {strides = array<i32>} : memref<50x128xi32, #tpu.memory_space<vmem>>, vector<16xi32>,
      %get3A_337 = arith.constant 0 : index
      %get3A_338 = tpu.vector_load %arg10[%get3A_337] {strides = array<i32>} : memref<128xi32, #tpu.memory_space<vmem>>, vector<16xi32>,
      %mul3A_339 = arith.constant 10000 : i32
      %mul3A_340 = vector.broadcast %mul3A_339 : i32 to vector<16xi32>
      %mul3A_341 = arith.muli %get3A_338, %mul3A_340 : vector<16xi32>
      %add3A_342 = arith.addi %mul3A_341, %get3A_336 : vector<16xi32>
      %add3A_343 = arith.constant 0 : i32
      %add3A_344 = arith.addi %mul3A_333, %add3A_343 : i32
      %swap3A_345 = arith.index_cast %add3A_344 : i32 to index
      %swap3A_346 = tpu.vector_load %arg13[%swap3A_345] {strides = array<i32>} : memref<6400xi32, #tpu.memory_space<vmem>>, vector<16xi32>,
      tpu.vector_store %arg13[%swap3A_345], %add3A_342 {strides = array<i32>} : memref<6400xi32, #tpu.memory_space<vmem>>, vector<16xi32>,
      %add3A_347 = arith.constant 1000000 : i32
      %add3A_348 = vector.broadcast %add3A_347 : i32 to vector<16xi32>
      %add3A_349 = arith.addi %add3A_342, %add3A_348 : vector<16xi32>
      %add3A_350 = arith.constant 0 : i32
      %add3A_351 = arith.addi %mul3A_333, %add3A_350 : i32
      %swap3A_352 = arith.index_cast %add3A_351 : i32 to index
      %swap3A_353 = tpu.vector_load %arg14[%swap3A_352] {strides = array<i32>} : memref<6400xi32, #tpu.memory_space<vmem>>, vector<16xi32>,
      tpu.vector_store %arg14[%swap3A_352], %add3A_349 {strides = array<i32>} : memref<6400xi32, #tpu.memory_space<vmem>>, vector<16xi32>,
      %get3A_354 = arith.index_cast %scan3A_330 : i32 to index
      %get3A_355 = arith.constant 16 : index
      %get3A_356 = tpu.vector_load %arg9[%get3A_354, %get3A_355] {strides = array<i32>} : memref<50x128xi32, #tpu.memory_space<vmem>>, vector<16xi32>,
      %get3A_357 = arith.constant 16 : index
      %get3A_358 = tpu.vector_load %arg10[%get3A_357] {strides = array<i32>} : memref<128xi32, #tpu.memory_space<vmem>>, vector<16xi32>,
      %mul3A_359 = arith.constant 10000 : i32
      %mul3A_360 = vector.broadcast %mul3A_359 : i32 to vector<16xi32>
      %mul3A_361 = arith.muli %get3A_358, %mul3A_360 : vector<16xi32>
      %add3A_362 = arith.addi %mul3A_361, %get3A_356 : vector<16xi32>
      %add3A_363 = arith.constant 16 : i32
      %add3A_364 = arith.addi %mul3A_333, %add3A_363 : i32
      %swap3A_365 = arith.index_cast %add3A_364 : i32 to index
      %swap3A_366 = tpu.vector_load %arg13[%swap3A_365] {strides = array<i32>} : memref<6400xi32, #tpu.memory_space<vmem>>, vector<16xi32>,
      tpu.vector_store %arg13[%swap3A_365], %add3A_362 {strides = array<i32>} : memref<6400xi32, #tpu.memory_space<vmem>>, vector<16xi32>,
      %add3A_367 = arith.constant 1000000 : i32
      %add3A_368 = vector.broadcast %add3A_367 : i32 to vector<16xi32>
      %add3A_369 = arith.addi %add3A_362, %add3A_368 : vector<16xi32>
      %add3A_370 = arith.constant 16 : i32
      %add3A_371 = arith.addi %mul3A_333, %add3A_370 : i32
      %swap3A_372 = arith.index_cast %add3A_371 : i32 to index
      %swap3A_373 = tpu.vector_load %arg14[%swap3A_372] {strides = array<i32>} : memref<6400xi32, #tpu.memory_space<vmem>>, vector<16xi32>,
      tpu.vector_store %arg14[%swap3A_372], %add3A_369 {strides = array<i32>} : memref<6400xi32, #tpu.memory_space<vmem>>, vector<16xi32>,
      %get3A_374 = arith.index_cast %scan3A_330 : i32 to index
      %get3A_375 = arith.constant 32 : index
      %get3A_376 = tpu.vector_load %arg9[%get3A_374, %get3A_375] {strides = array<i32>} : memref<50x128xi32, #tpu.memory_space<vmem>>, vector<16xi32>,
      %get3A_377 = arith.constant 32 : index
      %get3A_378 = tpu.vector_load %arg10[%get3A_377] {strides = array<i32>} : memref<128xi32, #tpu.memory_space<vmem>>, vector<16xi32>,
      %mul3A_379 = arith.constant 10000 : i32
      %mul3A_380 = vector.broadcast %mul3A_379 : i32 to vector<16xi32>
      %mul3A_381 = arith.muli %get3A_378, %mul3A_380 : vector<16xi32>
      %add3A_382 = arith.addi %mul3A_381, %get3A_376 : vector<16xi32>
      %add3A_383 = arith.constant 32 : i32
      %add3A_384 = arith.addi %mul3A_333, %add3A_383 : i32
      %swap3A_385 = arith.index_cast %add3A_384 : i32 to index
      %swap3A_386 = tpu.vector_load %arg13[%swap3A_385] {strides = array<i32>} : memref<6400xi32, #tpu.memory_space<vmem>>, vector<16xi32>,
      tpu.vector_store %arg13[%swap3A_385], %add3A_382 {strides = array<i32>} : memref<6400xi32, #tpu.memory_space<vmem>>, vector<16xi32>,
      %add3A_387 = arith.constant 1000000 : i32
      %add3A_388 = vector.broadcast %add3A_387 : i32 to vector<16xi32>
      %add3A_389 = arith.addi %add3A_382, %add3A_388 : vector<16xi32>
      %add3A_390 = arith.constant 32 : i32
      %add3A_391 = arith.addi %mul3A_333, %add3A_390 : i32
      %swap3A_392 = arith.index_cast %add3A_391 : i32 to index
      %swap3A_393 = tpu.vector_load %arg14[%swap3A_392] {strides = array<i32>} : memref<6400xi32, #tpu.memory_space<vmem>>, vector<16xi32>,
      tpu.vector_store %arg14[%swap3A_392], %add3A_389 {strides = array<i32>} : memref<6400xi32, #tpu.memory_space<vmem>>, vector<16xi32>,
      %get3A_394 = arith.index_cast %scan3A_330 : i32 to index
      %get3A_395 = arith.constant 48 : index
      %get3A_396 = tpu.vector_load %arg9[%get3A_394, %get3A_395] {strides = array<i32>} : memref<50x128xi32, #tpu.memory_space<vmem>>, vector<16xi32>,
      %get3A_397 = arith.constant 48 : index
      %get3A_398 = tpu.vector_load %arg10[%get3A_397] {strides = array<i32>} : memref<128xi32, #tpu.memory_space<vmem>>, vector<16xi32>,
      %mul3A_399 = arith.constant 10000 : i32
      %mul3A_400 = vector.broadcast %mul3A_399 : i32 to vector<16xi32>
      %mul3A_401 = arith.muli %get3A_398, %mul3A_400 : vector<16xi32>
      %add3A_402 = arith.addi %mul3A_401, %get3A_396 : vector<16xi32>
      %add3A_403 = arith.constant 48 : i32
      %add3A_404 = arith.addi %mul3A_333, %add3A_403 : i32
      %swap3A_405 = arith.index_cast %add3A_404 : i32 to index
      %swap3A_406 = tpu.vector_load %arg13[%swap3A_405] {strides = array<i32>} : memref<6400xi32, #tpu.memory_space<vmem>>, vector<16xi32>,
      tpu.vector_store %arg13[%swap3A_405], %add3A_402 {strides = array<i32>} : memref<6400xi32, #tpu.memory_space<vmem>>, vector<16xi32>,
      %add3A_407 = arith.constant 1000000 : i32
      %add3A_408 = vector.broadcast %add3A_407 : i32 to vector<16xi32>
      %add3A_409 = arith.addi %add3A_402, %add3A_408 : vector<16xi32>
      %add3A_410 = arith.constant 48 : i32
      %add3A_411 = arith.addi %mul3A_333, %add3A_410 : i32
      %swap3A_412 = arith.index_cast %add3A_411 : i32 to index
      %swap3A_413 = tpu.vector_load %arg14[%swap3A_412] {strides = array<i32>} : memref<6400xi32, #tpu.memory_space<vmem>>, vector<16xi32>,
      tpu.vector_store %arg14[%swap3A_412], %add3A_409 {strides = array<i32>} : memref<6400xi32, #tpu.memory_space<vmem>>, vector<16xi32>,
      %get3A_414 = arith.index_cast %scan3A_330 : i32 to index
      %get3A_415 = arith.constant 64 : index
      %get3A_416 = tpu.vector_load %arg9[%get3A_414, %get3A_415] {strides = array<i32>} : memref<50x128xi32, #tpu.memory_space<vmem>>, vector<16xi32>,
      %get3A_417 = arith.constant 64 : index
      %get3A_418 = tpu.vector_load %arg10[%get3A_417] {strides = array<i32>} : memref<128xi32, #tpu.memory_space<vmem>>, vector<16xi32>,
      %mul3A_419 = arith.constant 10000 : i32
      %mul3A_420 = vector.broadcast %mul3A_419 : i32 to vector<16xi32>
      %mul3A_421 = arith.muli %get3A_418, %mul3A_420 : vector<16xi32>
      %add3A_422 = arith.addi %mul3A_421, %get3A_416 : vector<16xi32>
      %add3A_423 = arith.constant 64 : i32
      %add3A_424 = arith.addi %mul3A_333, %add3A_423 : i32
      %swap3A_425 = arith.index_cast %add3A_424 : i32 to index
      %swap3A_426 = tpu.vector_load %arg13[%swap3A_425] {strides = array<i32>} : memref<6400xi32, #tpu.memory_space<vmem>>, vector<16xi32>,
      tpu.vector_store %arg13[%swap3A_425], %add3A_422 {strides = array<i32>} : memref<6400xi32, #tpu.memory_space<vmem>>, vector<16xi32>,
      %add3A_427 = arith.constant 1000000 : i32
      %add3A_428 = vector.broadcast %add3A_427 : i32 to vector<16xi32>
      %add3A_429 = arith.addi %add3A_422, %add3A_428 : vector<16xi32>
      %add3A_430 = arith.constant 64 : i32
      %add3A_431 = arith.addi %mul3A_333, %add3A_430 : i32
      %swap3A_432 = arith.index_cast %add3A_431 : i32 to index
      %swap3A_433 = tpu.vector_load %arg14[%swap3A_432] {strides = array<i32>} : memref<6400xi32, #tpu.memory_space<vmem>>, vector<16xi32>,
      tpu.vector_store %arg14[%swap3A_432], %add3A_429 {strides = array<i32>} : memref<6400xi32, #tpu.memory_space<vmem>>, vector<16xi32>,
      %get3A_434 = arith.index_cast %scan3A_330 : i32 to index
      %get3A_435 = arith.constant 80 : index
      %get3A_436 = tpu.vector_load %arg9[%get3A_434, %get3A_435] {strides = array<i32>} : memref<50x128xi32, #tpu.memory_space<vmem>>, vector<16xi32>,
      %get3A_437 = arith.constant 80 : index
      %get3A_438 = tpu.vector_load %arg10[%get3A_437] {strides = array<i32>} : memref<128xi32, #tpu.memory_space<vmem>>, vector<16xi32>,
      %mul3A_439 = arith.constant 10000 : i32
      %mul3A_440 = vector.broadcast %mul3A_439 : i32 to vector<16xi32>
      %mul3A_441 = arith.muli %get3A_438, %mul3A_440 : vector<16xi32>
      %add3A_442 = arith.addi %mul3A_441, %get3A_436 : vector<16xi32>
      %add3A_443 = arith.constant 80 : i32
      %add3A_444 = arith.addi %mul3A_333, %add3A_443 : i32
      %swap3A_445 = arith.index_cast %add3A_444 : i32 to index
      %swap3A_446 = tpu.vector_load %arg13[%swap3A_445] {strides = array<i32>} : memref<6400xi32, #tpu.memory_space<vmem>>, vector<16xi32>,
      tpu.vector_store %arg13[%swap3A_445], %add3A_442 {strides = array<i32>} : memref<6400xi32, #tpu.memory_space<vmem>>, vector<16xi32>,
      %add3A_447 = arith.constant 1000000 : i32
      %add3A_448 = vector.broadcast %add3A_447 : i32 to vector<16xi32>
      %add3A_449 = arith.addi %add3A_442, %add3A_448 : vector<16xi32>
      %add3A_450 = arith.constant 80 : i32
      %add3A_451 = arith.addi %mul3A_333, %add3A_450 : i32
      %swap3A_452 = arith.index_cast %add3A_451 : i32 to index
      %swap3A_453 = tpu.vector_load %arg14[%swap3A_452] {strides = array<i32>} : memref<6400xi32, #tpu.memory_space<vmem>>, vector<16xi32>,
      tpu.vector_store %arg14[%swap3A_452], %add3A_449 {strides = array<i32>} : memref<6400xi32, #tpu.memory_space<vmem>>, vector<16xi32>,
      %get3A_454 = arith.index_cast %scan3A_330 : i32 to index
      %get3A_455 = arith.constant 96 : index
      %get3A_456 = tpu.vector_load %arg9[%get3A_454, %get3A_455] {strides = array<i32>} : memref<50x128xi32, #tpu.memory_space<vmem>>, vector<16xi32>,
      %get3A_457 = arith.constant 96 : index
      %get3A_458 = tpu.vector_load %arg10[%get3A_457] {strides = array<i32>} : memref<128xi32, #tpu.memory_space<vmem>>, vector<16xi32>,
      %mul3A_459 = arith.constant 10000 : i32
      %mul3A_460 = vector.broadcast %mul3A_459 : i32 to vector<16xi32>
      %mul3A_461 = arith.muli %get3A_458, %mul3A_460 : vector<16xi32>
      %add3A_462 = arith.addi %mul3A_461, %get3A_456 : vector<16xi32>
      %add3A_463 = arith.constant 96 : i32
      %add3A_464 = arith.addi %mul3A_333, %add3A_463 : i32
      %swap3A_465 = arith.index_cast %add3A_464 : i32 to index
      %swap3A_466 = tpu.vector_load %arg13[%swap3A_465] {strides = array<i32>} : memref<6400xi32, #tpu.memory_space<vmem>>, vector<16xi32>,
      tpu.vector_store %arg13[%swap3A_465], %add3A_462 {strides = array<i32>} : memref<6400xi32, #tpu.memory_space<vmem>>, vector<16xi32>,
      %add3A_467 = arith.constant 1000000 : i32
      %add3A_468 = vector.broadcast %add3A_467 : i32 to vector<16xi32>
      %add3A_469 = arith.addi %add3A_462, %add3A_468 : vector<16xi32>
      %add3A_470 = arith.constant 96 : i32
      %add3A_471 = arith.addi %mul3A_333, %add3A_470 : i32
      %swap3A_472 = arith.index_cast %add3A_471 : i32 to index
      %swap3A_473 = tpu.vector_load %arg14[%swap3A_472] {strides = array<i32>} : memref<6400xi32, #tpu.memory_space<vmem>>, vector<16xi32>,
      tpu.vector_store %arg14[%swap3A_472], %add3A_469 {strides = array<i32>} : memref<6400xi32, #tpu.memory_space<vmem>>, vector<16xi32>,
      %get3A_474 = arith.index_cast %scan3A_330 : i32 to index
      %get3A_475 = arith.constant 112 : index
      %get3A_476 = tpu.vector_load %arg9[%get3A_474, %get3A_475] {strides = array<i32>} : memref<50x128xi32, #tpu.memory_space<vmem>>, vector<16xi32>,
      %get3A_477 = arith.constant 112 : index
      %get3A_478 = tpu.vector_load %arg10[%get3A_477] {strides = array<i32>} : memref<128xi32, #tpu.memory_space<vmem>>, vector<16xi32>,
      %mul3A_479 = arith.constant 10000 : i32
      %mul3A_480 = vector.broadcast %mul3A_479 : i32 to vector<16xi32>
      %mul3A_481 = arith.muli %get3A_478, %mul3A_480 : vector<16xi32>
      %add3A_482 = arith.addi %mul3A_481, %get3A_476 : vector<16xi32>
      %add3A_483 = arith.constant 112 : i32
      %add3A_484 = arith.addi %mul3A_333, %add3A_483 : i32
      %swap3A_485 = arith.index_cast %add3A_484 : i32 to index
      %swap3A_486 = tpu.vector_load %arg13[%swap3A_485] {strides = array<i32>} : memref<6400xi32, #tpu.memory_space<vmem>>, vector<16xi32>,
      tpu.vector_store %arg13[%swap3A_485], %add3A_482 {strides = array<i32>} : memref<6400xi32, #tpu.memory_space<vmem>>, vector<16xi32>,
      %add3A_487 = arith.constant 1000000 : i32
      %add3A_488 = vector.broadcast %add3A_487 : i32 to vector<16xi32>
      %add3A_489 = arith.addi %add3A_482, %add3A_488 : vector<16xi32>
      %add3A_490 = arith.constant 112 : i32
      %add3A_491 = arith.addi %mul3A_333, %add3A_490 : i32
      %swap3A_492 = arith.index_cast %add3A_491 : i32 to index
      %swap3A_493 = tpu.vector_load %arg14[%swap3A_492] {strides = array<i32>} : memref<6400xi32, #tpu.memory_space<vmem>>, vector<16xi32>,
      tpu.vector_store %arg14[%swap3A_492], %add3A_489 {strides = array<i32>} : memref<6400xi32, #tpu.memory_space<vmem>>, vector<16xi32>,
      %scan3A_494 = arith.constant 0 : i32
      scf.yield %scan3A_494 : i32
    }
    %scan3A_85 = arith.constant 10 : i32
    %dma_start3A_86 = arith.constant 3840 : i32
    %dma_start3A_87 = tpu.memref_slice %arg15[%dma_start3A_86] : memref<6400xf32, #tpu.memory_space<vmem>> -> memref<1280xf32, #tpu.memory_space<vmem>>
    %dma_start3A_88 = arith.constant 3840 : i32
    %dma_start3A_89 = tpu.memref_slice %arg13[%dma_start3A_88] : memref<6400xi32, #tpu.memory_space<vmem>> -> memref<1280xi32, #tpu.memory_space<vmem>>
    %dma_start3A_90 = arith.constant 0 : i32
    %dma_start3A_91 = tpu.memref_slice %arg6[%dma_start3A_90] : memref<2000000xf32, #tpu.memory_space<hbm>> -> memref<2000000xf32, #tpu.memory_space<hbm>>
    tpu.enqueue_indirect_dma source(%dma_start3A_91 : memref<2000000xf32, #tpu.memory_space<hbm>>) target(%dma_start3A_87 : memref<1280xf32, #tpu.memory_space<vmem>>) offsets(%dma_start3A_89 : memref<1280xi32, #tpu.memory_space<vmem>>) semaphore(%arg19 : memref<!tpu.dma_semaphore, #tpu.memory_space<semaphore_mem>>)
    %dma_start3A_92 = arith.constant 3840 : i32
    %dma_start3A_93 = tpu.memref_slice %arg16[%dma_start3A_92] : memref<6400xf32, #tpu.memory_space<vmem>> -> memref<1280xf32, #tpu.memory_space<vmem>>
    %dma_start3A_94 = arith.constant 3840 : i32
    %dma_start3A_95 = tpu.memref_slice %arg14[%dma_start3A_94] : memref<6400xi32, #tpu.memory_space<vmem>> -> memref<1280xi32, #tpu.memory_space<vmem>>
    %dma_start3A_96 = arith.constant 0 : i32
    %dma_start3A_97 = tpu.memref_slice %arg6[%dma_start3A_96] : memref<2000000xf32, #tpu.memory_space<hbm>> -> memref<2000000xf32, #tpu.memory_space<hbm>>
    tpu.enqueue_indirect_dma source(%dma_start3A_97 : memref<2000000xf32, #tpu.memory_space<hbm>>) target(%dma_start3A_93 : memref<1280xf32, #tpu.memory_space<vmem>>) offsets(%dma_start3A_95 : memref<1280xi32, #tpu.memory_space<vmem>>) semaphore(%arg19 : memref<!tpu.dma_semaphore, #tpu.memory_space<semaphore_mem>>)
    %scan3A_98 = arith.constant 0 : i32
    %scan3A_99 = arith.constant 40 : i32
    %scan3A_100 = arith.constant 10 : i32
    %scan3A_101 = arith.addi %scan3A_99, %scan3A_100 : i32
    %scan3A_102 = arith.constant 1 : i32
    %scan3A_103 = scf.for %scan3A_330 = %scan3A_99 to %scan3A_101 step %scan3A_102 iter_args(%scan3A_331 = %scan3A_98) -> (i32)  : i32 {
      %mul3A_332 = arith.constant 128 : i32
      %mul3A_333 = arith.muli %scan3A_330, %mul3A_332 : i32
      %get3A_334 = arith.index_cast %scan3A_330 : i32 to index
      %get3A_335 = arith.constant 0 : index
      %get3A_336 = tpu.vector_load %arg9[%get3A_334, %get3A_335] {strides = array<i32>} : memref<50x128xi32, #tpu.memory_space<vmem>>, vector<16xi32>,
      %get3A_337 = arith.constant 0 : index
      %get3A_338 = tpu.vector_load %arg10[%get3A_337] {strides = array<i32>} : memref<128xi32, #tpu.memory_space<vmem>>, vector<16xi32>,
      %mul3A_339 = arith.constant 10000 : i32
      %mul3A_340 = vector.broadcast %mul3A_339 : i32 to vector<16xi32>
      %mul3A_341 = arith.muli %get3A_338, %mul3A_340 : vector<16xi32>
      %add3A_342 = arith.addi %mul3A_341, %get3A_336 : vector<16xi32>
      %add3A_343 = arith.constant 0 : i32
      %add3A_344 = arith.addi %mul3A_333, %add3A_343 : i32
      %swap3A_345 = arith.index_cast %add3A_344 : i32 to index
      %swap3A_346 = tpu.vector_load %arg13[%swap3A_345] {strides = array<i32>} : memref<6400xi32, #tpu.memory_space<vmem>>, vector<16xi32>,
      tpu.vector_store %arg13[%swap3A_345], %add3A_342 {strides = array<i32>} : memref<6400xi32, #tpu.memory_space<vmem>>, vector<16xi32>,
      %add3A_347 = arith.constant 1000000 : i32
      %add3A_348 = vector.broadcast %add3A_347 : i32 to vector<16xi32>
      %add3A_349 = arith.addi %add3A_342, %add3A_348 : vector<16xi32>
      %add3A_350 = arith.constant 0 : i32
      %add3A_351 = arith.addi %mul3A_333, %add3A_350 : i32
      %swap3A_352 = arith.index_cast %add3A_351 : i32 to index
      %swap3A_353 = tpu.vector_load %arg14[%swap3A_352] {strides = array<i32>} : memref<6400xi32, #tpu.memory_space<vmem>>, vector<16xi32>,
      tpu.vector_store %arg14[%swap3A_352], %add3A_349 {strides = array<i32>} : memref<6400xi32, #tpu.memory_space<vmem>>, vector<16xi32>,
      %get3A_354 = arith.index_cast %scan3A_330 : i32 to index
      %get3A_355 = arith.constant 16 : index
      %get3A_356 = tpu.vector_load %arg9[%get3A_354, %get3A_355] {strides = array<i32>} : memref<50x128xi32, #tpu.memory_space<vmem>>, vector<16xi32>,
      %get3A_357 = arith.constant 16 : index
      %get3A_358 = tpu.vector_load %arg10[%get3A_357] {strides = array<i32>} : memref<128xi32, #tpu.memory_space<vmem>>, vector<16xi32>,
      %mul3A_359 = arith.constant 10000 : i32
      %mul3A_360 = vector.broadcast %mul3A_359 : i32 to vector<16xi32>
      %mul3A_361 = arith.muli %get3A_358, %mul3A_360 : vector<16xi32>
      %add3A_362 = arith.addi %mul3A_361, %get3A_356 : vector<16xi32>
      %add3A_363 = arith.constant 16 : i32
      %add3A_364 = arith.addi %mul3A_333, %add3A_363 : i32
      %swap3A_365 = arith.index_cast %add3A_364 : i32 to index
      %swap3A_366 = tpu.vector_load %arg13[%swap3A_365] {strides = array<i32>} : memref<6400xi32, #tpu.memory_space<vmem>>, vector<16xi32>,
      tpu.vector_store %arg13[%swap3A_365], %add3A_362 {strides = array<i32>} : memref<6400xi32, #tpu.memory_space<vmem>>, vector<16xi32>,
      %add3A_367 = arith.constant 1000000 : i32
      %add3A_368 = vector.broadcast %add3A_367 : i32 to vector<16xi32>
      %add3A_369 = arith.addi %add3A_362, %add3A_368 : vector<16xi32>
      %add3A_370 = arith.constant 16 : i32
      %add3A_371 = arith.addi %mul3A_333, %add3A_370 : i32
      %swap3A_372 = arith.index_cast %add3A_371 : i32 to index
      %swap3A_373 = tpu.vector_load %arg14[%swap3A_372] {strides = array<i32>} : memref<6400xi32, #tpu.memory_space<vmem>>, vector<16xi32>,
      tpu.vector_store %arg14[%swap3A_372], %add3A_369 {strides = array<i32>} : memref<6400xi32, #tpu.memory_space<vmem>>, vector<16xi32>,
      %get3A_374 = arith.index_cast %scan3A_330 : i32 to index
      %get3A_375 = arith.constant 32 : index
      %get3A_376 = tpu.vector_load %arg9[%get3A_374, %get3A_375] {strides = array<i32>} : memref<50x128xi32, #tpu.memory_space<vmem>>, vector<16xi32>,
      %get3A_377 = arith.constant 32 : index
      %get3A_378 = tpu.vector_load %arg10[%get3A_377] {strides = array<i32>} : memref<128xi32, #tpu.memory_space<vmem>>, vector<16xi32>,
      %mul3A_379 = arith.constant 10000 : i32
      %mul3A_380 = vector.broadcast %mul3A_379 : i32 to vector<16xi32>
      %mul3A_381 = arith.muli %get3A_378, %mul3A_380 : vector<16xi32>
      %add3A_382 = arith.addi %mul3A_381, %get3A_376 : vector<16xi32>
      %add3A_383 = arith.constant 32 : i32
      %add3A_384 = arith.addi %mul3A_333, %add3A_383 : i32
      %swap3A_385 = arith.index_cast %add3A_384 : i32 to index
      %swap3A_386 = tpu.vector_load %arg13[%swap3A_385] {strides = array<i32>} : memref<6400xi32, #tpu.memory_space<vmem>>, vector<16xi32>,
      tpu.vector_store %arg13[%swap3A_385], %add3A_382 {strides = array<i32>} : memref<6400xi32, #tpu.memory_space<vmem>>, vector<16xi32>,
      %add3A_387 = arith.constant 1000000 : i32
      %add3A_388 = vector.broadcast %add3A_387 : i32 to vector<16xi32>
      %add3A_389 = arith.addi %add3A_382, %add3A_388 : vector<16xi32>
      %add3A_390 = arith.constant 32 : i32
      %add3A_391 = arith.addi %mul3A_333, %add3A_390 : i32
      %swap3A_392 = arith.index_cast %add3A_391 : i32 to index
      %swap3A_393 = tpu.vector_load %arg14[%swap3A_392] {strides = array<i32>} : memref<6400xi32, #tpu.memory_space<vmem>>, vector<16xi32>,
      tpu.vector_store %arg14[%swap3A_392], %add3A_389 {strides = array<i32>} : memref<6400xi32, #tpu.memory_space<vmem>>, vector<16xi32>,
      %get3A_394 = arith.index_cast %scan3A_330 : i32 to index
      %get3A_395 = arith.constant 48 : index
      %get3A_396 = tpu.vector_load %arg9[%get3A_394, %get3A_395] {strides = array<i32>} : memref<50x128xi32, #tpu.memory_space<vmem>>, vector<16xi32>,
      %get3A_397 = arith.constant 48 : index
      %get3A_398 = tpu.vector_load %arg10[%get3A_397] {strides = array<i32>} : memref<128xi32, #tpu.memory_space<vmem>>, vector<16xi32>,
      %mul3A_399 = arith.constant 10000 : i32
      %mul3A_400 = vector.broadcast %mul3A_399 : i32 to vector<16xi32>
      %mul3A_401 = arith.muli %get3A_398, %mul3A_400 : vector<16xi32>
      %add3A_402 = arith.addi %mul3A_401, %get3A_396 : vector<16xi32>
      %add3A_403 = arith.constant 48 : i32
      %add3A_404 = arith.addi %mul3A_333, %add3A_403 : i32
      %swap3A_405 = arith.index_cast %add3A_404 : i32 to index
      %swap3A_406 = tpu.vector_load %arg13[%swap3A_405] {strides = array<i32>} : memref<6400xi32, #tpu.memory_space<vmem>>, vector<16xi32>,
      tpu.vector_store %arg13[%swap3A_405], %add3A_402 {strides = array<i32>} : memref<6400xi32, #tpu.memory_space<vmem>>, vector<16xi32>,
      %add3A_407 = arith.constant 1000000 : i32
      %add3A_408 = vector.broadcast %add3A_407 : i32 to vector<16xi32>
      %add3A_409 = arith.addi %add3A_402, %add3A_408 : vector<16xi32>
      %add3A_410 = arith.constant 48 : i32
      %add3A_411 = arith.addi %mul3A_333, %add3A_410 : i32
      %swap3A_412 = arith.index_cast %add3A_411 : i32 to index
      %swap3A_413 = tpu.vector_load %arg14[%swap3A_412] {strides = array<i32>} : memref<6400xi32, #tpu.memory_space<vmem>>, vector<16xi32>,
      tpu.vector_store %arg14[%swap3A_412], %add3A_409 {strides = array<i32>} : memref<6400xi32, #tpu.memory_space<vmem>>, vector<16xi32>,
      %get3A_414 = arith.index_cast %scan3A_330 : i32 to index
      %get3A_415 = arith.constant 64 : index
      %get3A_416 = tpu.vector_load %arg9[%get3A_414, %get3A_415] {strides = array<i32>} : memref<50x128xi32, #tpu.memory_space<vmem>>, vector<16xi32>,
      %get3A_417 = arith.constant 64 : index
      %get3A_418 = tpu.vector_load %arg10[%get3A_417] {strides = array<i32>} : memref<128xi32, #tpu.memory_space<vmem>>, vector<16xi32>,
      %mul3A_419 = arith.constant 10000 : i32
      %mul3A_420 = vector.broadcast %mul3A_419 : i32 to vector<16xi32>
      %mul3A_421 = arith.muli %get3A_418, %mul3A_420 : vector<16xi32>
      %add3A_422 = arith.addi %mul3A_421, %get3A_416 : vector<16xi32>
      %add3A_423 = arith.constant 64 : i32
      %add3A_424 = arith.addi %mul3A_333, %add3A_423 : i32
      %swap3A_425 = arith.index_cast %add3A_424 : i32 to index
      %swap3A_426 = tpu.vector_load %arg13[%swap3A_425] {strides = array<i32>} : memref<6400xi32, #tpu.memory_space<vmem>>, vector<16xi32>,
      tpu.vector_store %arg13[%swap3A_425], %add3A_422 {strides = array<i32>} : memref<6400xi32, #tpu.memory_space<vmem>>, vector<16xi32>,
      %add3A_427 = arith.constant 1000000 : i32
      %add3A_428 = vector.broadcast %add3A_427 : i32 to vector<16xi32>
      %add3A_429 = arith.addi %add3A_422, %add3A_428 : vector<16xi32>
      %add3A_430 = arith.constant 64 : i32
      %add3A_431 = arith.addi %mul3A_333, %add3A_430 : i32
      %swap3A_432 = arith.index_cast %add3A_431 : i32 to index
      %swap3A_433 = tpu.vector_load %arg14[%swap3A_432] {strides = array<i32>} : memref<6400xi32, #tpu.memory_space<vmem>>, vector<16xi32>,
      tpu.vector_store %arg14[%swap3A_432], %add3A_429 {strides = array<i32>} : memref<6400xi32, #tpu.memory_space<vmem>>, vector<16xi32>,
      %get3A_434 = arith.index_cast %scan3A_330 : i32 to index
      %get3A_435 = arith.constant 80 : index
      %get3A_436 = tpu.vector_load %arg9[%get3A_434, %get3A_435] {strides = array<i32>} : memref<50x128xi32, #tpu.memory_space<vmem>>, vector<16xi32>,
      %get3A_437 = arith.constant 80 : index
      %get3A_438 = tpu.vector_load %arg10[%get3A_437] {strides = array<i32>} : memref<128xi32, #tpu.memory_space<vmem>>, vector<16xi32>,
      %mul3A_439 = arith.constant 10000 : i32
      %mul3A_440 = vector.broadcast %mul3A_439 : i32 to vector<16xi32>
      %mul3A_441 = arith.muli %get3A_438, %mul3A_440 : vector<16xi32>
      %add3A_442 = arith.addi %mul3A_441, %get3A_436 : vector<16xi32>
      %add3A_443 = arith.constant 80 : i32
      %add3A_444 = arith.addi %mul3A_333, %add3A_443 : i32
      %swap3A_445 = arith.index_cast %add3A_444 : i32 to index
      %swap3A_446 = tpu.vector_load %arg13[%swap3A_445] {strides = array<i32>} : memref<6400xi32, #tpu.memory_space<vmem>>, vector<16xi32>,
      tpu.vector_store %arg13[%swap3A_445], %add3A_442 {strides = array<i32>} : memref<6400xi32, #tpu.memory_space<vmem>>, vector<16xi32>,
      %add3A_447 = arith.constant 1000000 : i32
      %add3A_448 = vector.broadcast %add3A_447 : i32 to vector<16xi32>
      %add3A_449 = arith.addi %add3A_442, %add3A_448 : vector<16xi32>
      %add3A_450 = arith.constant 80 : i32
      %add3A_451 = arith.addi %mul3A_333, %add3A_450 : i32
      %swap3A_452 = arith.index_cast %add3A_451 : i32 to index
      %swap3A_453 = tpu.vector_load %arg14[%swap3A_452] {strides = array<i32>} : memref<6400xi32, #tpu.memory_space<vmem>>, vector<16xi32>,
      tpu.vector_store %arg14[%swap3A_452], %add3A_449 {strides = array<i32>} : memref<6400xi32, #tpu.memory_space<vmem>>, vector<16xi32>,
      %get3A_454 = arith.index_cast %scan3A_330 : i32 to index
      %get3A_455 = arith.constant 96 : index
      %get3A_456 = tpu.vector_load %arg9[%get3A_454, %get3A_455] {strides = array<i32>} : memref<50x128xi32, #tpu.memory_space<vmem>>, vector<16xi32>,
      %get3A_457 = arith.constant 96 : index
      %get3A_458 = tpu.vector_load %arg10[%get3A_457] {strides = array<i32>} : memref<128xi32, #tpu.memory_space<vmem>>, vector<16xi32>,
      %mul3A_459 = arith.constant 10000 : i32
      %mul3A_460 = vector.broadcast %mul3A_459 : i32 to vector<16xi32>
      %mul3A_461 = arith.muli %get3A_458, %mul3A_460 : vector<16xi32>
      %add3A_462 = arith.addi %mul3A_461, %get3A_456 : vector<16xi32>
      %add3A_463 = arith.constant 96 : i32
      %add3A_464 = arith.addi %mul3A_333, %add3A_463 : i32
      %swap3A_465 = arith.index_cast %add3A_464 : i32 to index
      %swap3A_466 = tpu.vector_load %arg13[%swap3A_465] {strides = array<i32>} : memref<6400xi32, #tpu.memory_space<vmem>>, vector<16xi32>,
      tpu.vector_store %arg13[%swap3A_465], %add3A_462 {strides = array<i32>} : memref<6400xi32, #tpu.memory_space<vmem>>, vector<16xi32>,
      %add3A_467 = arith.constant 1000000 : i32
      %add3A_468 = vector.broadcast %add3A_467 : i32 to vector<16xi32>
      %add3A_469 = arith.addi %add3A_462, %add3A_468 : vector<16xi32>
      %add3A_470 = arith.constant 96 : i32
      %add3A_471 = arith.addi %mul3A_333, %add3A_470 : i32
      %swap3A_472 = arith.index_cast %add3A_471 : i32 to index
      %swap3A_473 = tpu.vector_load %arg14[%swap3A_472] {strides = array<i32>} : memref<6400xi32, #tpu.memory_space<vmem>>, vector<16xi32>,
      tpu.vector_store %arg14[%swap3A_472], %add3A_469 {strides = array<i32>} : memref<6400xi32, #tpu.memory_space<vmem>>, vector<16xi32>,
      %get3A_474 = arith.index_cast %scan3A_330 : i32 to index
      %get3A_475 = arith.constant 112 : index
      %get3A_476 = tpu.vector_load %arg9[%get3A_474, %get3A_475] {strides = array<i32>} : memref<50x128xi32, #tpu.memory_space<vmem>>, vector<16xi32>,
      %get3A_477 = arith.constant 112 : index
      %get3A_478 = tpu.vector_load %arg10[%get3A_477] {strides = array<i32>} : memref<128xi32, #tpu.memory_space<vmem>>, vector<16xi32>,
      %mul3A_479 = arith.constant 10000 : i32
      %mul3A_480 = vector.broadcast %mul3A_479 : i32 to vector<16xi32>
      %mul3A_481 = arith.muli %get3A_478, %mul3A_480 : vector<16xi32>
      %add3A_482 = arith.addi %mul3A_481, %get3A_476 : vector<16xi32>
      %add3A_483 = arith.constant 112 : i32
      %add3A_484 = arith.addi %mul3A_333, %add3A_483 : i32
      %swap3A_485 = arith.index_cast %add3A_484 : i32 to index
      %swap3A_486 = tpu.vector_load %arg13[%swap3A_485] {strides = array<i32>} : memref<6400xi32, #tpu.memory_space<vmem>>, vector<16xi32>,
      tpu.vector_store %arg13[%swap3A_485], %add3A_482 {strides = array<i32>} : memref<6400xi32, #tpu.memory_space<vmem>>, vector<16xi32>,
      %add3A_487 = arith.constant 1000000 : i32
      %add3A_488 = vector.broadcast %add3A_487 : i32 to vector<16xi32>
      %add3A_489 = arith.addi %add3A_482, %add3A_488 : vector<16xi32>
      %add3A_490 = arith.constant 112 : i32
      %add3A_491 = arith.addi %mul3A_333, %add3A_490 : i32
      %swap3A_492 = arith.index_cast %add3A_491 : i32 to index
      %swap3A_493 = tpu.vector_load %arg14[%swap3A_492] {strides = array<i32>} : memref<6400xi32, #tpu.memory_space<vmem>>, vector<16xi32>,
      tpu.vector_store %arg14[%swap3A_492], %add3A_489 {strides = array<i32>} : memref<6400xi32, #tpu.memory_space<vmem>>, vector<16xi32>,
      %scan3A_494 = arith.constant 0 : i32
      scf.yield %scan3A_494 : i32
    }
    %scan3A_104 = arith.constant 10 : i32
    %dma_start3A_105 = arith.constant 5120 : i32
    %dma_start3A_106 = tpu.memref_slice %arg15[%dma_start3A_105] : memref<6400xf32, #tpu.memory_space<vmem>> -> memref<1280xf32, #tpu.memory_space<vmem>>
    %dma_start3A_107 = arith.constant 5120 : i32
    %dma_start3A_108 = tpu.memref_slice %arg13[%dma_start3A_107] : memref<6400xi32, #tpu.memory_space<vmem>> -> memref<1280xi32, #tpu.memory_space<vmem>>
    %dma_start3A_109 = arith.constant 0 : i32
    %dma_start3A_110 = tpu.memref_slice %arg6[%dma_start3A_109] : memref<2000000xf32, #tpu.memory_space<hbm>> -> memref<2000000xf32, #tpu.memory_space<hbm>>
    tpu.enqueue_indirect_dma source(%dma_start3A_110 : memref<2000000xf32, #tpu.memory_space<hbm>>) target(%dma_start3A_106 : memref<1280xf32, #tpu.memory_space<vmem>>) offsets(%dma_start3A_108 : memref<1280xi32, #tpu.memory_space<vmem>>) semaphore(%arg19 : memref<!tpu.dma_semaphore, #tpu.memory_space<semaphore_mem>>)
    %dma_start3A_111 = arith.constant 5120 : i32
    %dma_start3A_112 = tpu.memref_slice %arg16[%dma_start3A_111] : memref<6400xf32, #tpu.memory_space<vmem>> -> memref<1280xf32, #tpu.memory_space<vmem>>
    %dma_start3A_113 = arith.constant 5120 : i32
    %dma_start3A_114 = tpu.memref_slice %arg14[%dma_start3A_113] : memref<6400xi32, #tpu.memory_space<vmem>> -> memref<1280xi32, #tpu.memory_space<vmem>>
    %dma_start3A_115 = arith.constant 0 : i32
    %dma_start3A_116 = tpu.memref_slice %arg6[%dma_start3A_115] : memref<2000000xf32, #tpu.memory_space<hbm>> -> memref<2000000xf32, #tpu.memory_space<hbm>>
    tpu.enqueue_indirect_dma source(%dma_start3A_116 : memref<2000000xf32, #tpu.memory_space<hbm>>) target(%dma_start3A_112 : memref<1280xf32, #tpu.memory_space<vmem>>) offsets(%dma_start3A_114 : memref<1280xi32, #tpu.memory_space<vmem>>) semaphore(%arg19 : memref<!tpu.dma_semaphore, #tpu.memory_space<semaphore_mem>>)
    %broadcast_in_dim3A = arith.constant 0.000000e+00 : f32
    %broadcast_in_dim3A_117 = vector.broadcast %broadcast_in_dim3A : f32 to vector<16xf32>
    %broadcast_in_dim3A_118 = arith.constant 0.000000e+00 : f32
    %broadcast_in_dim3A_119 = vector.broadcast %broadcast_in_dim3A_118 : f32 to vector<16xf32>
    %broadcast_in_dim3A_120 = arith.constant 0.000000e+00 : f32
    %broadcast_in_dim3A_121 = vector.broadcast %broadcast_in_dim3A_120 : f32 to vector<16xf32>
    %broadcast_in_dim3A_122 = arith.constant 0.000000e+00 : f32
    %broadcast_in_dim3A_123 = vector.broadcast %broadcast_in_dim3A_122 : f32 to vector<16xf32>
    %broadcast_in_dim3A_124 = arith.constant 0.000000e+00 : f32
    %broadcast_in_dim3A_125 = vector.broadcast %broadcast_in_dim3A_124 : f32 to vector<16xf32>
    %broadcast_in_dim3A_126 = arith.constant 0.000000e+00 : f32
    %broadcast_in_dim3A_127 = vector.broadcast %broadcast_in_dim3A_126 : f32 to vector<16xf32>
    %broadcast_in_dim3A_128 = arith.constant 0.000000e+00 : f32
    %broadcast_in_dim3A_129 = vector.broadcast %broadcast_in_dim3A_128 : f32 to vector<16xf32>
    %broadcast_in_dim3A_130 = arith.constant 0.000000e+00 : f32
    %broadcast_in_dim3A_131 = vector.broadcast %broadcast_in_dim3A_130 : f32 to vector<16xf32>
    %broadcast_in_dim3A_132 = arith.constant 0.000000e+00 : f32
    %broadcast_in_dim3A_133 = vector.broadcast %broadcast_in_dim3A_132 : f32 to vector<16xf32>
    %broadcast_in_dim3A_134 = arith.constant 0.000000e+00 : f32
    %broadcast_in_dim3A_135 = vector.broadcast %broadcast_in_dim3A_134 : f32 to vector<16xf32>
    %broadcast_in_dim3A_136 = arith.constant 0.000000e+00 : f32
    %broadcast_in_dim3A_137 = vector.broadcast %broadcast_in_dim3A_136 : f32 to vector<16xf32>
    %broadcast_in_dim3A_138 = arith.constant 0.000000e+00 : f32
    %broadcast_in_dim3A_139 = vector.broadcast %broadcast_in_dim3A_138 : f32 to vector<16xf32>
    %broadcast_in_dim3A_140 = arith.constant 0.000000e+00 : f32
    %broadcast_in_dim3A_141 = vector.broadcast %broadcast_in_dim3A_140 : f32 to vector<16xf32>
    %broadcast_in_dim3A_142 = arith.constant 0.000000e+00 : f32
    %broadcast_in_dim3A_143 = vector.broadcast %broadcast_in_dim3A_142 : f32 to vector<16xf32>
    %broadcast_in_dim3A_144 = arith.constant 0.000000e+00 : f32
    %broadcast_in_dim3A_145 = vector.broadcast %broadcast_in_dim3A_144 : f32 to vector<16xf32>
    %broadcast_in_dim3A_146 = arith.constant 0.000000e+00 : f32
    %broadcast_in_dim3A_147 = vector.broadcast %broadcast_in_dim3A_146 : f32 to vector<16xf32>
    %dma_wait3A_148 = arith.constant 0 : i32
    %dma_wait3A_149 = tpu.memref_slice %arg15[%dma_wait3A_148] : memref<6400xf32, #tpu.memory_space<vmem>> -> memref<1280xf32, #tpu.memory_space<vmem>>
    %dma_wait3A_150 = arith.constant 0 : i32
    %dma_wait3A_151 = tpu.memref_slice %arg13[%dma_wait3A_150] : memref<6400xi32, #tpu.memory_space<vmem>> -> memref<1280xi32, #tpu.memory_space<vmem>>
    %dma_wait3A_152 = arith.constant 0 : i32
    %dma_wait3A_153 = tpu.memref_slice %arg6[%dma_wait3A_152] : memref<2000000xf32, #tpu.memory_space<hbm>> -> memref<2000000xf32, #tpu.memory_space<hbm>>
    tpu.wait_indirect_dma semaphore(%arg19 : memref<!tpu.dma_semaphore, #tpu.memory_space<semaphore_mem>>) src(%dma_wait3A_153 : memref<2000000xf32, #tpu.memory_space<hbm>>) dst(%dma_wait3A_149 : memref<1280xf32, #tpu.memory_space<vmem>>)
    %dma_wait3A_154 = arith.constant 0 : i32
    %dma_wait3A_155 = tpu.memref_slice %arg16[%dma_wait3A_154] : memref<6400xf32, #tpu.memory_space<vmem>> -> memref<1280xf32, #tpu.memory_space<vmem>>
    %dma_wait3A_156 = arith.constant 0 : i32
    %dma_wait3A_157 = tpu.memref_slice %arg14[%dma_wait3A_156] : memref<6400xi32, #tpu.memory_space<vmem>> -> memref<1280xi32, #tpu.memory_space<vmem>>
    %dma_wait3A_158 = arith.constant 0 : i32
    %dma_wait3A_159 = tpu.memref_slice %arg6[%dma_wait3A_158] : memref<2000000xf32, #tpu.memory_space<hbm>> -> memref<2000000xf32, #tpu.memory_space<hbm>>
    tpu.wait_indirect_dma semaphore(%arg19 : memref<!tpu.dma_semaphore, #tpu.memory_space<semaphore_mem>>) src(%dma_wait3A_159 : memref<2000000xf32, #tpu.memory_space<hbm>>) dst(%dma_wait3A_155 : memref<1280xf32, #tpu.memory_space<vmem>>)
    %scan3A_160 = arith.constant 0 : i32
    %scan3A_161 = arith.constant 10 : i32
    %scan3A_162 = arith.addi %scan3A_160, %scan3A_161 : i32
    %scan3A_163 = arith.constant 1 : i32
    %scan3A_164:16 = scf.for %scan3A_330 = %scan3A_160 to %scan3A_162 step %scan3A_163 iter_args(%scan3A_331 = %broadcast_in_dim3A_117, %scan3A_332 = %broadcast_in_dim3A_119, %scan3A_333 = %broadcast_in_dim3A_121, %scan3A_334 = %broadcast_in_dim3A_123, %scan3A_335 = %broadcast_in_dim3A_125, %scan3A_336 = %broadcast_in_dim3A_127, %scan3A_337 = %broadcast_in_dim3A_129, %scan3A_338 = %broadcast_in_dim3A_131, %scan3A_339 = %broadcast_in_dim3A_133, %scan3A_340 = %broadcast_in_dim3A_135, %scan3A_341 = %broadcast_in_dim3A_137, %scan3A_342 = %broadcast_in_dim3A_139, %scan3A_343 = %broadcast_in_dim3A_141, %scan3A_344 = %broadcast_in_dim3A_143, %scan3A_345 = %broadcast_in_dim3A_145, %scan3A_346 = %broadcast_in_dim3A_147) -> (vector<16xf32>, vector<16xf32>, vector<16xf32>, vector<16xf32>, vector<16xf32>, vector<16xf32>, vector<16xf32>, vector<16xf32>, vector<16xf32>, vector<16xf32>, vector<16xf32>, vector<16xf32>, vector<16xf32>, vector<16xf32>, vector<16xf32>, vector<16xf32>)  : i32 {
      %mul3A_347 = arith.constant 128 : i32
      %mul3A_348 = arith.muli %scan3A_330, %mul3A_347 : i32
      %add3A_349 = arith.constant 0 : i32
      %add3A_350 = arith.addi %mul3A_348, %add3A_349 : i32
      %get3A_351 = arith.index_cast %add3A_350 : i32 to index
      %get3A_352 = tpu.vector_load %arg15[%get3A_351] {strides = array<i32>} : memref<6400xf32, #tpu.memory_space<vmem>>, vector<16xf32>,
      %add3A_353 = arith.addf %scan3A_331, %get3A_352 : vector<16xf32>
      %add3A_354 = arith.constant 0 : i32
      %add3A_355 = arith.addi %mul3A_348, %add3A_354 : i32
      %get3A_356 = arith.index_cast %add3A_355 : i32 to index
      %get3A_357 = tpu.vector_load %arg16[%get3A_356] {strides = array<i32>} : memref<6400xf32, #tpu.memory_space<vmem>>, vector<16xf32>,
      %add3A_358 = arith.addf %scan3A_332, %get3A_357 : vector<16xf32>
      %add3A_359 = arith.constant 16 : i32
      %add3A_360 = arith.addi %mul3A_348, %add3A_359 : i32
      %get3A_361 = arith.index_cast %add3A_360 : i32 to index
      %get3A_362 = tpu.vector_load %arg15[%get3A_361] {strides = array<i32>} : memref<6400xf32, #tpu.memory_space<vmem>>, vector<16xf32>,
      %add3A_363 = arith.addf %scan3A_333, %get3A_362 : vector<16xf32>
      %add3A_364 = arith.constant 16 : i32
      %add3A_365 = arith.addi %mul3A_348, %add3A_364 : i32
      %get3A_366 = arith.index_cast %add3A_365 : i32 to index
      %get3A_367 = tpu.vector_load %arg16[%get3A_366] {strides = array<i32>} : memref<6400xf32, #tpu.memory_space<vmem>>, vector<16xf32>,
      %add3A_368 = arith.addf %scan3A_334, %get3A_367 : vector<16xf32>
      %add3A_369 = arith.constant 32 : i32
      %add3A_370 = arith.addi %mul3A_348, %add3A_369 : i32
      %get3A_371 = arith.index_cast %add3A_370 : i32 to index
      %get3A_372 = tpu.vector_load %arg15[%get3A_371] {strides = array<i32>} : memref<6400xf32, #tpu.memory_space<vmem>>, vector<16xf32>,
      %add3A_373 = arith.addf %scan3A_335, %get3A_372 : vector<16xf32>
      %add3A_374 = arith.constant 32 : i32
      %add3A_375 = arith.addi %mul3A_348, %add3A_374 : i32
      %get3A_376 = arith.index_cast %add3A_375 : i32 to index
      %get3A_377 = tpu.vector_load %arg16[%get3A_376] {strides = array<i32>} : memref<6400xf32, #tpu.memory_space<vmem>>, vector<16xf32>,
      %add3A_378 = arith.addf %scan3A_336, %get3A_377 : vector<16xf32>
      %add3A_379 = arith.constant 48 : i32
      %add3A_380 = arith.addi %mul3A_348, %add3A_379 : i32
      %get3A_381 = arith.index_cast %add3A_380 : i32 to index
      %get3A_382 = tpu.vector_load %arg15[%get3A_381] {strides = array<i32>} : memref<6400xf32, #tpu.memory_space<vmem>>, vector<16xf32>,
      %add3A_383 = arith.addf %scan3A_337, %get3A_382 : vector<16xf32>
      %add3A_384 = arith.constant 48 : i32
      %add3A_385 = arith.addi %mul3A_348, %add3A_384 : i32
      %get3A_386 = arith.index_cast %add3A_385 : i32 to index
      %get3A_387 = tpu.vector_load %arg16[%get3A_386] {strides = array<i32>} : memref<6400xf32, #tpu.memory_space<vmem>>, vector<16xf32>,
      %add3A_388 = arith.addf %scan3A_338, %get3A_387 : vector<16xf32>
      %add3A_389 = arith.constant 64 : i32
      %add3A_390 = arith.addi %mul3A_348, %add3A_389 : i32
      %get3A_391 = arith.index_cast %add3A_390 : i32 to index
      %get3A_392 = tpu.vector_load %arg15[%get3A_391] {strides = array<i32>} : memref<6400xf32, #tpu.memory_space<vmem>>, vector<16xf32>,
      %add3A_393 = arith.addf %scan3A_339, %get3A_392 : vector<16xf32>
      %add3A_394 = arith.constant 64 : i32
      %add3A_395 = arith.addi %mul3A_348, %add3A_394 : i32
      %get3A_396 = arith.index_cast %add3A_395 : i32 to index
      %get3A_397 = tpu.vector_load %arg16[%get3A_396] {strides = array<i32>} : memref<6400xf32, #tpu.memory_space<vmem>>, vector<16xf32>,
      %add3A_398 = arith.addf %scan3A_340, %get3A_397 : vector<16xf32>
      %add3A_399 = arith.constant 80 : i32
      %add3A_400 = arith.addi %mul3A_348, %add3A_399 : i32
      %get3A_401 = arith.index_cast %add3A_400 : i32 to index
      %get3A_402 = tpu.vector_load %arg15[%get3A_401] {strides = array<i32>} : memref<6400xf32, #tpu.memory_space<vmem>>, vector<16xf32>,
      %add3A_403 = arith.addf %scan3A_341, %get3A_402 : vector<16xf32>
      %add3A_404 = arith.constant 80 : i32
      %add3A_405 = arith.addi %mul3A_348, %add3A_404 : i32
      %get3A_406 = arith.index_cast %add3A_405 : i32 to index
      %get3A_407 = tpu.vector_load %arg16[%get3A_406] {strides = array<i32>} : memref<6400xf32, #tpu.memory_space<vmem>>, vector<16xf32>,
      %add3A_408 = arith.addf %scan3A_342, %get3A_407 : vector<16xf32>
      %add3A_409 = arith.constant 96 : i32
      %add3A_410 = arith.addi %mul3A_348, %add3A_409 : i32
      %get3A_411 = arith.index_cast %add3A_410 : i32 to index
      %get3A_412 = tpu.vector_load %arg15[%get3A_411] {strides = array<i32>} : memref<6400xf32, #tpu.memory_space<vmem>>, vector<16xf32>,
      %add3A_413 = arith.addf %scan3A_343, %get3A_412 : vector<16xf32>
      %add3A_414 = arith.constant 96 : i32
      %add3A_415 = arith.addi %mul3A_348, %add3A_414 : i32
      %get3A_416 = arith.index_cast %add3A_415 : i32 to index
      %get3A_417 = tpu.vector_load %arg16[%get3A_416] {strides = array<i32>} : memref<6400xf32, #tpu.memory_space<vmem>>, vector<16xf32>,
      %add3A_418 = arith.addf %scan3A_344, %get3A_417 : vector<16xf32>
      %add3A_419 = arith.constant 112 : i32
      %add3A_420 = arith.addi %mul3A_348, %add3A_419 : i32
      %get3A_421 = arith.index_cast %add3A_420 : i32 to index
      %get3A_422 = tpu.vector_load %arg15[%get3A_421] {strides = array<i32>} : memref<6400xf32, #tpu.memory_space<vmem>>, vector<16xf32>,
      %add3A_423 = arith.addf %scan3A_345, %get3A_422 : vector<16xf32>
      %add3A_424 = arith.constant 112 : i32
      %add3A_425 = arith.addi %mul3A_348, %add3A_424 : i32
      %get3A_426 = arith.index_cast %add3A_425 : i32 to index
      %get3A_427 = tpu.vector_load %arg16[%get3A_426] {strides = array<i32>} : memref<6400xf32, #tpu.memory_space<vmem>>, vector<16xf32>,
      %add3A_428 = arith.addf %scan3A_346, %get3A_427 : vector<16xf32>
      scf.yield %add3A_353, %add3A_358, %add3A_363, %add3A_368, %add3A_373, %add3A_378, %add3A_383, %add3A_388, %add3A_393, %add3A_398, %add3A_403, %add3A_408, %add3A_413, %add3A_418, %add3A_423, %add3A_428 : vector<16xf32>, vector<16xf32>, vector<16xf32>, vector<16xf32>, vector<16xf32>, vector<16xf32>, vector<16xf32>, vector<16xf32>, vector<16xf32>, vector<16xf32>, vector<16xf32>, vector<16xf32>, vector<16xf32>, vector<16xf32>, vector<16xf32>, vector<16xf32>
    }
    %scan3A_165 = arith.constant 10 : i32
    %dma_wait3A_166 = arith.constant 1280 : i32
    %dma_wait3A_167 = tpu.memref_slice %arg15[%dma_wait3A_166] : memref<6400xf32, #tpu.memory_space<vmem>> -> memref<1280xf32, #tpu.memory_space<vmem>>
    %dma_wait3A_168 = arith.constant 1280 : i32
    %dma_wait3A_169 = tpu.memref_slice %arg13[%dma_wait3A_168] : memref<6400xi32, #tpu.memory_space<vmem>> -> memref<1280xi32, #tpu.memory_space<vmem>>
    %dma_wait3A_170 = arith.constant 0 : i32
    %dma_wait3A_171 = tpu.memref_slice %arg6[%dma_wait3A_170] : memref<2000000xf32, #tpu.memory_space<hbm>> -> memref<2000000xf32, #tpu.memory_space<hbm>>
    tpu.wait_indirect_dma semaphore(%arg19 : memref<!tpu.dma_semaphore, #tpu.memory_space<semaphore_mem>>) src(%dma_wait3A_171 : memref<2000000xf32, #tpu.memory_space<hbm>>) dst(%dma_wait3A_167 : memref<1280xf32, #tpu.memory_space<vmem>>)
    %dma_wait3A_172 = arith.constant 1280 : i32
    %dma_wait3A_173 = tpu.memref_slice %arg16[%dma_wait3A_172] : memref<6400xf32, #tpu.memory_space<vmem>> -> memref<1280xf32, #tpu.memory_space<vmem>>
    %dma_wait3A_174 = arith.constant 1280 : i32
    %dma_wait3A_175 = tpu.memref_slice %arg14[%dma_wait3A_174] : memref<6400xi32, #tpu.memory_space<vmem>> -> memref<1280xi32, #tpu.memory_space<vmem>>
    %dma_wait3A_176 = arith.constant 0 : i32
    %dma_wait3A_177 = tpu.memref_slice %arg6[%dma_wait3A_176] : memref<2000000xf32, #tpu.memory_space<hbm>> -> memref<2000000xf32, #tpu.memory_space<hbm>>
    tpu.wait_indirect_dma semaphore(%arg19 : memref<!tpu.dma_semaphore, #tpu.memory_space<semaphore_mem>>) src(%dma_wait3A_177 : memref<2000000xf32, #tpu.memory_space<hbm>>) dst(%dma_wait3A_173 : memref<1280xf32, #tpu.memory_space<vmem>>)
    %scan3A_178 = arith.constant 10 : i32
    %scan3A_179 = arith.constant 10 : i32
    %scan3A_180 = arith.addi %scan3A_178, %scan3A_179 : i32
    %scan3A_181 = arith.constant 1 : i32
    %scan3A_182:16 = scf.for %scan3A_330 = %scan3A_178 to %scan3A_180 step %scan3A_181 iter_args(%scan3A_331 = %scan3A_164#0, %scan3A_332 = %scan3A_164#1, %scan3A_333 = %scan3A_164#2, %scan3A_334 = %scan3A_164#3, %scan3A_335 = %scan3A_164#4, %scan3A_336 = %scan3A_164#5, %scan3A_337 = %scan3A_164#6, %scan3A_338 = %scan3A_164#7, %scan3A_339 = %scan3A_164#8, %scan3A_340 = %scan3A_164#9, %scan3A_341 = %scan3A_164#10, %scan3A_342 = %scan3A_164#11, %scan3A_343 = %scan3A_164#12, %scan3A_344 = %scan3A_164#13, %scan3A_345 = %scan3A_164#14, %scan3A_346 = %scan3A_164#15) -> (vector<16xf32>, vector<16xf32>, vector<16xf32>, vector<16xf32>, vector<16xf32>, vector<16xf32>, vector<16xf32>, vector<16xf32>, vector<16xf32>, vector<16xf32>, vector<16xf32>, vector<16xf32>, vector<16xf32>, vector<16xf32>, vector<16xf32>, vector<16xf32>)  : i32 {
      %mul3A_347 = arith.constant 128 : i32
      %mul3A_348 = arith.muli %scan3A_330, %mul3A_347 : i32
      %add3A_349 = arith.constant 0 : i32
      %add3A_350 = arith.addi %mul3A_348, %add3A_349 : i32
      %get3A_351 = arith.index_cast %add3A_350 : i32 to index
      %get3A_352 = tpu.vector_load %arg15[%get3A_351] {strides = array<i32>} : memref<6400xf32, #tpu.memory_space<vmem>>, vector<16xf32>,
      %add3A_353 = arith.addf %scan3A_331, %get3A_352 : vector<16xf32>
      %add3A_354 = arith.constant 0 : i32
      %add3A_355 = arith.addi %mul3A_348, %add3A_354 : i32
      %get3A_356 = arith.index_cast %add3A_355 : i32 to index
      %get3A_357 = tpu.vector_load %arg16[%get3A_356] {strides = array<i32>} : memref<6400xf32, #tpu.memory_space<vmem>>, vector<16xf32>,
      %add3A_358 = arith.addf %scan3A_332, %get3A_357 : vector<16xf32>
      %add3A_359 = arith.constant 16 : i32
      %add3A_360 = arith.addi %mul3A_348, %add3A_359 : i32
      %get3A_361 = arith.index_cast %add3A_360 : i32 to index
      %get3A_362 = tpu.vector_load %arg15[%get3A_361] {strides = array<i32>} : memref<6400xf32, #tpu.memory_space<vmem>>, vector<16xf32>,
      %add3A_363 = arith.addf %scan3A_333, %get3A_362 : vector<16xf32>
      %add3A_364 = arith.constant 16 : i32
      %add3A_365 = arith.addi %mul3A_348, %add3A_364 : i32
      %get3A_366 = arith.index_cast %add3A_365 : i32 to index
      %get3A_367 = tpu.vector_load %arg16[%get3A_366] {strides = array<i32>} : memref<6400xf32, #tpu.memory_space<vmem>>, vector<16xf32>,
      %add3A_368 = arith.addf %scan3A_334, %get3A_367 : vector<16xf32>
      %add3A_369 = arith.constant 32 : i32
      %add3A_370 = arith.addi %mul3A_348, %add3A_369 : i32
      %get3A_371 = arith.index_cast %add3A_370 : i32 to index
      %get3A_372 = tpu.vector_load %arg15[%get3A_371] {strides = array<i32>} : memref<6400xf32, #tpu.memory_space<vmem>>, vector<16xf32>,
      %add3A_373 = arith.addf %scan3A_335, %get3A_372 : vector<16xf32>
      %add3A_374 = arith.constant 32 : i32
      %add3A_375 = arith.addi %mul3A_348, %add3A_374 : i32
      %get3A_376 = arith.index_cast %add3A_375 : i32 to index
      %get3A_377 = tpu.vector_load %arg16[%get3A_376] {strides = array<i32>} : memref<6400xf32, #tpu.memory_space<vmem>>, vector<16xf32>,
      %add3A_378 = arith.addf %scan3A_336, %get3A_377 : vector<16xf32>
      %add3A_379 = arith.constant 48 : i32
      %add3A_380 = arith.addi %mul3A_348, %add3A_379 : i32
      %get3A_381 = arith.index_cast %add3A_380 : i32 to index
      %get3A_382 = tpu.vector_load %arg15[%get3A_381] {strides = array<i32>} : memref<6400xf32, #tpu.memory_space<vmem>>, vector<16xf32>,
      %add3A_383 = arith.addf %scan3A_337, %get3A_382 : vector<16xf32>
      %add3A_384 = arith.constant 48 : i32
      %add3A_385 = arith.addi %mul3A_348, %add3A_384 : i32
      %get3A_386 = arith.index_cast %add3A_385 : i32 to index
      %get3A_387 = tpu.vector_load %arg16[%get3A_386] {strides = array<i32>} : memref<6400xf32, #tpu.memory_space<vmem>>, vector<16xf32>,
      %add3A_388 = arith.addf %scan3A_338, %get3A_387 : vector<16xf32>
      %add3A_389 = arith.constant 64 : i32
      %add3A_390 = arith.addi %mul3A_348, %add3A_389 : i32
      %get3A_391 = arith.index_cast %add3A_390 : i32 to index
      %get3A_392 = tpu.vector_load %arg15[%get3A_391] {strides = array<i32>} : memref<6400xf32, #tpu.memory_space<vmem>>, vector<16xf32>,
      %add3A_393 = arith.addf %scan3A_339, %get3A_392 : vector<16xf32>
      %add3A_394 = arith.constant 64 : i32
      %add3A_395 = arith.addi %mul3A_348, %add3A_394 : i32
      %get3A_396 = arith.index_cast %add3A_395 : i32 to index
      %get3A_397 = tpu.vector_load %arg16[%get3A_396] {strides = array<i32>} : memref<6400xf32, #tpu.memory_space<vmem>>, vector<16xf32>,
      %add3A_398 = arith.addf %scan3A_340, %get3A_397 : vector<16xf32>
      %add3A_399 = arith.constant 80 : i32
      %add3A_400 = arith.addi %mul3A_348, %add3A_399 : i32
      %get3A_401 = arith.index_cast %add3A_400 : i32 to index
      %get3A_402 = tpu.vector_load %arg15[%get3A_401] {strides = array<i32>} : memref<6400xf32, #tpu.memory_space<vmem>>, vector<16xf32>,
      %add3A_403 = arith.addf %scan3A_341, %get3A_402 : vector<16xf32>
      %add3A_404 = arith.constant 80 : i32
      %add3A_405 = arith.addi %mul3A_348, %add3A_404 : i32
      %get3A_406 = arith.index_cast %add3A_405 : i32 to index
      %get3A_407 = tpu.vector_load %arg16[%get3A_406] {strides = array<i32>} : memref<6400xf32, #tpu.memory_space<vmem>>, vector<16xf32>,
      %add3A_408 = arith.addf %scan3A_342, %get3A_407 : vector<16xf32>
      %add3A_409 = arith.constant 96 : i32
      %add3A_410 = arith.addi %mul3A_348, %add3A_409 : i32
      %get3A_411 = arith.index_cast %add3A_410 : i32 to index
      %get3A_412 = tpu.vector_load %arg15[%get3A_411] {strides = array<i32>} : memref<6400xf32, #tpu.memory_space<vmem>>, vector<16xf32>,
      %add3A_413 = arith.addf %scan3A_343, %get3A_412 : vector<16xf32>
      %add3A_414 = arith.constant 96 : i32
      %add3A_415 = arith.addi %mul3A_348, %add3A_414 : i32
      %get3A_416 = arith.index_cast %add3A_415 : i32 to index
      %get3A_417 = tpu.vector_load %arg16[%get3A_416] {strides = array<i32>} : memref<6400xf32, #tpu.memory_space<vmem>>, vector<16xf32>,
      %add3A_418 = arith.addf %scan3A_344, %get3A_417 : vector<16xf32>
      %add3A_419 = arith.constant 112 : i32
      %add3A_420 = arith.addi %mul3A_348, %add3A_419 : i32
      %get3A_421 = arith.index_cast %add3A_420 : i32 to index
      %get3A_422 = tpu.vector_load %arg15[%get3A_421] {strides = array<i32>} : memref<6400xf32, #tpu.memory_space<vmem>>, vector<16xf32>,
      %add3A_423 = arith.addf %scan3A_345, %get3A_422 : vector<16xf32>
      %add3A_424 = arith.constant 112 : i32
      %add3A_425 = arith.addi %mul3A_348, %add3A_424 : i32
      %get3A_426 = arith.index_cast %add3A_425 : i32 to index
      %get3A_427 = tpu.vector_load %arg16[%get3A_426] {strides = array<i32>} : memref<6400xf32, #tpu.memory_space<vmem>>, vector<16xf32>,
      %add3A_428 = arith.addf %scan3A_346, %get3A_427 : vector<16xf32>
      scf.yield %add3A_353, %add3A_358, %add3A_363, %add3A_368, %add3A_373, %add3A_378, %add3A_383, %add3A_388, %add3A_393, %add3A_398, %add3A_403, %add3A_408, %add3A_413, %add3A_418, %add3A_423, %add3A_428 : vector<16xf32>, vector<16xf32>, vector<16xf32>, vector<16xf32>, vector<16xf32>, vector<16xf32>, vector<16xf32>, vector<16xf32>, vector<16xf32>, vector<16xf32>, vector<16xf32>, vector<16xf32>, vector<16xf32>, vector<16xf32>, vector<16xf32>, vector<16xf32>
    }
    %scan3A_183 = arith.constant 10 : i32
    %dma_wait3A_184 = arith.constant 2560 : i32
    %dma_wait3A_185 = tpu.memref_slice %arg15[%dma_wait3A_184] : memref<6400xf32, #tpu.memory_space<vmem>> -> memref<1280xf32, #tpu.memory_space<vmem>>
    %dma_wait3A_186 = arith.constant 2560 : i32
    %dma_wait3A_187 = tpu.memref_slice %arg13[%dma_wait3A_186] : memref<6400xi32, #tpu.memory_space<vmem>> -> memref<1280xi32, #tpu.memory_space<vmem>>
    %dma_wait3A_188 = arith.constant 0 : i32
    %dma_wait3A_189 = tpu.memref_slice %arg6[%dma_wait3A_188] : memref<2000000xf32, #tpu.memory_space<hbm>> -> memref<2000000xf32, #tpu.memory_space<hbm>>
    tpu.wait_indirect_dma semaphore(%arg19 : memref<!tpu.dma_semaphore, #tpu.memory_space<semaphore_mem>>) src(%dma_wait3A_189 : memref<2000000xf32, #tpu.memory_space<hbm>>) dst(%dma_wait3A_185 : memref<1280xf32, #tpu.memory_space<vmem>>)
    %dma_wait3A_190 = arith.constant 2560 : i32
    %dma_wait3A_191 = tpu.memref_slice %arg16[%dma_wait3A_190] : memref<6400xf32, #tpu.memory_space<vmem>> -> memref<1280xf32, #tpu.memory_space<vmem>>
    %dma_wait3A_192 = arith.constant 2560 : i32
    %dma_wait3A_193 = tpu.memref_slice %arg14[%dma_wait3A_192] : memref<6400xi32, #tpu.memory_space<vmem>> -> memref<1280xi32, #tpu.memory_space<vmem>>
    %dma_wait3A_194 = arith.constant 0 : i32
    %dma_wait3A_195 = tpu.memref_slice %arg6[%dma_wait3A_194] : memref<2000000xf32, #tpu.memory_space<hbm>> -> memref<2000000xf32, #tpu.memory_space<hbm>>
    tpu.wait_indirect_dma semaphore(%arg19 : memref<!tpu.dma_semaphore, #tpu.memory_space<semaphore_mem>>) src(%dma_wait3A_195 : memref<2000000xf32, #tpu.memory_space<hbm>>) dst(%dma_wait3A_191 : memref<1280xf32, #tpu.memory_space<vmem>>)
    %scan3A_196 = arith.constant 20 : i32
    %scan3A_197 = arith.constant 10 : i32
    %scan3A_198 = arith.addi %scan3A_196, %scan3A_197 : i32
    %scan3A_199 = arith.constant 1 : i32
    %scan3A_200:16 = scf.for %scan3A_330 = %scan3A_196 to %scan3A_198 step %scan3A_199 iter_args(%scan3A_331 = %scan3A_182#0, %scan3A_332 = %scan3A_182#1, %scan3A_333 = %scan3A_182#2, %scan3A_334 = %scan3A_182#3, %scan3A_335 = %scan3A_182#4, %scan3A_336 = %scan3A_182#5, %scan3A_337 = %scan3A_182#6, %scan3A_338 = %scan3A_182#7, %scan3A_339 = %scan3A_182#8, %scan3A_340 = %scan3A_182#9, %scan3A_341 = %scan3A_182#10, %scan3A_342 = %scan3A_182#11, %scan3A_343 = %scan3A_182#12, %scan3A_344 = %scan3A_182#13, %scan3A_345 = %scan3A_182#14, %scan3A_346 = %scan3A_182#15) -> (vector<16xf32>, vector<16xf32>, vector<16xf32>, vector<16xf32>, vector<16xf32>, vector<16xf32>, vector<16xf32>, vector<16xf32>, vector<16xf32>, vector<16xf32>, vector<16xf32>, vector<16xf32>, vector<16xf32>, vector<16xf32>, vector<16xf32>, vector<16xf32>)  : i32 {
      %mul3A_347 = arith.constant 128 : i32
      %mul3A_348 = arith.muli %scan3A_330, %mul3A_347 : i32
      %add3A_349 = arith.constant 0 : i32
      %add3A_350 = arith.addi %mul3A_348, %add3A_349 : i32
      %get3A_351 = arith.index_cast %add3A_350 : i32 to index
      %get3A_352 = tpu.vector_load %arg15[%get3A_351] {strides = array<i32>} : memref<6400xf32, #tpu.memory_space<vmem>>, vector<16xf32>,
      %add3A_353 = arith.addf %scan3A_331, %get3A_352 : vector<16xf32>
      %add3A_354 = arith.constant 0 : i32
      %add3A_355 = arith.addi %mul3A_348, %add3A_354 : i32
      %get3A_356 = arith.index_cast %add3A_355 : i32 to index
      %get3A_357 = tpu.vector_load %arg16[%get3A_356] {strides = array<i32>} : memref<6400xf32, #tpu.memory_space<vmem>>, vector<16xf32>,
      %add3A_358 = arith.addf %scan3A_332, %get3A_357 : vector<16xf32>
      %add3A_359 = arith.constant 16 : i32
      %add3A_360 = arith.addi %mul3A_348, %add3A_359 : i32
      %get3A_361 = arith.index_cast %add3A_360 : i32 to index
      %get3A_362 = tpu.vector_load %arg15[%get3A_361] {strides = array<i32>} : memref<6400xf32, #tpu.memory_space<vmem>>, vector<16xf32>,
      %add3A_363 = arith.addf %scan3A_333, %get3A_362 : vector<16xf32>
      %add3A_364 = arith.constant 16 : i32
      %add3A_365 = arith.addi %mul3A_348, %add3A_364 : i32
      %get3A_366 = arith.index_cast %add3A_365 : i32 to index
      %get3A_367 = tpu.vector_load %arg16[%get3A_366] {strides = array<i32>} : memref<6400xf32, #tpu.memory_space<vmem>>, vector<16xf32>,
      %add3A_368 = arith.addf %scan3A_334, %get3A_367 : vector<16xf32>
      %add3A_369 = arith.constant 32 : i32
      %add3A_370 = arith.addi %mul3A_348, %add3A_369 : i32
      %get3A_371 = arith.index_cast %add3A_370 : i32 to index
      %get3A_372 = tpu.vector_load %arg15[%get3A_371] {strides = array<i32>} : memref<6400xf32, #tpu.memory_space<vmem>>, vector<16xf32>,
      %add3A_373 = arith.addf %scan3A_335, %get3A_372 : vector<16xf32>
      %add3A_374 = arith.constant 32 : i32
      %add3A_375 = arith.addi %mul3A_348, %add3A_374 : i32
      %get3A_376 = arith.index_cast %add3A_375 : i32 to index
      %get3A_377 = tpu.vector_load %arg16[%get3A_376] {strides = array<i32>} : memref<6400xf32, #tpu.memory_space<vmem>>, vector<16xf32>,
      %add3A_378 = arith.addf %scan3A_336, %get3A_377 : vector<16xf32>
      %add3A_379 = arith.constant 48 : i32
      %add3A_380 = arith.addi %mul3A_348, %add3A_379 : i32
      %get3A_381 = arith.index_cast %add3A_380 : i32 to index
      %get3A_382 = tpu.vector_load %arg15[%get3A_381] {strides = array<i32>} : memref<6400xf32, #tpu.memory_space<vmem>>, vector<16xf32>,
      %add3A_383 = arith.addf %scan3A_337, %get3A_382 : vector<16xf32>
      %add3A_384 = arith.constant 48 : i32
      %add3A_385 = arith.addi %mul3A_348, %add3A_384 : i32
      %get3A_386 = arith.index_cast %add3A_385 : i32 to index
      %get3A_387 = tpu.vector_load %arg16[%get3A_386] {strides = array<i32>} : memref<6400xf32, #tpu.memory_space<vmem>>, vector<16xf32>,
      %add3A_388 = arith.addf %scan3A_338, %get3A_387 : vector<16xf32>
      %add3A_389 = arith.constant 64 : i32
      %add3A_390 = arith.addi %mul3A_348, %add3A_389 : i32
      %get3A_391 = arith.index_cast %add3A_390 : i32 to index
      %get3A_392 = tpu.vector_load %arg15[%get3A_391] {strides = array<i32>} : memref<6400xf32, #tpu.memory_space<vmem>>, vector<16xf32>,
      %add3A_393 = arith.addf %scan3A_339, %get3A_392 : vector<16xf32>
      %add3A_394 = arith.constant 64 : i32
      %add3A_395 = arith.addi %mul3A_348, %add3A_394 : i32
      %get3A_396 = arith.index_cast %add3A_395 : i32 to index
      %get3A_397 = tpu.vector_load %arg16[%get3A_396] {strides = array<i32>} : memref<6400xf32, #tpu.memory_space<vmem>>, vector<16xf32>,
      %add3A_398 = arith.addf %scan3A_340, %get3A_397 : vector<16xf32>
      %add3A_399 = arith.constant 80 : i32
      %add3A_400 = arith.addi %mul3A_348, %add3A_399 : i32
      %get3A_401 = arith.index_cast %add3A_400 : i32 to index
      %get3A_402 = tpu.vector_load %arg15[%get3A_401] {strides = array<i32>} : memref<6400xf32, #tpu.memory_space<vmem>>, vector<16xf32>,
      %add3A_403 = arith.addf %scan3A_341, %get3A_402 : vector<16xf32>
      %add3A_404 = arith.constant 80 : i32
      %add3A_405 = arith.addi %mul3A_348, %add3A_404 : i32
      %get3A_406 = arith.index_cast %add3A_405 : i32 to index
      %get3A_407 = tpu.vector_load %arg16[%get3A_406] {strides = array<i32>} : memref<6400xf32, #tpu.memory_space<vmem>>, vector<16xf32>,
      %add3A_408 = arith.addf %scan3A_342, %get3A_407 : vector<16xf32>
      %add3A_409 = arith.constant 96 : i32
      %add3A_410 = arith.addi %mul3A_348, %add3A_409 : i32
      %get3A_411 = arith.index_cast %add3A_410 : i32 to index
      %get3A_412 = tpu.vector_load %arg15[%get3A_411] {strides = array<i32>} : memref<6400xf32, #tpu.memory_space<vmem>>, vector<16xf32>,
      %add3A_413 = arith.addf %scan3A_343, %get3A_412 : vector<16xf32>
      %add3A_414 = arith.constant 96 : i32
      %add3A_415 = arith.addi %mul3A_348, %add3A_414 : i32
      %get3A_416 = arith.index_cast %add3A_415 : i32 to index
      %get3A_417 = tpu.vector_load %arg16[%get3A_416] {strides = array<i32>} : memref<6400xf32, #tpu.memory_space<vmem>>, vector<16xf32>,
      %add3A_418 = arith.addf %scan3A_344, %get3A_417 : vector<16xf32>
      %add3A_419 = arith.constant 112 : i32
      %add3A_420 = arith.addi %mul3A_348, %add3A_419 : i32
      %get3A_421 = arith.index_cast %add3A_420 : i32 to index
      %get3A_422 = tpu.vector_load %arg15[%get3A_421] {strides = array<i32>} : memref<6400xf32, #tpu.memory_space<vmem>>, vector<16xf32>,
      %add3A_423 = arith.addf %scan3A_345, %get3A_422 : vector<16xf32>
      %add3A_424 = arith.constant 112 : i32
      %add3A_425 = arith.addi %mul3A_348, %add3A_424 : i32
      %get3A_426 = arith.index_cast %add3A_425 : i32 to index
      %get3A_427 = tpu.vector_load %arg16[%get3A_426] {strides = array<i32>} : memref<6400xf32, #tpu.memory_space<vmem>>, vector<16xf32>,
      %add3A_428 = arith.addf %scan3A_346, %get3A_427 : vector<16xf32>
      scf.yield %add3A_353, %add3A_358, %add3A_363, %add3A_368, %add3A_373, %add3A_378, %add3A_383, %add3A_388, %add3A_393, %add3A_398, %add3A_403, %add3A_408, %add3A_413, %add3A_418, %add3A_423, %add3A_428 : vector<16xf32>, vector<16xf32>, vector<16xf32>, vector<16xf32>, vector<16xf32>, vector<16xf32>, vector<16xf32>, vector<16xf32>, vector<16xf32>, vector<16xf32>, vector<16xf32>, vector<16xf32>, vector<16xf32>, vector<16xf32>, vector<16xf32>, vector<16xf32>
    }
    %scan3A_201 = arith.constant 10 : i32
    %dma_wait3A_202 = arith.constant 3840 : i32
    %dma_wait3A_203 = tpu.memref_slice %arg15[%dma_wait3A_202] : memref<6400xf32, #tpu.memory_space<vmem>> -> memref<1280xf32, #tpu.memory_space<vmem>>
    %dma_wait3A_204 = arith.constant 3840 : i32
    %dma_wait3A_205 = tpu.memref_slice %arg13[%dma_wait3A_204] : memref<6400xi32, #tpu.memory_space<vmem>> -> memref<1280xi32, #tpu.memory_space<vmem>>
    %dma_wait3A_206 = arith.constant 0 : i32
    %dma_wait3A_207 = tpu.memref_slice %arg6[%dma_wait3A_206] : memref<2000000xf32, #tpu.memory_space<hbm>> -> memref<2000000xf32, #tpu.memory_space<hbm>>
    tpu.wait_indirect_dma semaphore(%arg19 : memref<!tpu.dma_semaphore, #tpu.memory_space<semaphore_mem>>) src(%dma_wait3A_207 : memref<2000000xf32, #tpu.memory_space<hbm>>) dst(%dma_wait3A_203 : memref<1280xf32, #tpu.memory_space<vmem>>)
    %dma_wait3A_208 = arith.constant 3840 : i32
    %dma_wait3A_209 = tpu.memref_slice %arg16[%dma_wait3A_208] : memref<6400xf32, #tpu.memory_space<vmem>> -> memref<1280xf32, #tpu.memory_space<vmem>>
    %dma_wait3A_210 = arith.constant 3840 : i32
    %dma_wait3A_211 = tpu.memref_slice %arg14[%dma_wait3A_210] : memref<6400xi32, #tpu.memory_space<vmem>> -> memref<1280xi32, #tpu.memory_space<vmem>>
    %dma_wait3A_212 = arith.constant 0 : i32
    %dma_wait3A_213 = tpu.memref_slice %arg6[%dma_wait3A_212] : memref<2000000xf32, #tpu.memory_space<hbm>> -> memref<2000000xf32, #tpu.memory_space<hbm>>
    tpu.wait_indirect_dma semaphore(%arg19 : memref<!tpu.dma_semaphore, #tpu.memory_space<semaphore_mem>>) src(%dma_wait3A_213 : memref<2000000xf32, #tpu.memory_space<hbm>>) dst(%dma_wait3A_209 : memref<1280xf32, #tpu.memory_space<vmem>>)
    %scan3A_214 = arith.constant 30 : i32
    %scan3A_215 = arith.constant 10 : i32
    %scan3A_216 = arith.addi %scan3A_214, %scan3A_215 : i32
    %scan3A_217 = arith.constant 1 : i32
    %scan3A_218:16 = scf.for %scan3A_330 = %scan3A_214 to %scan3A_216 step %scan3A_217 iter_args(%scan3A_331 = %scan3A_200#0, %scan3A_332 = %scan3A_200#1, %scan3A_333 = %scan3A_200#2, %scan3A_334 = %scan3A_200#3, %scan3A_335 = %scan3A_200#4, %scan3A_336 = %scan3A_200#5, %scan3A_337 = %scan3A_200#6, %scan3A_338 = %scan3A_200#7, %scan3A_339 = %scan3A_200#8, %scan3A_340 = %scan3A_200#9, %scan3A_341 = %scan3A_200#10, %scan3A_342 = %scan3A_200#11, %scan3A_343 = %scan3A_200#12, %scan3A_344 = %scan3A_200#13, %scan3A_345 = %scan3A_200#14, %scan3A_346 = %scan3A_200#15) -> (vector<16xf32>, vector<16xf32>, vector<16xf32>, vector<16xf32>, vector<16xf32>, vector<16xf32>, vector<16xf32>, vector<16xf32>, vector<16xf32>, vector<16xf32>, vector<16xf32>, vector<16xf32>, vector<16xf32>, vector<16xf32>, vector<16xf32>, vector<16xf32>)  : i32 {
      %mul3A_347 = arith.constant 128 : i32
      %mul3A_348 = arith.muli %scan3A_330, %mul3A_347 : i32
      %add3A_349 = arith.constant 0 : i32
      %add3A_350 = arith.addi %mul3A_348, %add3A_349 : i32
      %get3A_351 = arith.index_cast %add3A_350 : i32 to index
      %get3A_352 = tpu.vector_load %arg15[%get3A_351] {strides = array<i32>} : memref<6400xf32, #tpu.memory_space<vmem>>, vector<16xf32>,
      %add3A_353 = arith.addf %scan3A_331, %get3A_352 : vector<16xf32>
      %add3A_354 = arith.constant 0 : i32
      %add3A_355 = arith.addi %mul3A_348, %add3A_354 : i32
      %get3A_356 = arith.index_cast %add3A_355 : i32 to index
      %get3A_357 = tpu.vector_load %arg16[%get3A_356] {strides = array<i32>} : memref<6400xf32, #tpu.memory_space<vmem>>, vector<16xf32>,
      %add3A_358 = arith.addf %scan3A_332, %get3A_357 : vector<16xf32>
      %add3A_359 = arith.constant 16 : i32
      %add3A_360 = arith.addi %mul3A_348, %add3A_359 : i32
      %get3A_361 = arith.index_cast %add3A_360 : i32 to index
      %get3A_362 = tpu.vector_load %arg15[%get3A_361] {strides = array<i32>} : memref<6400xf32, #tpu.memory_space<vmem>>, vector<16xf32>,
      %add3A_363 = arith.addf %scan3A_333, %get3A_362 : vector<16xf32>
      %add3A_364 = arith.constant 16 : i32
      %add3A_365 = arith.addi %mul3A_348, %add3A_364 : i32
      %get3A_366 = arith.index_cast %add3A_365 : i32 to index
      %get3A_367 = tpu.vector_load %arg16[%get3A_366] {strides = array<i32>} : memref<6400xf32, #tpu.memory_space<vmem>>, vector<16xf32>,
      %add3A_368 = arith.addf %scan3A_334, %get3A_367 : vector<16xf32>
      %add3A_369 = arith.constant 32 : i32
      %add3A_370 = arith.addi %mul3A_348, %add3A_369 : i32
      %get3A_371 = arith.index_cast %add3A_370 : i32 to index
      %get3A_372 = tpu.vector_load %arg15[%get3A_371] {strides = array<i32>} : memref<6400xf32, #tpu.memory_space<vmem>>, vector<16xf32>,
      %add3A_373 = arith.addf %scan3A_335, %get3A_372 : vector<16xf32>
      %add3A_374 = arith.constant 32 : i32
      %add3A_375 = arith.addi %mul3A_348, %add3A_374 : i32
      %get3A_376 = arith.index_cast %add3A_375 : i32 to index
      %get3A_377 = tpu.vector_load %arg16[%get3A_376] {strides = array<i32>} : memref<6400xf32, #tpu.memory_space<vmem>>, vector<16xf32>,
      %add3A_378 = arith.addf %scan3A_336, %get3A_377 : vector<16xf32>
      %add3A_379 = arith.constant 48 : i32
      %add3A_380 = arith.addi %mul3A_348, %add3A_379 : i32
      %get3A_381 = arith.index_cast %add3A_380 : i32 to index
      %get3A_382 = tpu.vector_load %arg15[%get3A_381] {strides = array<i32>} : memref<6400xf32, #tpu.memory_space<vmem>>, vector<16xf32>,
      %add3A_383 = arith.addf %scan3A_337, %get3A_382 : vector<16xf32>
      %add3A_384 = arith.constant 48 : i32
      %add3A_385 = arith.addi %mul3A_348, %add3A_384 : i32
      %get3A_386 = arith.index_cast %add3A_385 : i32 to index
      %get3A_387 = tpu.vector_load %arg16[%get3A_386] {strides = array<i32>} : memref<6400xf32, #tpu.memory_space<vmem>>, vector<16xf32>,
      %add3A_388 = arith.addf %scan3A_338, %get3A_387 : vector<16xf32>
      %add3A_389 = arith.constant 64 : i32
      %add3A_390 = arith.addi %mul3A_348, %add3A_389 : i32
      %get3A_391 = arith.index_cast %add3A_390 : i32 to index
      %get3A_392 = tpu.vector_load %arg15[%get3A_391] {strides = array<i32>} : memref<6400xf32, #tpu.memory_space<vmem>>, vector<16xf32>,
      %add3A_393 = arith.addf %scan3A_339, %get3A_392 : vector<16xf32>
      %add3A_394 = arith.constant 64 : i32
      %add3A_395 = arith.addi %mul3A_348, %add3A_394 : i32
      %get3A_396 = arith.index_cast %add3A_395 : i32 to index
      %get3A_397 = tpu.vector_load %arg16[%get3A_396] {strides = array<i32>} : memref<6400xf32, #tpu.memory_space<vmem>>, vector<16xf32>,
      %add3A_398 = arith.addf %scan3A_340, %get3A_397 : vector<16xf32>
      %add3A_399 = arith.constant 80 : i32
      %add3A_400 = arith.addi %mul3A_348, %add3A_399 : i32
      %get3A_401 = arith.index_cast %add3A_400 : i32 to index
      %get3A_402 = tpu.vector_load %arg15[%get3A_401] {strides = array<i32>} : memref<6400xf32, #tpu.memory_space<vmem>>, vector<16xf32>,
      %add3A_403 = arith.addf %scan3A_341, %get3A_402 : vector<16xf32>
      %add3A_404 = arith.constant 80 : i32
      %add3A_405 = arith.addi %mul3A_348, %add3A_404 : i32
      %get3A_406 = arith.index_cast %add3A_405 : i32 to index
      %get3A_407 = tpu.vector_load %arg16[%get3A_406] {strides = array<i32>} : memref<6400xf32, #tpu.memory_space<vmem>>, vector<16xf32>,
      %add3A_408 = arith.addf %scan3A_342, %get3A_407 : vector<16xf32>
      %add3A_409 = arith.constant 96 : i32
      %add3A_410 = arith.addi %mul3A_348, %add3A_409 : i32
      %get3A_411 = arith.index_cast %add3A_410 : i32 to index
      %get3A_412 = tpu.vector_load %arg15[%get3A_411] {strides = array<i32>} : memref<6400xf32, #tpu.memory_space<vmem>>, vector<16xf32>,
      %add3A_413 = arith.addf %scan3A_343, %get3A_412 : vector<16xf32>
      %add3A_414 = arith.constant 96 : i32
      %add3A_415 = arith.addi %mul3A_348, %add3A_414 : i32
      %get3A_416 = arith.index_cast %add3A_415 : i32 to index
      %get3A_417 = tpu.vector_load %arg16[%get3A_416] {strides = array<i32>} : memref<6400xf32, #tpu.memory_space<vmem>>, vector<16xf32>,
      %add3A_418 = arith.addf %scan3A_344, %get3A_417 : vector<16xf32>
      %add3A_419 = arith.constant 112 : i32
      %add3A_420 = arith.addi %mul3A_348, %add3A_419 : i32
      %get3A_421 = arith.index_cast %add3A_420 : i32 to index
      %get3A_422 = tpu.vector_load %arg15[%get3A_421] {strides = array<i32>} : memref<6400xf32, #tpu.memory_space<vmem>>, vector<16xf32>,
      %add3A_423 = arith.addf %scan3A_345, %get3A_422 : vector<16xf32>
      %add3A_424 = arith.constant 112 : i32
      %add3A_425 = arith.addi %mul3A_348, %add3A_424 : i32
      %get3A_426 = arith.index_cast %add3A_425 : i32 to index
      %get3A_427 = tpu.vector_load %arg16[%get3A_426] {strides = array<i32>} : memref<6400xf32, #tpu.memory_space<vmem>>, vector<16xf32>,
      %add3A_428 = arith.addf %scan3A_346, %get3A_427 : vector<16xf32>
      scf.yield %add3A_353, %add3A_358, %add3A_363, %add3A_368, %add3A_373, %add3A_378, %add3A_383, %add3A_388, %add3A_393, %add3A_398, %add3A_403, %add3A_408, %add3A_413, %add3A_418, %add3A_423, %add3A_428 : vector<16xf32>, vector<16xf32>, vector<16xf32>, vector<16xf32>, vector<16xf32>, vector<16xf32>, vector<16xf32>, vector<16xf32>, vector<16xf32>, vector<16xf32>, vector<16xf32>, vector<16xf32>, vector<16xf32>, vector<16xf32>, vector<16xf32>, vector<16xf32>
    }
    %scan3A_219 = arith.constant 10 : i32
    %dma_wait3A_220 = arith.constant 5120 : i32
    %dma_wait3A_221 = tpu.memref_slice %arg15[%dma_wait3A_220] : memref<6400xf32, #tpu.memory_space<vmem>> -> memref<1280xf32, #tpu.memory_space<vmem>>
    %dma_wait3A_222 = arith.constant 5120 : i32
    %dma_wait3A_223 = tpu.memref_slice %arg13[%dma_wait3A_222] : memref<6400xi32, #tpu.memory_space<vmem>> -> memref<1280xi32, #tpu.memory_space<vmem>>
    %dma_wait3A_224 = arith.constant 0 : i32
    %dma_wait3A_225 = tpu.memref_slice %arg6[%dma_wait3A_224] : memref<2000000xf32, #tpu.memory_space<hbm>> -> memref<2000000xf32, #tpu.memory_space<hbm>>
    tpu.wait_indirect_dma semaphore(%arg19 : memref<!tpu.dma_semaphore, #tpu.memory_space<semaphore_mem>>) src(%dma_wait3A_225 : memref<2000000xf32, #tpu.memory_space<hbm>>) dst(%dma_wait3A_221 : memref<1280xf32, #tpu.memory_space<vmem>>)
    %dma_wait3A_226 = arith.constant 5120 : i32
    %dma_wait3A_227 = tpu.memref_slice %arg16[%dma_wait3A_226] : memref<6400xf32, #tpu.memory_space<vmem>> -> memref<1280xf32, #tpu.memory_space<vmem>>
    %dma_wait3A_228 = arith.constant 5120 : i32
    %dma_wait3A_229 = tpu.memref_slice %arg14[%dma_wait3A_228] : memref<6400xi32, #tpu.memory_space<vmem>> -> memref<1280xi32, #tpu.memory_space<vmem>>
    %dma_wait3A_230 = arith.constant 0 : i32
    %dma_wait3A_231 = tpu.memref_slice %arg6[%dma_wait3A_230] : memref<2000000xf32, #tpu.memory_space<hbm>> -> memref<2000000xf32, #tpu.memory_space<hbm>>
    tpu.wait_indirect_dma semaphore(%arg19 : memref<!tpu.dma_semaphore, #tpu.memory_space<semaphore_mem>>) src(%dma_wait3A_231 : memref<2000000xf32, #tpu.memory_space<hbm>>) dst(%dma_wait3A_227 : memref<1280xf32, #tpu.memory_space<vmem>>)
    %scan3A_232 = arith.constant 40 : i32
    %scan3A_233 = arith.constant 10 : i32
    %scan3A_234 = arith.addi %scan3A_232, %scan3A_233 : i32
    %scan3A_235 = arith.constant 1 : i32
    %scan3A_236:16 = scf.for %scan3A_330 = %scan3A_232 to %scan3A_234 step %scan3A_235 iter_args(%scan3A_331 = %scan3A_218#0, %scan3A_332 = %scan3A_218#1, %scan3A_333 = %scan3A_218#2, %scan3A_334 = %scan3A_218#3, %scan3A_335 = %scan3A_218#4, %scan3A_336 = %scan3A_218#5, %scan3A_337 = %scan3A_218#6, %scan3A_338 = %scan3A_218#7, %scan3A_339 = %scan3A_218#8, %scan3A_340 = %scan3A_218#9, %scan3A_341 = %scan3A_218#10, %scan3A_342 = %scan3A_218#11, %scan3A_343 = %scan3A_218#12, %scan3A_344 = %scan3A_218#13, %scan3A_345 = %scan3A_218#14, %scan3A_346 = %scan3A_218#15) -> (vector<16xf32>, vector<16xf32>, vector<16xf32>, vector<16xf32>, vector<16xf32>, vector<16xf32>, vector<16xf32>, vector<16xf32>, vector<16xf32>, vector<16xf32>, vector<16xf32>, vector<16xf32>, vector<16xf32>, vector<16xf32>, vector<16xf32>, vector<16xf32>)  : i32 {
      %mul3A_347 = arith.constant 128 : i32
      %mul3A_348 = arith.muli %scan3A_330, %mul3A_347 : i32
      %add3A_349 = arith.constant 0 : i32
      %add3A_350 = arith.addi %mul3A_348, %add3A_349 : i32
      %get3A_351 = arith.index_cast %add3A_350 : i32 to index
      %get3A_352 = tpu.vector_load %arg15[%get3A_351] {strides = array<i32>} : memref<6400xf32, #tpu.memory_space<vmem>>, vector<16xf32>,
      %add3A_353 = arith.addf %scan3A_331, %get3A_352 : vector<16xf32>
      %add3A_354 = arith.constant 0 : i32
      %add3A_355 = arith.addi %mul3A_348, %add3A_354 : i32
      %get3A_356 = arith.index_cast %add3A_355 : i32 to index
      %get3A_357 = tpu.vector_load %arg16[%get3A_356] {strides = array<i32>} : memref<6400xf32, #tpu.memory_space<vmem>>, vector<16xf32>,
      %add3A_358 = arith.addf %scan3A_332, %get3A_357 : vector<16xf32>
      %add3A_359 = arith.constant 16 : i32
      %add3A_360 = arith.addi %mul3A_348, %add3A_359 : i32
      %get3A_361 = arith.index_cast %add3A_360 : i32 to index
      %get3A_362 = tpu.vector_load %arg15[%get3A_361] {strides = array<i32>} : memref<6400xf32, #tpu.memory_space<vmem>>, vector<16xf32>,
      %add3A_363 = arith.addf %scan3A_333, %get3A_362 : vector<16xf32>
      %add3A_364 = arith.constant 16 : i32
      %add3A_365 = arith.addi %mul3A_348, %add3A_364 : i32
      %get3A_366 = arith.index_cast %add3A_365 : i32 to index
      %get3A_367 = tpu.vector_load %arg16[%get3A_366] {strides = array<i32>} : memref<6400xf32, #tpu.memory_space<vmem>>, vector<16xf32>,
      %add3A_368 = arith.addf %scan3A_334, %get3A_367 : vector<16xf32>
      %add3A_369 = arith.constant 32 : i32
      %add3A_370 = arith.addi %mul3A_348, %add3A_369 : i32
      %get3A_371 = arith.index_cast %add3A_370 : i32 to index
      %get3A_372 = tpu.vector_load %arg15[%get3A_371] {strides = array<i32>} : memref<6400xf32, #tpu.memory_space<vmem>>, vector<16xf32>,
      %add3A_373 = arith.addf %scan3A_335, %get3A_372 : vector<16xf32>
      %add3A_374 = arith.constant 32 : i32
      %add3A_375 = arith.addi %mul3A_348, %add3A_374 : i32
      %get3A_376 = arith.index_cast %add3A_375 : i32 to index
      %get3A_377 = tpu.vector_load %arg16[%get3A_376] {strides = array<i32>} : memref<6400xf32, #tpu.memory_space<vmem>>, vector<16xf32>,
      %add3A_378 = arith.addf %scan3A_336, %get3A_377 : vector<16xf32>
      %add3A_379 = arith.constant 48 : i32
      %add3A_380 = arith.addi %mul3A_348, %add3A_379 : i32
      %get3A_381 = arith.index_cast %add3A_380 : i32 to index
      %get3A_382 = tpu.vector_load %arg15[%get3A_381] {strides = array<i32>} : memref<6400xf32, #tpu.memory_space<vmem>>, vector<16xf32>,
      %add3A_383 = arith.addf %scan3A_337, %get3A_382 : vector<16xf32>
      %add3A_384 = arith.constant 48 : i32
      %add3A_385 = arith.addi %mul3A_348, %add3A_384 : i32
      %get3A_386 = arith.index_cast %add3A_385 : i32 to index
      %get3A_387 = tpu.vector_load %arg16[%get3A_386] {strides = array<i32>} : memref<6400xf32, #tpu.memory_space<vmem>>, vector<16xf32>,
      %add3A_388 = arith.addf %scan3A_338, %get3A_387 : vector<16xf32>
      %add3A_389 = arith.constant 64 : i32
      %add3A_390 = arith.addi %mul3A_348, %add3A_389 : i32
      %get3A_391 = arith.index_cast %add3A_390 : i32 to index
      %get3A_392 = tpu.vector_load %arg15[%get3A_391] {strides = array<i32>} : memref<6400xf32, #tpu.memory_space<vmem>>, vector<16xf32>,
      %add3A_393 = arith.addf %scan3A_339, %get3A_392 : vector<16xf32>
      %add3A_394 = arith.constant 64 : i32
      %add3A_395 = arith.addi %mul3A_348, %add3A_394 : i32
      %get3A_396 = arith.index_cast %add3A_395 : i32 to index
      %get3A_397 = tpu.vector_load %arg16[%get3A_396] {strides = array<i32>} : memref<6400xf32, #tpu.memory_space<vmem>>, vector<16xf32>,
      %add3A_398 = arith.addf %scan3A_340, %get3A_397 : vector<16xf32>
      %add3A_399 = arith.constant 80 : i32
      %add3A_400 = arith.addi %mul3A_348, %add3A_399 : i32
      %get3A_401 = arith.index_cast %add3A_400 : i32 to index
      %get3A_402 = tpu.vector_load %arg15[%get3A_401] {strides = array<i32>} : memref<6400xf32, #tpu.memory_space<vmem>>, vector<16xf32>,
      %add3A_403 = arith.addf %scan3A_341, %get3A_402 : vector<16xf32>
      %add3A_404 = arith.constant 80 : i32
      %add3A_405 = arith.addi %mul3A_348, %add3A_404 : i32
      %get3A_406 = arith.index_cast %add3A_405 : i32 to index
      %get3A_407 = tpu.vector_load %arg16[%get3A_406] {strides = array<i32>} : memref<6400xf32, #tpu.memory_space<vmem>>, vector<16xf32>,
      %add3A_408 = arith.addf %scan3A_342, %get3A_407 : vector<16xf32>
      %add3A_409 = arith.constant 96 : i32
      %add3A_410 = arith.addi %mul3A_348, %add3A_409 : i32
      %get3A_411 = arith.index_cast %add3A_410 : i32 to index
      %get3A_412 = tpu.vector_load %arg15[%get3A_411] {strides = array<i32>} : memref<6400xf32, #tpu.memory_space<vmem>>, vector<16xf32>,
      %add3A_413 = arith.addf %scan3A_343, %get3A_412 : vector<16xf32>
      %add3A_414 = arith.constant 96 : i32
      %add3A_415 = arith.addi %mul3A_348, %add3A_414 : i32
      %get3A_416 = arith.index_cast %add3A_415 : i32 to index
      %get3A_417 = tpu.vector_load %arg16[%get3A_416] {strides = array<i32>} : memref<6400xf32, #tpu.memory_space<vmem>>, vector<16xf32>,
      %add3A_418 = arith.addf %scan3A_344, %get3A_417 : vector<16xf32>
      %add3A_419 = arith.constant 112 : i32
      %add3A_420 = arith.addi %mul3A_348, %add3A_419 : i32
      %get3A_421 = arith.index_cast %add3A_420 : i32 to index
      %get3A_422 = tpu.vector_load %arg15[%get3A_421] {strides = array<i32>} : memref<6400xf32, #tpu.memory_space<vmem>>, vector<16xf32>,
      %add3A_423 = arith.addf %scan3A_345, %get3A_422 : vector<16xf32>
      %add3A_424 = arith.constant 112 : i32
      %add3A_425 = arith.addi %mul3A_348, %add3A_424 : i32
      %get3A_426 = arith.index_cast %add3A_425 : i32 to index
      %get3A_427 = tpu.vector_load %arg16[%get3A_426] {strides = array<i32>} : memref<6400xf32, #tpu.memory_space<vmem>>, vector<16xf32>,
      %add3A_428 = arith.addf %scan3A_346, %get3A_427 : vector<16xf32>
      scf.yield %add3A_353, %add3A_358, %add3A_363, %add3A_368, %add3A_373, %add3A_378, %add3A_383, %add3A_388, %add3A_393, %add3A_398, %add3A_403, %add3A_408, %add3A_413, %add3A_418, %add3A_423, %add3A_428 : vector<16xf32>, vector<16xf32>, vector<16xf32>, vector<16xf32>, vector<16xf32>, vector<16xf32>, vector<16xf32>, vector<16xf32>, vector<16xf32>, vector<16xf32>, vector<16xf32>, vector<16xf32>, vector<16xf32>, vector<16xf32>, vector<16xf32>, vector<16xf32>
    }
    %scan3A_237 = arith.constant 10 : i32
    %dma_wait3A_238 = tpu.memref_slice %arg4[%mul3A_11] : memref<4096xf32, #tpu.memory_space<hbm>> -> memref<128xf32, #tpu.memory_space<hbm>>
    %dma_wait3A_239 = tpu.memref_slice %arg4[%mul3A_11] : memref<4096xf32, #tpu.memory_space<hbm>> -> memref<128xf32, #tpu.memory_space<hbm>>
    tpu.wait_dma2 semaphore(%arg20 : memref<!tpu.dma_semaphore, #tpu.memory_space<semaphore_mem>>) src(%dma_wait3A_239 : memref<128xf32, #tpu.memory_space<hbm>>) dst(%arg11 : memref<128xf32, #tpu.memory_space<vmem>>)
    %dma_wait3A_240 = tpu.memref_slice %arg5[%mul3A_15] : memref<4096xf32, #tpu.memory_space<hbm>> -> memref<128xf32, #tpu.memory_space<hbm>>
    %dma_wait3A_241 = tpu.memref_slice %arg5[%mul3A_15] : memref<4096xf32, #tpu.memory_space<hbm>> -> memref<128xf32, #tpu.memory_space<hbm>>
    tpu.wait_dma2 semaphore(%arg20 : memref<!tpu.dma_semaphore, #tpu.memory_space<semaphore_mem>>) src(%dma_wait3A_241 : memref<128xf32, #tpu.memory_space<hbm>>) dst(%arg12 : memref<128xf32, #tpu.memory_space<vmem>>)
    %get3A = arith.constant 0 : index
    %get3A_242 = tpu.vector_load %arg11[%get3A] {strides = array<i32>} : memref<128xf32, #tpu.memory_space<vmem>>, vector<16xf32>,
    %get3A_243 = arith.constant 0 : index
    %get3A_244 = tpu.vector_load %arg12[%get3A_243] {strides = array<i32>} : memref<128xf32, #tpu.memory_space<vmem>>, vector<16xf32>,
    %mul3A_245 = arith.mulf %scan3A_236#0, %get3A_242 : vector<16xf32>
    %add3A_246 = arith.addf %mul3A_245, %scan3A_236#1 : vector<16xf32>
    %swap3A = arith.constant 0 : index
    %swap3A_247 = tpu.vector_load %arg17[%swap3A] {strides = array<i32>} : memref<128xf32, #tpu.memory_space<vmem>>, vector<16xf32>,
    tpu.vector_store %arg17[%swap3A], %add3A_246 {strides = array<i32>} : memref<128xf32, #tpu.memory_space<vmem>>, vector<16xf32>,
    %sub3A = arith.subf %get3A_244, %add3A_246 : vector<16xf32>
    %mul3A_248 = arith.mulf %sub3A, %sub3A : vector<16xf32>
    %get3A_249 = arith.constant 16 : index
    %get3A_250 = tpu.vector_load %arg11[%get3A_249] {strides = array<i32>} : memref<128xf32, #tpu.memory_space<vmem>>, vector<16xf32>,
    %get3A_251 = arith.constant 16 : index
    %get3A_252 = tpu.vector_load %arg12[%get3A_251] {strides = array<i32>} : memref<128xf32, #tpu.memory_space<vmem>>, vector<16xf32>,
    %mul3A_253 = arith.mulf %scan3A_236#2, %get3A_250 : vector<16xf32>
    %add3A_254 = arith.addf %mul3A_253, %scan3A_236#3 : vector<16xf32>
    %swap3A_255 = arith.constant 16 : index
    %swap3A_256 = tpu.vector_load %arg17[%swap3A_255] {strides = array<i32>} : memref<128xf32, #tpu.memory_space<vmem>>, vector<16xf32>,
    tpu.vector_store %arg17[%swap3A_255], %add3A_254 {strides = array<i32>} : memref<128xf32, #tpu.memory_space<vmem>>, vector<16xf32>,
    %sub3A_257 = arith.subf %get3A_252, %add3A_254 : vector<16xf32>
    %mul3A_258 = arith.mulf %sub3A_257, %sub3A_257 : vector<16xf32>
    %add3A_259 = arith.addf %mul3A_248, %mul3A_258 : vector<16xf32>
    %get3A_260 = arith.constant 32 : index
    %get3A_261 = tpu.vector_load %arg11[%get3A_260] {strides = array<i32>} : memref<128xf32, #tpu.memory_space<vmem>>, vector<16xf32>,
    %get3A_262 = arith.constant 32 : index
    %get3A_263 = tpu.vector_load %arg12[%get3A_262] {strides = array<i32>} : memref<128xf32, #tpu.memory_space<vmem>>, vector<16xf32>,
    %mul3A_264 = arith.mulf %scan3A_236#4, %get3A_261 : vector<16xf32>
    %add3A_265 = arith.addf %mul3A_264, %scan3A_236#5 : vector<16xf32>
    %swap3A_266 = arith.constant 32 : index
    %swap3A_267 = tpu.vector_load %arg17[%swap3A_266] {strides = array<i32>} : memref<128xf32, #tpu.memory_space<vmem>>, vector<16xf32>,
    tpu.vector_store %arg17[%swap3A_266], %add3A_265 {strides = array<i32>} : memref<128xf32, #tpu.memory_space<vmem>>, vector<16xf32>,
    %sub3A_268 = arith.subf %get3A_263, %add3A_265 : vector<16xf32>
    %mul3A_269 = arith.mulf %sub3A_268, %sub3A_268 : vector<16xf32>
    %add3A_270 = arith.addf %add3A_259, %mul3A_269 : vector<16xf32>
    %get3A_271 = arith.constant 48 : index
    %get3A_272 = tpu.vector_load %arg11[%get3A_271] {strides = array<i32>} : memref<128xf32, #tpu.memory_space<vmem>>, vector<16xf32>,
    %get3A_273 = arith.constant 48 : index
    %get3A_274 = tpu.vector_load %arg12[%get3A_273] {strides = array<i32>} : memref<128xf32, #tpu.memory_space<vmem>>, vector<16xf32>,
    %mul3A_275 = arith.mulf %scan3A_236#6, %get3A_272 : vector<16xf32>
    %add3A_276 = arith.addf %mul3A_275, %scan3A_236#7 : vector<16xf32>
    %swap3A_277 = arith.constant 48 : index
    %swap3A_278 = tpu.vector_load %arg17[%swap3A_277] {strides = array<i32>} : memref<128xf32, #tpu.memory_space<vmem>>, vector<16xf32>,
    tpu.vector_store %arg17[%swap3A_277], %add3A_276 {strides = array<i32>} : memref<128xf32, #tpu.memory_space<vmem>>, vector<16xf32>,
    %sub3A_279 = arith.subf %get3A_274, %add3A_276 : vector<16xf32>
    %mul3A_280 = arith.mulf %sub3A_279, %sub3A_279 : vector<16xf32>
    %add3A_281 = arith.addf %add3A_270, %mul3A_280 : vector<16xf32>
    %get3A_282 = arith.constant 64 : index
    %get3A_283 = tpu.vector_load %arg11[%get3A_282] {strides = array<i32>} : memref<128xf32, #tpu.memory_space<vmem>>, vector<16xf32>,
    %get3A_284 = arith.constant 64 : index
    %get3A_285 = tpu.vector_load %arg12[%get3A_284] {strides = array<i32>} : memref<128xf32, #tpu.memory_space<vmem>>, vector<16xf32>,
    %mul3A_286 = arith.mulf %scan3A_236#8, %get3A_283 : vector<16xf32>
    %add3A_287 = arith.addf %mul3A_286, %scan3A_236#9 : vector<16xf32>
    %swap3A_288 = arith.constant 64 : index
    %swap3A_289 = tpu.vector_load %arg17[%swap3A_288] {strides = array<i32>} : memref<128xf32, #tpu.memory_space<vmem>>, vector<16xf32>,
    tpu.vector_store %arg17[%swap3A_288], %add3A_287 {strides = array<i32>} : memref<128xf32, #tpu.memory_space<vmem>>, vector<16xf32>,
    %sub3A_290 = arith.subf %get3A_285, %add3A_287 : vector<16xf32>
    %mul3A_291 = arith.mulf %sub3A_290, %sub3A_290 : vector<16xf32>
    %add3A_292 = arith.addf %add3A_281, %mul3A_291 : vector<16xf32>
    %get3A_293 = arith.constant 80 : index
    %get3A_294 = tpu.vector_load %arg11[%get3A_293] {strides = array<i32>} : memref<128xf32, #tpu.memory_space<vmem>>, vector<16xf32>,
    %get3A_295 = arith.constant 80 : index
    %get3A_296 = tpu.vector_load %arg12[%get3A_295] {strides = array<i32>} : memref<128xf32, #tpu.memory_space<vmem>>, vector<16xf32>,
    %mul3A_297 = arith.mulf %scan3A_236#10, %get3A_294 : vector<16xf32>
    %add3A_298 = arith.addf %mul3A_297, %scan3A_236#11 : vector<16xf32>
    %swap3A_299 = arith.constant 80 : index
    %swap3A_300 = tpu.vector_load %arg17[%swap3A_299] {strides = array<i32>} : memref<128xf32, #tpu.memory_space<vmem>>, vector<16xf32>,
    tpu.vector_store %arg17[%swap3A_299], %add3A_298 {strides = array<i32>} : memref<128xf32, #tpu.memory_space<vmem>>, vector<16xf32>,
    %sub3A_301 = arith.subf %get3A_296, %add3A_298 : vector<16xf32>
    %mul3A_302 = arith.mulf %sub3A_301, %sub3A_301 : vector<16xf32>
    %add3A_303 = arith.addf %add3A_292, %mul3A_302 : vector<16xf32>
    %get3A_304 = arith.constant 96 : index
    %get3A_305 = tpu.vector_load %arg11[%get3A_304] {strides = array<i32>} : memref<128xf32, #tpu.memory_space<vmem>>, vector<16xf32>,
    %get3A_306 = arith.constant 96 : index
    %get3A_307 = tpu.vector_load %arg12[%get3A_306] {strides = array<i32>} : memref<128xf32, #tpu.memory_space<vmem>>, vector<16xf32>,
    %mul3A_308 = arith.mulf %scan3A_236#12, %get3A_305 : vector<16xf32>
    %add3A_309 = arith.addf %mul3A_308, %scan3A_236#13 : vector<16xf32>
    %swap3A_310 = arith.constant 96 : index
    %swap3A_311 = tpu.vector_load %arg17[%swap3A_310] {strides = array<i32>} : memref<128xf32, #tpu.memory_space<vmem>>, vector<16xf32>,
    tpu.vector_store %arg17[%swap3A_310], %add3A_309 {strides = array<i32>} : memref<128xf32, #tpu.memory_space<vmem>>, vector<16xf32>,
    %sub3A_312 = arith.subf %get3A_307, %add3A_309 : vector<16xf32>
    %mul3A_313 = arith.mulf %sub3A_312, %sub3A_312 : vector<16xf32>
    %add3A_314 = arith.addf %add3A_303, %mul3A_313 : vector<16xf32>
    %get3A_315 = arith.constant 112 : index
    %get3A_316 = tpu.vector_load %arg11[%get3A_315] {strides = array<i32>} : memref<128xf32, #tpu.memory_space<vmem>>, vector<16xf32>,
    %get3A_317 = arith.constant 112 : index
    %get3A_318 = tpu.vector_load %arg12[%get3A_317] {strides = array<i32>} : memref<128xf32, #tpu.memory_space<vmem>>, vector<16xf32>,
    %mul3A_319 = arith.mulf %scan3A_236#14, %get3A_316 : vector<16xf32>
    %add3A_320 = arith.addf %mul3A_319, %scan3A_236#15 : vector<16xf32>
    %swap3A_321 = arith.constant 112 : index
    %swap3A_322 = tpu.vector_load %arg17[%swap3A_321] {strides = array<i32>} : memref<128xf32, #tpu.memory_space<vmem>>, vector<16xf32>,
    tpu.vector_store %arg17[%swap3A_321], %add3A_320 {strides = array<i32>} : memref<128xf32, #tpu.memory_space<vmem>>, vector<16xf32>,
    %sub3A_323 = arith.subf %get3A_318, %add3A_320 : vector<16xf32>
    %mul3A_324 = arith.mulf %sub3A_323, %sub3A_323 : vector<16xf32>
    %add3A_325 = arith.addf %add3A_314, %mul3A_324 : vector<16xf32>
    %swap3A_326 = arith.constant 0 : index
    %swap3A_327 = tpu.vector_load %arg18[%swap3A_326] {strides = array<i32>} : memref<16xf32, #tpu.memory_space<vmem>>, vector<16xf32>,
    tpu.vector_store %arg18[%swap3A_326], %add3A_325 {strides = array<i32>} : memref<16xf32, #tpu.memory_space<vmem>>, vector<16xf32>,
    %mul3A_328 = arith.constant 128 : i32
    %mul3A_329 = arith.muli %add3A, %mul3A_328 : i32
    "tpu.region"() ({
      %run_scoped3A = tpu.sem_alloc : memref<!tpu.dma_semaphore, #tpu.memory_space<semaphore_mem>>
      %dma_start3A_330 = tpu.memref_slice %arg7[%mul3A_329] : memref<4096xf32, #tpu.memory_space<hbm>> -> memref<128xf32, #tpu.memory_space<hbm>>
      %dma_start3A_331 = tpu.memref_slice %arg7[%mul3A_329] : memref<4096xf32, #tpu.memory_space<hbm>> -> memref<128xf32, #tpu.memory_space<hbm>>
      tpu.enqueue_dma source(%arg17 : memref<128xf32, #tpu.memory_space<vmem>>) target(%dma_start3A_331 : memref<128xf32, #tpu.memory_space<hbm>>) target_semaphore(%run_scoped3A : memref<!tpu.dma_semaphore, #tpu.memory_space<semaphore_mem>>)
      %dma_wait3A_332 = tpu.memref_slice %arg7[%mul3A_329] : memref<4096xf32, #tpu.memory_space<hbm>> -> memref<128xf32, #tpu.memory_space<hbm>>
      %dma_wait3A_333 = tpu.memref_slice %arg7[%mul3A_329] : memref<4096xf32, #tpu.memory_space<hbm>> -> memref<128xf32, #tpu.memory_space<hbm>>
      tpu.wait_dma2 semaphore(%run_scoped3A : memref<!tpu.dma_semaphore, #tpu.memory_space<semaphore_mem>>) src(%arg17 : memref<128xf32, #tpu.memory_space<vmem>>) dst(%dma_wait3A_333 : memref<128xf32, #tpu.memory_space<hbm>>)
      tpu.yield
    }) : () -> ()
    "tpu.region"() ({
      %run_scoped3A = tpu.sem_alloc : memref<!tpu.dma_semaphore, #tpu.memory_space<semaphore_mem>>
      %dma_start3A_330 = arith.constant 0 : i32
      %dma_start3A_331 = tpu.memref_slice %arg8[%add3A, %dma_start3A_330] : memref<32x16xf32, #tpu.memory_space<hbm>> -> memref<1x16xf32, #tpu.memory_space<hbm>>
      %dma_start3A_332 = tpu.memref_squeeze %dma_start3A_331 : memref<1x16xf32, #tpu.memory_space<hbm>> -> memref<16xf32, #tpu.memory_space<hbm>>
      %dma_start3A_333 = arith.constant 0 : i32
      %dma_start3A_334 = tpu.memref_slice %arg8[%add3A, %dma_start3A_333] : memref<32x16xf32, #tpu.memory_space<hbm>> -> memref<1x16xf32, #tpu.memory_space<hbm>>
      %dma_start3A_335 = tpu.memref_squeeze %dma_start3A_334 : memref<1x16xf32, #tpu.memory_space<hbm>> -> memref<16xf32, #tpu.memory_space<hbm>>
      tpu.enqueue_dma source(%arg18 : memref<16xf32, #tpu.memory_space<vmem>>) target(%dma_start3A_335 : memref<16xf32, #tpu.memory_space<hbm>>) target_semaphore(%run_scoped3A : memref<!tpu.dma_semaphore, #tpu.memory_space<semaphore_mem>>)
      %dma_wait3A_336 = arith.constant 0 : i32
      %dma_wait3A_337 = tpu.memref_slice %arg8[%add3A, %dma_wait3A_336] : memref<32x16xf32, #tpu.memory_space<hbm>> -> memref<1x16xf32, #tpu.memory_space<hbm>>
      %dma_wait3A_338 = tpu.memref_squeeze %dma_wait3A_337 : memref<1x16xf32, #tpu.memory_space<hbm>> -> memref<16xf32, #tpu.memory_space<hbm>>
      %dma_wait3A_339 = arith.constant 0 : i32
      %dma_wait3A_340 = tpu.memref_slice %arg8[%add3A, %dma_wait3A_339] : memref<32x16xf32, #tpu.memory_space<hbm>> -> memref<1x16xf32, #tpu.memory_space<hbm>>
      %dma_wait3A_341 = tpu.memref_squeeze %dma_wait3A_340 : memref<1x16xf32, #tpu.memory_space<hbm>> -> memref<16xf32, #tpu.memory_space<hbm>>
      tpu.wait_dma2 semaphore(%run_scoped3A : memref<!tpu.dma_semaphore, #tpu.memory_space<semaphore_mem>>) src(%arg18 : memref<16xf32, #tpu.memory_space<vmem>>) dst(%dma_wait3A_341 : memref<16xf32, #tpu.memory_space<hbm>>)
      tpu.yield
    }) : () -> ()
    return
  }
}

module attributes {stable_mosaic.version = 14 : i64} {
  func.func @_l2_body(%arg0: memref<2000000xf32, #tpu.memory_space<vmem>>, %arg1: memref<2x128xf32, #tpu.memory_space<vmem>>) attributes {dimension_semantics = [], scalar_prefetch = 0 : i64, scratch_operands = 0 : i64, tpu.core_type = #tpu.core_type<tc>} {
    %get3A = arith.constant 0 : index
    %get3A_0 = vector.load %arg0[%get3A] : memref<2000000xf32, #tpu.memory_space<vmem>>, vector<2000000xf32>
    %mul3A = arith.mulf %get3A_0, %get3A_0 : vector<2000000xf32>
    %iota3A = tpu.iota {dimensions = array<i32: 1>} : vector<1x2000000xi32>
    %iota3A_1 = vector.shape_cast %iota3A : vector<1x2000000xi32> to vector<2000000xi32>
    %lt3A = arith.constant 1000000 : i32
    %lt3A_2 = vector.broadcast %lt3A : i32 to vector<2000000xi32>
    %lt3A_3 = arith.cmpi slt, %iota3A_1, %lt3A_2 : vector<2000000xi32>
    %jit3A = arith.constant 0.000000e+00 : f32
    %broadcast_in_dim3A = vector.broadcast %jit3A : f32 to vector<2000000xf32>
    %select_n3A = arith.select %lt3A_3, %mul3A, %broadcast_in_dim3A : vector<2000000xi1>, vector<2000000xf32>
    %reshape3A = vector.shape_cast %select_n3A : vector<2000000xf32> to vector<15625x128xf32>
    %reduce_sum3A = arith.constant dense<0.000000e+00> : vector<128xf32>
    %reduce_sum3A_4 = vector.multi_reduction <add>, %reshape3A, %reduce_sum3A [0] : vector<15625x128xf32> to vector<128xf32>
    %swap3A = arith.constant 0 : index
    %swap3A_5 = arith.constant 0 : index
    %swap3A_6 = vector.load %arg1[%swap3A, %swap3A_5] : memref<2x128xf32, #tpu.memory_space<vmem>>, vector<1x128xf32>
    %swap3A_7 = vector.shape_cast %swap3A_6 : vector<1x128xf32> to vector<128xf32>
    %swap3A_8 = vector.shape_cast %reduce_sum3A_4 : vector<128xf32> to vector<1x128xf32>
    tpu.vector_store %arg1[%swap3A, %swap3A_5], %swap3A_8 {strides = array<i32>} : memref<2x128xf32, #tpu.memory_space<vmem>>, vector<1x128xf32>,
    %jit3A_9 = arith.constant 0.000000e+00 : f32
    %broadcast_in_dim3A_10 = vector.broadcast %jit3A_9 : f32 to vector<2000000xf32>
    %select_n3A_11 = arith.select %lt3A_3, %broadcast_in_dim3A_10, %mul3A : vector<2000000xi1>, vector<2000000xf32>
    %reshape3A_12 = vector.shape_cast %select_n3A_11 : vector<2000000xf32> to vector<15625x128xf32>
    %reduce_sum3A_13 = arith.constant dense<0.000000e+00> : vector<128xf32>
    %reduce_sum3A_14 = vector.multi_reduction <add>, %reshape3A_12, %reduce_sum3A_13 [0] : vector<15625x128xf32> to vector<128xf32>
    %swap3A_15 = arith.constant 1 : index
    %swap3A_16 = arith.constant 0 : index
    %swap3A_17 = vector.load %arg1[%swap3A_15, %swap3A_16] : memref<2x128xf32, #tpu.memory_space<vmem>>, vector<1x128xf32>
    %swap3A_18 = vector.shape_cast %swap3A_17 : vector<1x128xf32> to vector<128xf32>
    %swap3A_19 = vector.shape_cast %reduce_sum3A_14 : vector<128xf32> to vector<1x128xf32>
    tpu.vector_store %arg1[%swap3A_15, %swap3A_16], %swap3A_19 {strides = array<i32>} : memref<2x128xf32, #tpu.memory_space<vmem>>, vector<1x128xf32>,
    return
  }
}

</mosaic_0001>

<sc_bundles>
// kernel: kernel.4.cloned.1.call-start
scs
__scs_entry_jumppad:
0x0: {  	(pc) =	sbr.rel $0x88, $3  }
0x1: {  	(tag) =	ssettag $0x0;
	lr =	simm.s32 $0x1  }
0x2: {  	[smem:$0x3F9C] =	sst lr;
	_ =	strace $0xD0000000  }
0x3: {  	_ = 	snop  }
0x4: {  	_ = 	snop  }
0x5: {  	_ = 	snop  }
0x6: {  	_ = 	snop  }
0x7: {  	_ = 	snop  }
__scs_overlays_trampoline_lowered:
0x8: {  	[smem:$0x3FAB] =	sst s0  }
0x9: {  	[smem:$0x3FAC] =	sst s1  }
0xa: {  	[smem:$0x3FAD] =	sst s2  }
0xb: {  	[smem:$0x3FAE] =	sst s3  }
0xc: {  	[smem:$0x3FAF] =	sst s4  }
0xd: {  	[smem:$0x3FB0] =	sst s5  }
0xe: {  	[smem:$0x3FB1] =	sst s6  }
0xf: {  	[smem:$0x3FB2] =	sst s7  }
0x10: {  	[smem:$0x3FB3] =	sst s8  }
0x11: {  	[smem:$0x3FB4] =	sst s9;
	s0 =	simm.s32 @!p0 $0x0  }
0x12: {  	s1 =	sld [smem:$0x3F9A];
	s0 =	simm.s32 @p0 $0x1  }
0x13: {  	[smem:$0x3FB5] =	sst s0;
	s0 =	simm.s32 @!p1 $0x0  }
0x14: {  	s2 =	sld [smem:$0x3F99];
	s0 =	simm.s32 @p1 $0x1  }
0x15: {  	[smem:$0x3FB6] =	sst s0;
	s0 =	simm.s32 @!p2 $0x0  }
0x16: {  	s3 =	sld [smem:$0x3FDB];
	s0 =	simm.s32 @p2 $0x1  }
0x17: {  	s4 =	simm.s32 $0x1BF5;
	[smem:$0x3FB8] =	sst s0  }
0x18: {  	s0 =	sld [smem:$0x3F9B];
	_ =	swait.ge [sflag:s4], $0x0  }
0x19: {  	s7 =	sld [smem:$0x3F9C]  }
0x1a: {  	s8 =	sadd.s32 $0xFFFFE003, lr  }
0x1b: {  	s9 =	sadd.s32 $0xFFFFFEF7, lr;
	s5 =	simm.s32 $0xFFFFFFFF;
	p2 =	slt.u32 s8, $0xFFFFF086  }
0x1c: {  	p1 =	slt.u32 s9, $0xF7A;
	s5 =	simm.s32 @!p2 $0x0  }
0x1d: {  	s5 =	simm.s32 @p1 $0x1;
	p0 =	seq.s32 s7, s2  }
0x1e: {  	s7 =	smul.u32 @!p0 $0xF7A, s2;
	p2 =	seq.s32 @!p0 s5, $0x0  }
0x1f: {  	s9 =	smul.u32 $0xF7A, s1;
	s8 =	simm.s32 @!p0 $0x1BF5;
	p2 =	por !p2, p0  }
0x20: {  	[sflag:s8] =	ssyncset.s32 @!p0 $0xFFFFF086;
	s6 =	sadd.s32 @!p0 s3, s7;
	s7 =	simm.s32 @!p0 $0x108  }
0x21: {  	s3 =	sadd.s32 s3, s9;
	s6 =	sadd.s32 @!p0 $0x88, s6;
	s7 =	simm.s32 @p2 $0x1082  }
0x22: {  	[simem:s7], [sflag:s8] =	dma.local @!p0 [hbm:s6], $0xF7A  }
0x23: {  	s9 =	sor.u32 $0xD0000000, s2;
	s6 =	simm.s32 $0x108;
	_ =	swait.ge @!p0 [sflag:s8], $0x0  }
0x24: {  	s3 =	sadd.s32 $0x88, s3;
	s6 =	simm.s32 @!p1 $0x1082;
	[sflag:s4] =	ssyncset.s32 $0xFFFFF086  }
0x25: {  	[simem:s6], [sflag:s4] =	dma.local [hbm:s3], $0xF7A  }
0x26: {  	[smem:$0x3F9C] =	sst s1;
	(tag) =	ssettag s2;
	_ =	strace s9  }
0x27: {  	s1 =	sld [smem:$0x3FAC]  }
0x28: {  	s2 =	sld [smem:$0x3FAD]  }
0x29: {  	s4 =	sld [smem:$0x3FAF]  }
0x2a: {  	p0 =	seq.s32 s5, $0x0;
	s5 =	sld [smem:$0x3FB0]  }
0x2b: {  	s6 =	sld [smem:$0x3FB1]  }
0x2c: {  	s7 =	sld [smem:$0x3FB2]  }
0x2d: {  	s3 =	simm.s32 $0x108;
	s8 =	sld [smem:$0x3FB3]  }
0x2e: {  	s3 =	simm.s32 @!p0 $0x1082;
	s9 =	sld [smem:$0x3FB4]  }
0x2f: {  	lr =	sadd.s32 s0, s3;
	s0 =	sld [smem:$0x3FAB]  }
0x30: {  	s3 =	sld [smem:$0x3FAE]  }
0x31: {  	[smem:$0x3FB7] =	sst s10  }
0x32: {  	s10 =	sld [smem:$0x3FB5];
	_ =	sdelay $0x3  }
0x33: {  	p0 =	seq.s32 s10, $0x1;
	s10 =	sld [smem:$0x3FB7];
	_ =	sdelay $0x3  }
0x34: {  	[smem:$0x3FB7] =	sst s10  }
0x35: {  	s10 =	sld [smem:$0x3FB6];
	_ =	sdelay $0x3  }
0x36: {  	p1 =	seq.s32 s10, $0x1;
	s10 =	sld [smem:$0x3FB7];
	_ =	sdelay $0x3  }
0x37: {  	[smem:$0x3FB7] =	sst s10  }
0x38: {  	s10 =	sld [smem:$0x3FB8]  }
0x39: {  	_ = 	snop;
	(pc) =	sbr.ind lr, $3  }
0x3a: {  	_ = 	snop  }
0x3b: {  	_ = 	snop  }
0x3c: {  	p2 =	seq.s32 s10, $0x1;
	s10 =	sld [smem:$0x3FB7]  }
0x3d: {  	_ =	shalt  }
0x3e: {  	_ =	shalt  }
0x3f: {  	_ =	shalt  }
0x40: {  	_ =	shalt  }
0x41: {  	_ =	shalt  }
0x42: {  	_ =	shalt  }
0x43: {  	_ =	shalt  }
0x44: {  	_ =	shalt  }
0x45: {  	_ =	shalt  }
0x46: {  	_ =	shalt  }
0x47: {  	_ =	shalt  }
0x48: {  	_ =	shalt  }
0x49: {  	_ =	shalt  }
0x4a: {  	_ =	shalt  }
0x4b: {  	_ =	shalt  }
0x4c: {  	_ =	shalt  }
0x4d: {  	_ =	shalt  }
0x4e: {  	_ =	shalt  }
0x4f: {  	_ =	shalt  }
0x50: {  	_ =	shalt  }
0x51: {  	_ =	shalt  }
0x52: {  	_ =	shalt  }
0x53: {  	_ =	shalt  }
0x54: {  	_ =	shalt  }
0x55: {  	_ =	shalt  }
0x56: {  	_ =	shalt  }
0x57: {  	_ =	shalt  }
0x58: {  	_ =	shalt  }
0x59: {  	_ =	shalt  }
0x5a: {  	_ =	shalt  }
0x5b: {  	_ =	shalt  }
0x5c: {  	_ =	shalt  }
0x5d: {  	_ =	shalt  }
0x5e: {  	_ =	shalt  }
0x5f: {  	_ =	shalt  }
0x60: {  	_ =	shalt  }
0x61: {  	_ =	shalt  }
0x62: {  	_ =	shalt  }
0x63: {  	_ =	shalt  }
0x64: {  	_ =	shalt  }
0x65: {  	_ =	shalt  }
0x66: {  	_ =	shalt  }
0x67: {  	_ =	shalt  }
0x68: {  	_ =	shalt  }
0x69: {  	_ =	shalt  }
0x6a: {  	_ =	shalt  }
0x6b: {  	_ =	shalt  }
0x6c: {  	_ =	shalt  }
0x6d: {  	_ =	shalt  }
0x6e: {  	_ =	shalt  }
0x6f: {  	_ =	shalt  }
0x70: {  	_ =	shalt  }
0x71: {  	_ =	shalt  }
0x72: {  	_ =	shalt  }
0x73: {  	_ =	shalt  }
0x74: {  	_ =	shalt  }
0x75: {  	_ =	shalt  }
0x76: {  	_ =	shalt  }
0x77: {  	_ =	shalt  }
0x78: {  	_ =	shalt  }
0x79: {  	_ =	shalt  }
0x7a: {  	_ =	shalt  }
0x7b: {  	_ =	shalt  }
0x7c: {  	_ =	shalt  }
0x7d: {  	_ =	shalt  }
0x7e: {  	_ =	shalt  }
0x7f: {  	_ =	shalt  }
0x80: {  	_ =	shalt  }
0x81: {  	_ =	shalt  }
0x82: {  	_ =	shalt  }
0x83: {  	_ =	shalt  }
0x84: {  	_ =	shalt  }
0x85: {  	_ =	shalt  }
0x86: {  	_ =	shalt  }
0x87: {  	_ =	shalt  }
.Lfunc_end0:
.L_simem_size_0:
called_computation_lowered:
.L_overlay_start_0:
0x88: {  	s2 =	sld [smem:$0x3FD9]  }
0x89: {  	s3 =	sld [smem:$0x3FFE];
	_ =	sdelay $0x1  }
0x8a: {  	s1 =	srdreg.scid  }
0x8b: {  	s0 =	sand.u32 $0x1, s1  }
0x8c: {  	s14 =	sshll.u32 s0, $0xA;
	s2 =	sadd.s32 s3, s2  }
0x8d: {  	s2 =	sadd.s32 s2, s14  }
0x8e: {  	[smem:$0x3FC3] =	sst s2  }
0x8f: {  	_ = 	snop  }
0x90: {  	s2 =	sld [smem:$0x3FD0]  }
0x91: {  	s15 =	sld [smem:$0x3FC8]  }
0x92: {  	s4 =	sld [smem:$0x3FC7]  }
0x93: {  	s6 =	simm.s32 $0xA;
	s7 =	simm.s32 $0x10;
	s5 =	sld [smem:$0x3FC6]  }
0x94: {  	[smem:s7], [sflag:s6] =	dma.local [hbm:s2], $0x1  }
0x95: {  	_ =	swait.eq [sflag:s6], $0x1  }
0x96: {  	[sflag:s6] =	ssyncset.done $0x0  }
0x97: {  	[sflag:s6] =	ssyncadd.s32 $0xFFFFFFFF  }
0x98: {  	s16 =	sld [smem:$0x12];
	(tm) =	ssettm $0x1  }
0x99: {  	s17 =	sld [smem:$0x3FFB];
	_ =	sdelay $0x3  }
0x9a: {  	_ =	strace s17  }
0x9b: {  	s6 =	sld [smem:$0x3FFC];
	_ =	sdelay $0x3  }
0x9c: {  	_ =	strace s6  }
0x9d: {  	s6 =	sld [smem:$0x3FFD];
	_ =	sdelay $0x3  }
0x9e: {  	_ =	strace s6  }
0x9f: {  	_ =	strace $0x8FFFFFFF  }
0xa0: {  	s18 =	sld [smem:$0x3FDB];
	_ =	sdelay $0x1  }
0xa1: {  	s19 =	simm.s32 $_scs_section_size  }
0xa2: {  	s8 =	simm.s32 $_size__tile_overlayer_lowered;
	s9 =	simm.s32 $_tile_overlayer_lowered  }
0xa3: {  	s22 =	simm.s32 $0x1BFF;
	s21 =	sshll.u32 s9, $0x1;
	s6 =	sadd.s32 s19, s18  }
0xa4: {  	s10 =	simm.s32 $0x0;
	s20 =	sshll.u32 s8, $0x1;
	s8 =	sadd.s32 s21, s6  }
0xa5: {  	[timem:s10], [sflag:s22] =	dma.local [hbm:s8], s20  }
0xa6: {  	_ =	swait.ge [sflag:s22], s20  }
0xa7: {  	s7 =	ssub.s32 $0x0, s20;
	[sflag:s22] =	ssyncset.done $0x0  }
0xa8: {  	[sflag:s22] =	ssyncadd.s32 s7;
	_ =	sdelay $0x1  }
0xa9: {  	s23 =	simm.s32 $0x1B8B  }
0xaa: {  	_ =	swait.ge [sflag:s23], $0x1  }
0xab: {  	[sflag:s23] =	ssyncset.done $0x0  }
0xac: {  	s25 =	simm.s32 $0x1B8E;
	s24 =	sld [smem:$0x3FFE];
	[sflag:s23] =	ssyncadd.s32 $0xFFFFFFFF  }
0xad: {  	s26 =	simm.s32 $execute0_lowered;
	[smem:$0x3FD2] =	sst s25  }
0xae: {  	s8 =	sshll.u32 s26, $0x1;
	_ =	strace $0x80000046;
	[dreg:$0x1] =	wrdreg $0xFFFFFFFF  }
0xaf: {  	s28 =	simm.s32 $_size_execute0_lowered;
	s6 =	sadd.s32 s6, s8;
	[dreg:$0x0] =	wrdreg $0x0  }
0xb0: {  	s8 =	sshll.u32 s28, $0x1;
	[dreg:$0x2] =	wrdreg s6  }
0xb1: {  	[dreg:$0x3] =	wrdreg s8  }
0xb2: {  	[dreg:$0x4] =	wrdreg $0xC0  }
0xb3: {  	_ =	task [dreg:s10], $0x5FFFF  }
0xb4: {  	[dreg:$0x1] =	wrdreg $0xFFFFFFFF  }
0xb5: {  	[dreg:$0x0] =	wrdreg $0x60  }
0xb6: {  	[dreg:$0x2] =	wrdreg s24  }
0xb7: {  	[dreg:$0x3] =	wrdreg s5  }
0xb8: {  	[dreg:$0x4] =	wrdreg s15  }
0xb9: {  	[dreg:$0x5] =	wrdreg s4  }
0xba: {  	[dreg:$0x6] =	wrdreg s16  }
0xbb: {  	[dreg:$0x7] =	wrdreg $0x9  }
0xbc: {  	_ =	task.clear_ibuf [dreg:s10], $0x8FFFF;
	_ =	strace $0x90000046  }
0xbd: {  	s29 =	simm.s32 $0x9;
	_ =	strace $0x80000048  }
0xbe: {  	_ =	swait.ge [sflag:s29], $0x1  }
0xbf: {  	[sflag:s29] =	ssyncadd.s32 $0xFFFFFFFF  }
0xc0: {  	_ =	strace $0x90000048  }
0xc1: {  	_ =	sfence  }
0xc2: {  	s30 =	sld [smem:$0x0];
	_ =	sdelay $0x2  }
0xc3: {  	s31 =	sshll.u32 s1, $0xD;
	s1 =	sshrl.u32 s1, $0x2  }
0xc4: {  	s3 =	sand.u32 $0x4000, s31;
	s1 =	sadd.s32 s1, s30  }
0xc5: {  	s0 =	sor.u32 s3, s0;
	s1 =	sshll.u32 s1, $0x11  }
0xc6: {  	s0 =	sor.u32 s1, s0  }
0xc7: {  	s0 =	sadd.s32 $0x8F2B, s0  }
0xc8: {  	[sflag:s0] =	ssyncadd.remote.s32 $0x1  }
0xc9: {  	_ =	sfence.sel $0xFFFF  }
0xca: {  	[dreg:$0x0] =	wrdreg $0xFFFFFFFF;
	(pc) =	sbr.abs _section_cstart, $3  }
0xcb: {  	[dreg:$0x1] =	wrdreg $0xFFFFFFFF  }
0xcc: {  	_ =	task.clear_ibuf [dreg:s10], $0x2FFFF;
	_ =	strace $0x9FFFFFFF  }
0xcd: {  	(tm) =	ssettm $0x7FFFFFFF  }
tec
execute0_lowered:
.L_overlay_start_1:
0x0: {  	(tag) =	ssettag $0x1  }
0x1: {  	s0 =	rddreg [dreg:$0x0]  }
0x2: {  	s1 =	rddreg [dreg:$0x1]  }
0x3: {  	s6 =	rddreg [dreg:$0x2]  }
0x4: {  	s7 =	rddreg [dreg:$0x3]  }
0x5: {  	s8 =	rddreg [dreg:$0x4];
	s2 =	simm.s32 $0x0;
	s3 =	srdreg.scid  }
0x6: {  	s4 =	stileid.u32;
	s16 =	simm.s32 $0x2;
	s17 =	simm.s32 $0x500  }
0x7: {  	s26 =	simm.s32 $0x2480;
	s28 =	simm.s32 $0x5680;
	s29 =	simm.s32 $0x3D80  }
0x8: {  	s30 =	simm.s32 $0x6F80;
	s31 =	simm.s32 $0x2980;
	s12 =	simm.s32 $0x2E80  }
0x9: {  	s13 =	simm.s32 $0x6080;
	s14 =	simm.s32 $0x4780;
	s15 =	simm.s32 $0x7980  }
0xa: {  	s18 =	simm.s32 $0x1;
	s19 =	simm.s32 $0x7E80;
	s20 =	simm.s32 $0x3  }
0xb: {  	s21 =	simm.s32 $0x7F00;
	s22 =	simm.s32 $0x0;
	[smem:$0x7FF] =	sst s2  }
0xc: {  	s3 =	sand.u32 $0x1, s3;
	s4 =	sshll.u32 s4, $0x1;
	_ =	strace $0x80000047  }
0xd: {  	s4 =	sor.u32 s3, s4;
	s5 =	ssub.s32 $0x2, s3;
	s3 =	sadd.s32 $0x6400, s0  }
0xe: {  	s9 =	sshll.u32 s4, $0x1;
	s10 =	sshrl.u32 s5, $0x1;
	s11 =	sshll.u32 s4, $0x4  }
0xf: {  	s9 =	sadd.s32 s9, s0;
	s10 =	ssub.s32 s5, s10;
	s4 =	sadd.s32 s0, s11  }
0x10: {  	s5 =	sadd.s32 s1, s11;
	s6 =	sadd.s32 s6, s11;
	s7 =	sadd.s32 s7, s11  }
0x11: {  	s8 =	sadd.s32 s8, s11;
	s0 =	simm.s32 $0x5B80;
	s1 =	simm.s32 $0x4280  }
0x12: {  	s11 =	simm.s32 $0x7480;
	s9 =	sadd.s32 $0x43600, s9;
	s10 =	smax.u32 s10, $0x1  }
.LBB2_1:
0x13: {  	s23 =	simm.s32 $0x80;
	s24 =	simm.s32 $0x1000  }
0x14: {  	[tilespmem:s2], [sflag:$0x2] =	stream.strided.gather [hbm4b:s4+s23], $0x1900, s24, s23, $0x38;
	[tilespmem:$0x7F10] =	vst v63  }
0x15: {  	s25 =	simm.s32 $0x1900  }
0x16: {  	[tilespmem:s25], [sflag:$0x2] =	stream.linear.gather [hbm4b:s5+s2], $0x80, $0x38;
	[tilespmem:$0x7F10] =	vst v63  }
0x17: {  	s24 =	simm.s32 $0x1980  }
0x18: {  	[tilespmem:s24], [sflag:$0x2] =	stream.linear.gather [hbm4b:s6+s2], $0x80, $0x38;
	[tilespmem:$0x7F10] =	vst v63  }
0x19: {  	s25 =	simm.s32 $0x1A00  }
0x1a: {  	[tilespmem:s25], [sflag:$0x2] =	stream.linear.gather [hbm4b:s7+s2], $0x80, $0x38;
	[tilespmem:$0x7F10] =	vst v63  }
0x1b: {  	_ =	swait.ge [sflag:s16], $0x1900  }
0x1c: {  	[sflag:s16] =	ssyncset.done $0x0  }
0x1d: {  	[sflag:s16] =	ssyncadd.s32 $0xFFFFE700  }
0x1e: {  	_ =	swait.ge [sflag:s16], $0x80  }
0x1f: {  	[sflag:s16] =	ssyncset.done $0x0  }
0x20: {  	[sflag:s16] =	ssyncadd.s32 $0xFFFFFF80  }
0x21: {  	s23 =	simm.s32 $0x200;
	s24 =	simm.s32 $0x0;
	v0 =	vld [tilespmem:$0x1900]  }
.LBB2_2:
0x22: {  	p0 =	sne.s32 s23, $0x1200;
	s25 =	sshra.s32 s24, $0x2;
	s24 =	smov.u32 s23  }
0x23: {  	v1 =	vld [tilespmem:s25+$0x0];
	_ =	sdelay $0x2  }
0x24: {  	v0 =	vmul.u32 $0x2710, v0;
	_ =	sdelay $0x1  }
0x25: {  	v0 =	vadd.s32 v1, v0  }
0x26: {  	[tilespmem:s25+$0x1A80] =	vst v0;
	v0 =	vadd.s32 $0xF4240, v0  }
0x27: {  	[tilespmem:s25+$0x3380] =	vst v0  }
0x28: {  	v0 =	vld [tilespmem:$0x1910];
	_ =	sdelay $0x1  }
0x29: {  	v1 =	vld [tilespmem:s25+$0x10];
	_ =	sdelay $0x2  }
0x2a: {  	v0 =	vmul.u32 $0x2710, v0;
	_ =	sdelay $0x1  }
0x2b: {  	v0 =	vadd.s32 v1, v0  }
0x2c: {  	[tilespmem:s25+$0x1A90] =	vst v0;
	v0 =	vadd.s32 $0xF4240, v0  }
0x2d: {  	[tilespmem:s25+$0x3390] =	vst v0  }
0x2e: {  	v0 =	vld [tilespmem:$0x1920];
	_ =	sdelay $0x1  }
0x2f: {  	v1 =	vld [tilespmem:s25+$0x20];
	_ =	sdelay $0x2  }
0x30: {  	v0 =	vmul.u32 $0x2710, v0;
	_ =	sdelay $0x1  }
0x31: {  	v0 =	vadd.s32 v1, v0  }
0x32: {  	[tilespmem:s25+$0x1AA0] =	vst v0;
	v0 =	vadd.s32 $0xF4240, v0  }
0x33: {  	[tilespmem:s25+$0x33A0] =	vst v0  }
0x34: {  	v0 =	vld [tilespmem:$0x1930];
	_ =	sdelay $0x1  }
0x35: {  	v1 =	vld [tilespmem:s25+$0x30];
	_ =	sdelay $0x2  }
0x36: {  	v0 =	vmul.u32 $0x2710, v0;
	_ =	sdelay $0x1  }
0x37: {  	v0 =	vadd.s32 v1, v0  }
0x38: {  	[tilespmem:s25+$0x1AB0] =	vst v0;
	v0 =	vadd.s32 $0xF4240, v0  }
0x39: {  	[tilespmem:s25+$0x33B0] =	vst v0  }
0x3a: {  	v0 =	vld [tilespmem:$0x1940];
	_ =	sdelay $0x1  }
0x3b: {  	v1 =	vld [tilespmem:s25+$0x40];
	_ =	sdelay $0x2  }
0x3c: {  	v0 =	vmul.u32 $0x2710, v0;
	_ =	sdelay $0x1  }
0x3d: {  	v0 =	vadd.s32 v1, v0  }
0x3e: {  	[tilespmem:s25+$0x1AC0] =	vst v0;
	v0 =	vadd.s32 $0xF4240, v0  }
0x3f: {  	[tilespmem:s25+$0x33C0] =	vst v0  }
0x40: {  	v0 =	vld [tilespmem:$0x1950];
	_ =	sdelay $0x1  }
0x41: {  	v1 =	vld [tilespmem:s25+$0x50];
	_ =	sdelay $0x2  }
0x42: {  	v0 =	vmul.u32 $0x2710, v0;
	_ =	sdelay $0x1  }
0x43: {  	v0 =	vadd.s32 v1, v0  }
0x44: {  	[tilespmem:s25+$0x1AD0] =	vst v0;
	v0 =	vadd.s32 $0xF4240, v0  }
0x45: {  	[tilespmem:s25+$0x33D0] =	vst v0  }
0x46: {  	v0 =	vld [tilespmem:$0x1960];
	_ =	sdelay $0x1  }
0x47: {  	v1 =	vld [tilespmem:s25+$0x60];
	_ =	sdelay $0x2  }
0x48: {  	v0 =	vmul.u32 $0x2710, v0;
	_ =	sdelay $0x1  }
0x49: {  	v0 =	vadd.s32 v1, v0  }
0x4a: {  	[tilespmem:s25+$0x1AE0] =	vst v0;
	v0 =	vadd.s32 $0xF4240, v0  }
0x4b: {  	[tilespmem:s25+$0x33E0] =	vst v0  }
0x4c: {  	v0 =	vld [tilespmem:$0x1970];
	_ =	sdelay $0x1  }
0x4d: {  	v1 =	vld [tilespmem:s25+$0x70];
	_ =	sdelay $0x2  }
0x4e: {  	v0 =	vmul.u32 $0x2710, v0  }
.Ltmp0:
0x4f: {  	(pc) =	sbr.rel @p0 .LBB2_2-.Ltmp0, $4  }
0x50: {  	v0 =	vadd.s32 v1, v0  }
0x51: {  	[tilespmem:s25+$0x1AF0] =	vst v0;
	v0 =	vadd.s32 $0xF4240, v0  }
0x52: {  	[tilespmem:s25+$0x33F0] =	vst v0  }
0x53: {  	s23 =	sadd.s32 $0x200, s23;
	v0 =	vld [tilespmem:$0x1900]  }
0x54: {  	s23 =	sshra.s32 s24, $0x2  }
0x55: {  	v1 =	vld [tilespmem:s23+$0x0];
	_ =	sdelay $0x2  }
0x56: {  	v0 =	vmul.u32 $0x2710, v0;
	_ =	sdelay $0x1  }
0x57: {  	v0 =	vadd.s32 v1, v0  }
0x58: {  	[tilespmem:s23+$0x1A80] =	vst v0;
	v0 =	vadd.s32 $0xF4240, v0  }
0x59: {  	[tilespmem:s23+$0x3380] =	vst v0  }
0x5a: {  	v0 =	vld [tilespmem:$0x1910];
	_ =	sdelay $0x1  }
0x5b: {  	v1 =	vld [tilespmem:s23+$0x10];
	_ =	sdelay $0x2  }
0x5c: {  	v0 =	vmul.u32 $0x2710, v0;
	_ =	sdelay $0x1  }
0x5d: {  	v0 =	vadd.s32 v1, v0  }
0x5e: {  	[tilespmem:s23+$0x1A90] =	vst v0;
	v0 =	vadd.s32 $0xF4240, v0  }
0x5f: {  	[tilespmem:s23+$0x3390] =	vst v0  }
0x60: {  	v0 =	vld [tilespmem:$0x1920];
	_ =	sdelay $0x1  }
0x61: {  	v1 =	vld [tilespmem:s23+$0x20];
	_ =	sdelay $0x2  }
0x62: {  	v0 =	vmul.u32 $0x2710, v0;
	_ =	sdelay $0x1  }
0x63: {  	v0 =	vadd.s32 v1, v0  }
0x64: {  	[tilespmem:s23+$0x1AA0] =	vst v0;
	v0 =	vadd.s32 $0xF4240, v0  }
0x65: {  	[tilespmem:s23+$0x33A0] =	vst v0  }
0x66: {  	v0 =	vld [tilespmem:$0x1930];
	_ =	sdelay $0x1  }
0x67: {  	v1 =	vld [tilespmem:s23+$0x30];
	_ =	sdelay $0x2  }
0x68: {  	v0 =	vmul.u32 $0x2710, v0;
	_ =	sdelay $0x1  }
0x69: {  	v0 =	vadd.s32 v1, v0  }
0x6a: {  	[tilespmem:s23+$0x1AB0] =	vst v0;
	v0 =	vadd.s32 $0xF4240, v0  }
0x6b: {  	[tilespmem:s23+$0x33B0] =	vst v0  }
0x6c: {  	v0 =	vld [tilespmem:$0x1940];
	_ =	sdelay $0x1  }
0x6d: {  	v1 =	vld [tilespmem:s23+$0x40];
	_ =	sdelay $0x2  }
0x6e: {  	v0 =	vmul.u32 $0x2710, v0;
	_ =	sdelay $0x1  }
0x6f: {  	v0 =	vadd.s32 v1, v0  }
0x70: {  	[tilespmem:s23+$0x1AC0] =	vst v0;
	v0 =	vadd.s32 $0xF4240, v0  }
0x71: {  	[tilespmem:s23+$0x33C0] =	vst v0  }
0x72: {  	v0 =	vld [tilespmem:$0x1950];
	_ =	sdelay $0x1  }
0x73: {  	v1 =	vld [tilespmem:s23+$0x50];
	_ =	sdelay $0x2  }
0x74: {  	v0 =	vmul.u32 $0x2710, v0;
	_ =	sdelay $0x1  }
0x75: {  	v0 =	vadd.s32 v1, v0  }
0x76: {  	[tilespmem:s23+$0x1AD0] =	vst v0;
	v0 =	vadd.s32 $0xF4240, v0  }
0x77: {  	[tilespmem:s23+$0x33D0] =	vst v0  }
0x78: {  	v0 =	vld [tilespmem:$0x1960];
	_ =	sdelay $0x1  }
0x79: {  	v1 =	vld [tilespmem:s23+$0x60];
	_ =	sdelay $0x2  }
0x7a: {  	v0 =	vmul.u32 $0x2710, v0;
	_ =	sdelay $0x1  }
0x7b: {  	v0 =	vadd.s32 v1, v0  }
0x7c: {  	[tilespmem:s23+$0x1AE0] =	vst v0;
	v0 =	vadd.s32 $0xF4240, v0  }
0x7d: {  	[tilespmem:s23+$0x33E0] =	vst v0  }
0x7e: {  	v0 =	vld [tilespmem:$0x1970];
	_ =	sdelay $0x1  }
0x7f: {  	v1 =	vld [tilespmem:s23+$0x70];
	_ =	sdelay $0x2  }
0x80: {  	v0 =	vmul.u32 $0x2710, v0;
	_ =	sdelay $0x1  }
0x81: {  	v0 =	vadd.s32 v1, v0  }
0x82: {  	[tilespmem:s23+$0x1AF0] =	vst v0;
	v0 =	vadd.s32 $0xF4240, v0  }
0x83: {  	s24 =	simm.s32 $0x1A80;
	s25 =	simm.s32 $0x4C80;
	[tilespmem:s23+$0x33F0] =	vst v0  }
0x84: {  	[tilespmem:s25], [sflag:$0x1] =	stream.indirect.gather [hbm4b:s3+s17], $0x1, s24, s17, $0xb8;
	[tilespmem:$0x7F10] =	vst v63  }
0x85: {  	s24 =	simm.s32 $0x3380;
	s25 =	simm.s32 $0x6580  }
0x86: {  	[tilespmem:s25], [sflag:$0x1] =	stream.indirect.gather [hbm4b:s3+s17], $0x1, s24, s17, $0xb8;
	[tilespmem:$0x7F10] =	vst v63  }
0x87: {  	s23 =	simm.s32 $0x0;
	s24 =	simm.s32 $0x200;
	v0 =	vld [tilespmem:$0x1900]  }
.LBB2_4:
0x88: {  	p0 =	sne.s32 s24, $0x1200;
	s25 =	sshra.s32 s23, $0x2;
	s23 =	smov.u32 s24  }
0x89: {  	v1 =	vld [tilespmem:s25+$0x500];
	_ =	sdelay $0x2  }
0x8a: {  	v0 =	vmul.u32 $0x2710, v0;
	_ =	sdelay $0x1  }
0x8b: {  	v0 =	vadd.s32 v1, v0  }
0x8c: {  	[tilespmem:s25+$0x1F80] =	vst v0;
	v0 =	vadd.s32 $0xF4240, v0  }
0x8d: {  	[tilespmem:s25+$0x3880] =	vst v0  }
0x8e: {  	v0 =	vld [tilespmem:$0x1910];
	_ =	sdelay $0x1  }
0x8f: {  	v1 =	vld [tilespmem:s25+$0x510];
	_ =	sdelay $0x2  }
0x90: {  	v0 =	vmul.u32 $0x2710, v0;
	_ =	sdelay $0x1  }
0x91: {  	v0 =	vadd.s32 v1, v0  }
0x92: {  	[tilespmem:s25+$0x1F90] =	vst v0;
	v0 =	vadd.s32 $0xF4240, v0  }
0x93: {  	[tilespmem:s25+$0x3890] =	vst v0  }
0x94: {  	v0 =	vld [tilespmem:$0x1920];
	_ =	sdelay $0x1  }
0x95: {  	v1 =	vld [tilespmem:s25+$0x520];
	_ =	sdelay $0x2  }
0x96: {  	v0 =	vmul.u32 $0x2710, v0;
	_ =	sdelay $0x1  }
0x97: {  	v0 =	vadd.s32 v1, v0  }
0x98: {  	[tilespmem:s25+$0x1FA0] =	vst v0;
	v0 =	vadd.s32 $0xF4240, v0  }
0x99: {  	[tilespmem:s25+$0x38A0] =	vst v0  }
0x9a: {  	v0 =	vld [tilespmem:$0x1930];
	_ =	sdelay $0x1  }
0x9b: {  	v1 =	vld [tilespmem:s25+$0x530];
	_ =	sdelay $0x2  }
0x9c: {  	v0 =	vmul.u32 $0x2710, v0;
	_ =	sdelay $0x1  }
0x9d: {  	v0 =	vadd.s32 v1, v0  }
0x9e: {  	[tilespmem:s25+$0x1FB0] =	vst v0;
	v0 =	vadd.s32 $0xF4240, v0  }
0x9f: {  	[tilespmem:s25+$0x38B0] =	vst v0  }
0xa0: {  	v0 =	vld [tilespmem:$0x1940];
	_ =	sdelay $0x1  }
0xa1: {  	v1 =	vld [tilespmem:s25+$0x540];
	_ =	sdelay $0x2  }
0xa2: {  	v0 =	vmul.u32 $0x2710, v0;
	_ =	sdelay $0x1  }
0xa3: {  	v0 =	vadd.s32 v1, v0  }
0xa4: {  	[tilespmem:s25+$0x1FC0] =	vst v0;
	v0 =	vadd.s32 $0xF4240, v0  }
0xa5: {  	[tilespmem:s25+$0x38C0] =	vst v0  }
0xa6: {  	v0 =	vld [tilespmem:$0x1950];
	_ =	sdelay $0x1  }
0xa7: {  	v1 =	vld [tilespmem:s25+$0x550];
	_ =	sdelay $0x2  }
0xa8: {  	v0 =	vmul.u32 $0x2710, v0;
	_ =	sdelay $0x1  }
0xa9: {  	v0 =	vadd.s32 v1, v0  }
0xaa: {  	[tilespmem:s25+$0x1FD0] =	vst v0;
	v0 =	vadd.s32 $0xF4240, v0  }
0xab: {  	[tilespmem:s25+$0x38D0] =	vst v0  }
0xac: {  	v0 =	vld [tilespmem:$0x1960];
	_ =	sdelay $0x1  }
0xad: {  	v1 =	vld [tilespmem:s25+$0x560];
	_ =	sdelay $0x2  }
0xae: {  	v0 =	vmul.u32 $0x2710, v0;
	_ =	sdelay $0x1  }
0xaf: {  	v0 =	vadd.s32 v1, v0  }
0xb0: {  	[tilespmem:s25+$0x1FE0] =	vst v0;
	v0 =	vadd.s32 $0xF4240, v0  }
0xb1: {  	[tilespmem:s25+$0x38E0] =	vst v0  }
0xb2: {  	v0 =	vld [tilespmem:$0x1970];
	_ =	sdelay $0x1  }
0xb3: {  	v1 =	vld [tilespmem:s25+$0x570];
	_ =	sdelay $0x2  }
0xb4: {  	v0 =	vmul.u32 $0x2710, v0  }
.Ltmp1:
0xb5: {  	(pc) =	sbr.rel @p0 .LBB2_4-.Ltmp1, $4  }
0xb6: {  	v0 =	vadd.s32 v1, v0  }
0xb7: {  	[tilespmem:s25+$0x1FF0] =	vst v0;
	v0 =	vadd.s32 $0xF4240, v0  }
0xb8: {  	[tilespmem:s25+$0x38F0] =	vst v0  }
0xb9: {  	s24 =	sadd.s32 $0x200, s24;
	v0 =	vld [tilespmem:$0x1900]  }
0xba: {  	s23 =	sshra.s32 s23, $0x2  }
0xbb: {  	v1 =	vld [tilespmem:s23+$0x500];
	_ =	sdelay $0x2  }
0xbc: {  	v0 =	vmul.u32 $0x2710, v0;
	_ =	sdelay $0x1  }
0xbd: {  	v0 =	vadd.s32 v1, v0  }
0xbe: {  	[tilespmem:s23+$0x1F80] =	vst v0;
	v0 =	vadd.s32 $0xF4240, v0  }
0xbf: {  	[tilespmem:s23+$0x3880] =	vst v0  }
0xc0: {  	v0 =	vld [tilespmem:$0x1910];
	_ =	sdelay $0x1  }
0xc1: {  	v1 =	vld [tilespmem:s23+$0x510];
	_ =	sdelay $0x2  }
0xc2: {  	v0 =	vmul.u32 $0x2710, v0;
	_ =	sdelay $0x1  }
0xc3: {  	v0 =	vadd.s32 v1, v0  }
0xc4: {  	[tilespmem:s23+$0x1F90] =	vst v0;
	v0 =	vadd.s32 $0xF4240, v0  }
0xc5: {  	[tilespmem:s23+$0x3890] =	vst v0  }
0xc6: {  	v0 =	vld [tilespmem:$0x1920];
	_ =	sdelay $0x1  }
0xc7: {  	v1 =	vld [tilespmem:s23+$0x520];
	_ =	sdelay $0x2  }
0xc8: {  	v0 =	vmul.u32 $0x2710, v0;
	_ =	sdelay $0x1  }
0xc9: {  	v0 =	vadd.s32 v1, v0  }
0xca: {  	[tilespmem:s23+$0x1FA0] =	vst v0;
	v0 =	vadd.s32 $0xF4240, v0  }
0xcb: {  	[tilespmem:s23+$0x38A0] =	vst v0  }
0xcc: {  	v0 =	vld [tilespmem:$0x1930];
	_ =	sdelay $0x1  }
0xcd: {  	v1 =	vld [tilespmem:s23+$0x530];
	_ =	sdelay $0x2  }
0xce: {  	v0 =	vmul.u32 $0x2710, v0;
	_ =	sdelay $0x1  }
0xcf: {  	v0 =	vadd.s32 v1, v0  }
0xd0: {  	[tilespmem:s23+$0x1FB0] =	vst v0;
	v0 =	vadd.s32 $0xF4240, v0  }
0xd1: {  	[tilespmem:s23+$0x38B0] =	vst v0  }
0xd2: {  	v0 =	vld [tilespmem:$0x1940];
	_ =	sdelay $0x1  }
0xd3: {  	v1 =	vld [tilespmem:s23+$0x540];
	_ =	sdelay $0x2  }
0xd4: {  	v0 =	vmul.u32 $0x2710, v0;
	_ =	sdelay $0x1  }
0xd5: {  	v0 =	vadd.s32 v1, v0  }
0xd6: {  	[tilespmem:s23+$0x1FC0] =	vst v0;
	v0 =	vadd.s32 $0xF4240, v0  }
0xd7: {  	[tilespmem:s23+$0x38C0] =	vst v0  }
0xd8: {  	v0 =	vld [tilespmem:$0x1950];
	_ =	sdelay $0x1  }
0xd9: {  	v1 =	vld [tilespmem:s23+$0x550];
	_ =	sdelay $0x2  }
0xda: {  	v0 =	vmul.u32 $0x2710, v0;
	_ =	sdelay $0x1  }
0xdb: {  	v0 =	vadd.s32 v1, v0  }
0xdc: {  	[tilespmem:s23+$0x1FD0] =	vst v0;
	v0 =	vadd.s32 $0xF4240, v0  }
0xdd: {  	[tilespmem:s23+$0x38D0] =	vst v0  }
0xde: {  	v0 =	vld [tilespmem:$0x1960];
	_ =	sdelay $0x1  }
0xdf: {  	v1 =	vld [tilespmem:s23+$0x560];
	_ =	sdelay $0x2  }
0xe0: {  	v0 =	vmul.u32 $0x2710, v0;
	_ =	sdelay $0x1  }
0xe1: {  	v0 =	vadd.s32 v1, v0  }
0xe2: {  	[tilespmem:s23+$0x1FE0] =	vst v0;
	v0 =	vadd.s32 $0xF4240, v0  }
0xe3: {  	[tilespmem:s23+$0x38E0] =	vst v0  }
0xe4: {  	v0 =	vld [tilespmem:$0x1970];
	_ =	sdelay $0x1  }
0xe5: {  	v1 =	vld [tilespmem:s23+$0x570];
	_ =	sdelay $0x2  }
0xe6: {  	v0 =	vmul.u32 $0x2710, v0;
	_ =	sdelay $0x1  }
0xe7: {  	v0 =	vadd.s32 v1, v0  }
0xe8: {  	[tilespmem:s23+$0x1FF0] =	vst v0;
	v0 =	vadd.s32 $0xF4240, v0  }
0xe9: {  	s25 =	simm.s32 $0x1F80;
	s24 =	simm.s32 $0x5180;
	[tilespmem:s23+$0x38F0] =	vst v0  }
0xea: {  	[tilespmem:s24], [sflag:$0x1] =	stream.indirect.gather [hbm4b:s3+s17], $0x1, s25, s17, $0xb8;
	[tilespmem:$0x7F10] =	vst v63  }
0xeb: {  	s24 =	simm.s32 $0x3880;
	s25 =	simm.s32 $0x6A80  }
0xec: {  	[tilespmem:s25], [sflag:$0x1] =	stream.indirect.gather [hbm4b:s3+s17], $0x1, s24, s17, $0xb8;
	[tilespmem:$0x7F10] =	vst v63  }
0xed: {  	s23 =	simm.s32 $0x0;
	s24 =	simm.s32 $0x200;
	v0 =	vld [tilespmem:$0x1900]  }
.LBB2_6:
0xee: {  	p0 =	sne.s32 s24, $0x1200;
	s25 =	sshra.s32 s23, $0x2;
	s23 =	smov.u32 s24  }
0xef: {  	v1 =	vld [tilespmem:s25+$0xA00];
	_ =	sdelay $0x2  }
0xf0: {  	v0 =	vmul.u32 $0x2710, v0;
	_ =	sdelay $0x1  }
0xf1: {  	v0 =	vadd.s32 v1, v0  }
0xf2: {  	[tilespmem:s25+$0x2480] =	vst v0;
	v0 =	vadd.s32 $0xF4240, v0  }
0xf3: {  	[tilespmem:s25+$0x3D80] =	vst v0  }
0xf4: {  	v0 =	vld [tilespmem:$0x1910];
	_ =	sdelay $0x1  }
0xf5: {  	v1 =	vld [tilespmem:s25+$0xA10];
	_ =	sdelay $0x2  }
0xf6: {  	v0 =	vmul.u32 $0x2710, v0;
	_ =	sdelay $0x1  }
0xf7: {  	v0 =	vadd.s32 v1, v0  }
0xf8: {  	[tilespmem:s25+$0x2490] =	vst v0;
	v0 =	vadd.s32 $0xF4240, v0  }
0xf9: {  	[tilespmem:s25+$0x3D90] =	vst v0  }
0xfa: {  	v0 =	vld [tilespmem:$0x1920];
	_ =	sdelay $0x1  }
0xfb: {  	v1 =	vld [tilespmem:s25+$0xA20];
	_ =	sdelay $0x2  }
0xfc: {  	v0 =	vmul.u32 $0x2710, v0;
	_ =	sdelay $0x1  }
0xfd: {  	v0 =	vadd.s32 v1, v0  }
0xfe: {  	[tilespmem:s25+$0x24A0] =	vst v0;
	v0 =	vadd.s32 $0xF4240, v0  }
0xff: {  	[tilespmem:s25+$0x3DA0] =	vst v0  }
0x100: {  	v0 =	vld [tilespmem:$0x1930];
	_ =	sdelay $0x1  }
0x101: {  	v1 =	vld [tilespmem:s25+$0xA30];
	_ =	sdelay $0x2  }
0x102: {  	v0 =	vmul.u32 $0x2710, v0;
	_ =	sdelay $0x1  }
0x103: {  	v0 =	vadd.s32 v1, v0  }
0x104: {  	[tilespmem:s25+$0x24B0] =	vst v0;
	v0 =	vadd.s32 $0xF4240, v0  }
0x105: {  	[tilespmem:s25+$0x3DB0] =	vst v0  }
0x106: {  	v0 =	vld [tilespmem:$0x1940];
	_ =	sdelay $0x1  }
0x107: {  	v1 =	vld [tilespmem:s25+$0xA40];
	_ =	sdelay $0x2  }
0x108: {  	v0 =	vmul.u32 $0x2710, v0;
	_ =	sdelay $0x1  }
0x109: {  	v0 =	vadd.s32 v1, v0  }
0x10a: {  	[tilespmem:s25+$0x24C0] =	vst v0;
	v0 =	vadd.s32 $0xF4240, v0  }
0x10b: {  	[tilespmem:s25+$0x3DC0] =	vst v0  }
0x10c: {  	v0 =	vld [tilespmem:$0x1950];
	_ =	sdelay $0x1  }
0x10d: {  	v1 =	vld [tilespmem:s25+$0xA50];
	_ =	sdelay $0x2  }
0x10e: {  	v0 =	vmul.u32 $0x2710, v0;
	_ =	sdelay $0x1  }
0x10f: {  	v0 =	vadd.s32 v1, v0  }
0x110: {  	[tilespmem:s25+$0x24D0] =	vst v0;
	v0 =	vadd.s32 $0xF4240, v0  }
0x111: {  	[tilespmem:s25+$0x3DD0] =	vst v0  }
0x112: {  	v0 =	vld [tilespmem:$0x1960];
	_ =	sdelay $0x1  }
0x113: {  	v1 =	vld [tilespmem:s25+$0xA60];
	_ =	sdelay $0x2  }
0x114: {  	v0 =	vmul.u32 $0x2710, v0;
	_ =	sdelay $0x1  }
0x115: {  	v0 =	vadd.s32 v1, v0  }
0x116: {  	[tilespmem:s25+$0x24E0] =	vst v0;
	v0 =	vadd.s32 $0xF4240, v0  }
0x117: {  	[tilespmem:s25+$0x3DE0] =	vst v0  }
0x118: {  	v0 =	vld [tilespmem:$0x1970];
	_ =	sdelay $0x1  }
0x119: {  	v1 =	vld [tilespmem:s25+$0xA70];
	_ =	sdelay $0x2  }
0x11a: {  	v0 =	vmul.u32 $0x2710, v0  }
.Ltmp2:
0x11b: {  	(pc) =	sbr.rel @p0 .LBB2_6-.Ltmp2, $4  }
0x11c: {  	v0 =	vadd.s32 v1, v0  }
0x11d: {  	[tilespmem:s25+$0x24F0] =	vst v0;
	v0 =	vadd.s32 $0xF4240, v0  }
0x11e: {  	[tilespmem:s25+$0x3DF0] =	vst v0  }
0x11f: {  	s24 =	sadd.s32 $0x200, s24;
	v0 =	vld [tilespmem:$0x1900]  }
0x120: {  	s23 =	sshra.s32 s23, $0x2  }
0x121: {  	v1 =	vld [tilespmem:s23+$0xA00];
	_ =	sdelay $0x2  }
0x122: {  	v0 =	vmul.u32 $0x2710, v0;
	_ =	sdelay $0x1  }
0x123: {  	v0 =	vadd.s32 v1, v0  }
0x124: {  	[tilespmem:s23+$0x2480] =	vst v0;
	v0 =	vadd.s32 $0xF4240, v0  }
0x125: {  	[tilespmem:s23+$0x3D80] =	vst v0  }
0x126: {  	v0 =	vld [tilespmem:$0x1910];
	_ =	sdelay $0x1  }
0x127: {  	v1 =	vld [tilespmem:s23+$0xA10];
	_ =	sdelay $0x2  }
0x128: {  	v0 =	vmul.u32 $0x2710, v0;
	_ =	sdelay $0x1  }
0x129: {  	v0 =	vadd.s32 v1, v0  }
0x12a: {  	[tilespmem:s23+$0x2490] =	vst v0;
	v0 =	vadd.s32 $0xF4240, v0  }
0x12b: {  	[tilespmem:s23+$0x3D90] =	vst v0  }
0x12c: {  	v0 =	vld [tilespmem:$0x1920];
	_ =	sdelay $0x1  }
0x12d: {  	v1 =	vld [tilespmem:s23+$0xA20];
	_ =	sdelay $0x2  }
0x12e: {  	v0 =	vmul.u32 $0x2710, v0;
	_ =	sdelay $0x1  }
0x12f: {  	v0 =	vadd.s32 v1, v0  }
0x130: {  	[tilespmem:s23+$0x24A0] =	vst v0;
	v0 =	vadd.s32 $0xF4240, v0  }
0x131: {  	[tilespmem:s23+$0x3DA0] =	vst v0  }
0x132: {  	v0 =	vld [tilespmem:$0x1930];
	_ =	sdelay $0x1  }
0x133: {  	v1 =	vld [tilespmem:s23+$0xA30];
	_ =	sdelay $0x2  }
0x134: {  	v0 =	vmul.u32 $0x2710, v0;
	_ =	sdelay $0x1  }
0x135: {  	v0 =	vadd.s32 v1, v0  }
0x136: {  	[tilespmem:s23+$0x24B0] =	vst v0;
	v0 =	vadd.s32 $0xF4240, v0  }
0x137: {  	[tilespmem:s23+$0x3DB0] =	vst v0  }
0x138: {  	v0 =	vld [tilespmem:$0x1940];
	_ =	sdelay $0x1  }
0x139: {  	v1 =	vld [tilespmem:s23+$0xA40];
	_ =	sdelay $0x2  }
0x13a: {  	v0 =	vmul.u32 $0x2710, v0;
	_ =	sdelay $0x1  }
0x13b: {  	v0 =	vadd.s32 v1, v0  }
0x13c: {  	[tilespmem:s23+$0x24C0] =	vst v0;
	v0 =	vadd.s32 $0xF4240, v0  }
0x13d: {  	[tilespmem:s23+$0x3DC0] =	vst v0  }
0x13e: {  	v0 =	vld [tilespmem:$0x1950];
	_ =	sdelay $0x1  }
0x13f: {  	v1 =	vld [tilespmem:s23+$0xA50];
	_ =	sdelay $0x2  }
0x140: {  	v0 =	vmul.u32 $0x2710, v0;
	_ =	sdelay $0x1  }
0x141: {  	v0 =	vadd.s32 v1, v0  }
0x142: {  	[tilespmem:s23+$0x24D0] =	vst v0;
	v0 =	vadd.s32 $0xF4240, v0  }
0x143: {  	[tilespmem:s23+$0x3DD0] =	vst v0  }
0x144: {  	v0 =	vld [tilespmem:$0x1960];
	_ =	sdelay $0x1  }
0x145: {  	v1 =	vld [tilespmem:s23+$0xA60];
	_ =	sdelay $0x2  }
0x146: {  	v0 =	vmul.u32 $0x2710, v0;
	_ =	sdelay $0x1  }
0x147: {  	v0 =	vadd.s32 v1, v0  }
0x148: {  	[tilespmem:s23+$0x24E0] =	vst v0;
	v0 =	vadd.s32 $0xF4240, v0  }
0x149: {  	[tilespmem:s23+$0x3DE0] =	vst v0  }
0x14a: {  	v0 =	vld [tilespmem:$0x1970];
	_ =	sdelay $0x1  }
0x14b: {  	v1 =	vld [tilespmem:s23+$0xA70];
	_ =	sdelay $0x2  }
0x14c: {  	v0 =	vmul.u32 $0x2710, v0;
	_ =	sdelay $0x1  }
0x14d: {  	v0 =	vadd.s32 v1, v0  }
0x14e: {  	[tilespmem:s23+$0x24F0] =	vst v0;
	v0 =	vadd.s32 $0xF4240, v0  }
0x14f: {  	[tilespmem:s23+$0x3DF0] =	vst v0  }
0x150: {  	[tilespmem:s28], [sflag:$0x1] =	stream.indirect.gather [hbm4b:s3+s17], $0x1, s26, s17, $0xb8;
	[tilespmem:$0x7F10] =	vst v63  }
0x151: {  	_ = 	snop  }
0x152: {  	[tilespmem:s30], [sflag:$0x1] =	stream.indirect.gather [hbm4b:s3+s17], $0x1, s29, s17, $0xb8;
	[tilespmem:$0x7F10] =	vst v63  }
0x153: {  	s24 =	simm.s32 $0x200;
	s23 =	simm.s32 $0x0;
	v0 =	vld [tilespmem:$0x1900]  }
.LBB2_8:
0x154: {  	p0 =	sne.s32 s24, $0x1200;
	s25 =	sshra.s32 s23, $0x2;
	s23 =	smov.u32 s24  }
0x155: {  	v1 =	vld [tilespmem:s25+$0xF00];
	_ =	sdelay $0x2  }
0x156: {  	v0 =	vmul.u32 $0x2710, v0;
	_ =	sdelay $0x1  }
0x157: {  	v0 =	vadd.s32 v1, v0  }
0x158: {  	[tilespmem:s25+$0x2980] =	vst v0;
	v0 =	vadd.s32 $0xF4240, v0  }
0x159: {  	[tilespmem:s25+$0x4280] =	vst v0  }
0x15a: {  	v0 =	vld [tilespmem:$0x1910];
	_ =	sdelay $0x1  }
0x15b: {  	v1 =	vld [tilespmem:s25+$0xF10];
	_ =	sdelay $0x2  }
0x15c: {  	v0 =	vmul.u32 $0x2710, v0;
	_ =	sdelay $0x1  }
0x15d: {  	v0 =	vadd.s32 v1, v0  }
0x15e: {  	[tilespmem:s25+$0x2990] =	vst v0;
	v0 =	vadd.s32 $0xF4240, v0  }
0x15f: {  	[tilespmem:s25+$0x4290] =	vst v0  }
0x160: {  	v0 =	vld [tilespmem:$0x1920];
	_ =	sdelay $0x1  }
0x161: {  	v1 =	vld [tilespmem:s25+$0xF20];
	_ =	sdelay $0x2  }
0x162: {  	v0 =	vmul.u32 $0x2710, v0;
	_ =	sdelay $0x1  }
0x163: {  	v0 =	vadd.s32 v1, v0  }
0x164: {  	[tilespmem:s25+$0x29A0] =	vst v0;
	v0 =	vadd.s32 $0xF4240, v0  }
0x165: {  	[tilespmem:s25+$0x42A0] =	vst v0  }
0x166: {  	v0 =	vld [tilespmem:$0x1930];
	_ =	sdelay $0x1  }
0x167: {  	v1 =	vld [tilespmem:s25+$0xF30];
	_ =	sdelay $0x2  }
0x168: {  	v0 =	vmul.u32 $0x2710, v0;
	_ =	sdelay $0x1  }
0x169: {  	v0 =	vadd.s32 v1, v0  }
0x16a: {  	[tilespmem:s25+$0x29B0] =	vst v0;
	v0 =	vadd.s32 $0xF4240, v0  }
0x16b: {  	[tilespmem:s25+$0x42B0] =	vst v0  }
0x16c: {  	v0 =	vld [tilespmem:$0x1940];
	_ =	sdelay $0x1  }
0x16d: {  	v1 =	vld [tilespmem:s25+$0xF40];
	_ =	sdelay $0x2  }
0x16e: {  	v0 =	vmul.u32 $0x2710, v0;
	_ =	sdelay $0x1  }
0x16f: {  	v0 =	vadd.s32 v1, v0  }
0x170: {  	[tilespmem:s25+$0x29C0] =	vst v0;
	v0 =	vadd.s32 $0xF4240, v0  }
0x171: {  	[tilespmem:s25+$0x42C0] =	vst v0  }
0x172: {  	v0 =	vld [tilespmem:$0x1950];
	_ =	sdelay $0x1  }
0x173: {  	v1 =	vld [tilespmem:s25+$0xF50];
	_ =	sdelay $0x2  }
0x174: {  	v0 =	vmul.u32 $0x2710, v0;
	_ =	sdelay $0x1  }
0x175: {  	v0 =	vadd.s32 v1, v0  }
0x176: {  	[tilespmem:s25+$0x29D0] =	vst v0;
	v0 =	vadd.s32 $0xF4240, v0  }
0x177: {  	[tilespmem:s25+$0x42D0] =	vst v0  }
0x178: {  	v0 =	vld [tilespmem:$0x1960];
	_ =	sdelay $0x1  }
0x179: {  	v1 =	vld [tilespmem:s25+$0xF60];
	_ =	sdelay $0x2  }
0x17a: {  	v0 =	vmul.u32 $0x2710, v0;
	_ =	sdelay $0x1  }
0x17b: {  	v0 =	vadd.s32 v1, v0  }
0x17c: {  	[tilespmem:s25+$0x29E0] =	vst v0;
	v0 =	vadd.s32 $0xF4240, v0  }
0x17d: {  	[tilespmem:s25+$0x42E0] =	vst v0  }
0x17e: {  	v0 =	vld [tilespmem:$0x1970];
	_ =	sdelay $0x1  }
0x17f: {  	v1 =	vld [tilespmem:s25+$0xF70];
	_ =	sdelay $0x2  }
0x180: {  	v0 =	vmul.u32 $0x2710, v0  }
.Ltmp3:
0x181: {  	(pc) =	sbr.rel @p0 .LBB2_8-.Ltmp3, $4  }
0x182: {  	v0 =	vadd.s32 v1, v0  }
0x183: {  	[tilespmem:s25+$0x29F0] =	vst v0;
	v0 =	vadd.s32 $0xF4240, v0  }
0x184: {  	[tilespmem:s25+$0x42F0] =	vst v0  }
0x185: {  	s24 =	sadd.s32 $0x200, s24;
	v0 =	vld [tilespmem:$0x1900]  }
0x186: {  	s23 =	sshra.s32 s23, $0x2  }
0x187: {  	v1 =	vld [tilespmem:s23+$0xF00];
	_ =	sdelay $0x2  }
0x188: {  	v0 =	vmul.u32 $0x2710, v0;
	_ =	sdelay $0x1  }
0x189: {  	v0 =	vadd.s32 v1, v0  }
0x18a: {  	[tilespmem:s23+$0x2980] =	vst v0;
	v0 =	vadd.s32 $0xF4240, v0  }
0x18b: {  	[tilespmem:s23+$0x4280] =	vst v0  }
0x18c: {  	v0 =	vld [tilespmem:$0x1910];
	_ =	sdelay $0x1  }
0x18d: {  	v1 =	vld [tilespmem:s23+$0xF10];
	_ =	sdelay $0x2  }
0x18e: {  	v0 =	vmul.u32 $0x2710, v0;
	_ =	sdelay $0x1  }
0x18f: {  	v0 =	vadd.s32 v1, v0  }
0x190: {  	[tilespmem:s23+$0x2990] =	vst v0;
	v0 =	vadd.s32 $0xF4240, v0  }
0x191: {  	[tilespmem:s23+$0x4290] =	vst v0  }
0x192: {  	v0 =	vld [tilespmem:$0x1920];
	_ =	sdelay $0x1  }
0x193: {  	v1 =	vld [tilespmem:s23+$0xF20];
	_ =	sdelay $0x2  }
0x194: {  	v0 =	vmul.u32 $0x2710, v0;
	_ =	sdelay $0x1  }
0x195: {  	v0 =	vadd.s32 v1, v0  }
0x196: {  	[tilespmem:s23+$0x29A0] =	vst v0;
	v0 =	vadd.s32 $0xF4240, v0  }
0x197: {  	[tilespmem:s23+$0x42A0] =	vst v0  }
0x198: {  	v0 =	vld [tilespmem:$0x1930];
	_ =	sdelay $0x1  }
0x199: {  	v1 =	vld [tilespmem:s23+$0xF30];
	_ =	sdelay $0x2  }
0x19a: {  	v0 =	vmul.u32 $0x2710, v0;
	_ =	sdelay $0x1  }
0x19b: {  	v0 =	vadd.s32 v1, v0  }
0x19c: {  	[tilespmem:s23+$0x29B0] =	vst v0;
	v0 =	vadd.s32 $0xF4240, v0  }
0x19d: {  	[tilespmem:s23+$0x42B0] =	vst v0  }
0x19e: {  	v0 =	vld [tilespmem:$0x1940];
	_ =	sdelay $0x1  }
0x19f: {  	v1 =	vld [tilespmem:s23+$0xF40];
	_ =	sdelay $0x2  }
0x1a0: {  	v0 =	vmul.u32 $0x2710, v0;
	_ =	sdelay $0x1  }
0x1a1: {  	v0 =	vadd.s32 v1, v0  }
0x1a2: {  	[tilespmem:s23+$0x29C0] =	vst v0;
	v0 =	vadd.s32 $0xF4240, v0  }
0x1a3: {  	[tilespmem:s23+$0x42C0] =	vst v0  }
0x1a4: {  	v0 =	vld [tilespmem:$0x1950];
	_ =	sdelay $0x1  }
0x1a5: {  	v1 =	vld [tilespmem:s23+$0xF50];
	_ =	sdelay $0x2  }
0x1a6: {  	v0 =	vmul.u32 $0x2710, v0;
	_ =	sdelay $0x1  }
0x1a7: {  	v0 =	vadd.s32 v1, v0  }
0x1a8: {  	[tilespmem:s23+$0x29D0] =	vst v0;
	v0 =	vadd.s32 $0xF4240, v0  }
0x1a9: {  	[tilespmem:s23+$0x42D0] =	vst v0  }
0x1aa: {  	v0 =	vld [tilespmem:$0x1960];
	_ =	sdelay $0x1  }
0x1ab: {  	v1 =	vld [tilespmem:s23+$0xF60];
	_ =	sdelay $0x2  }
0x1ac: {  	v0 =	vmul.u32 $0x2710, v0;
	_ =	sdelay $0x1  }
0x1ad: {  	v0 =	vadd.s32 v1, v0  }
0x1ae: {  	[tilespmem:s23+$0x29E0] =	vst v0;
	v0 =	vadd.s32 $0xF4240, v0  }
0x1af: {  	[tilespmem:s23+$0x42E0] =	vst v0  }
0x1b0: {  	v0 =	vld [tilespmem:$0x1970];
	_ =	sdelay $0x1  }
0x1b1: {  	v1 =	vld [tilespmem:s23+$0xF70];
	_ =	sdelay $0x2  }
0x1b2: {  	v0 =	vmul.u32 $0x2710, v0;
	_ =	sdelay $0x1  }
0x1b3: {  	v0 =	vadd.s32 v1, v0  }
0x1b4: {  	[tilespmem:s23+$0x29F0] =	vst v0;
	v0 =	vadd.s32 $0xF4240, v0  }
0x1b5: {  	[tilespmem:s23+$0x42F0] =	vst v0  }
0x1b6: {  	[tilespmem:s0], [sflag:$0x1] =	stream.indirect.gather [hbm4b:s3+s17], $0x1, s31, s17, $0xb8;
	[tilespmem:$0x7F10] =	vst v63  }
0x1b7: {  	_ = 	snop  }
0x1b8: {  	[tilespmem:s11], [sflag:$0x1] =	stream.indirect.gather [hbm4b:s3+s17], $0x1, s1, s17, $0xb8;
	[tilespmem:$0x7F10] =	vst v63  }
0x1b9: {  	s24 =	simm.s32 $0x200;
	s23 =	simm.s32 $0x0;
	v0 =	vld [tilespmem:$0x1900]  }
.LBB2_10:
0x1ba: {  	p0 =	sne.s32 s24, $0x1200;
	s25 =	sshra.s32 s23, $0x2;
	s23 =	smov.u32 s24  }
0x1bb: {  	v1 =	vld [tilespmem:s25+$0x1400];
	_ =	sdelay $0x2  }
0x1bc: {  	v0 =	vmul.u32 $0x2710, v0;
	_ =	sdelay $0x1  }
0x1bd: {  	v0 =	vadd.s32 v1, v0  }
0x1be: {  	[tilespmem:s25+$0x2E80] =	vst v0;
	v0 =	vadd.s32 $0xF4240, v0  }
0x1bf: {  	[tilespmem:s25+$0x4780] =	vst v0  }
0x1c0: {  	v0 =	vld [tilespmem:$0x1910];
	_ =	sdelay $0x1  }
0x1c1: {  	v1 =	vld [tilespmem:s25+$0x1410];
	_ =	sdelay $0x2  }
0x1c2: {  	v0 =	vmul.u32 $0x2710, v0;
	_ =	sdelay $0x1  }
0x1c3: {  	v0 =	vadd.s32 v1, v0  }
0x1c4: {  	[tilespmem:s25+$0x2E90] =	vst v0;
	v0 =	vadd.s32 $0xF4240, v0  }
0x1c5: {  	[tilespmem:s25+$0x4790] =	vst v0  }
0x1c6: {  	v0 =	vld [tilespmem:$0x1920];
	_ =	sdelay $0x1  }
0x1c7: {  	v1 =	vld [tilespmem:s25+$0x1420];
	_ =	sdelay $0x2  }
0x1c8: {  	v0 =	vmul.u32 $0x2710, v0;
	_ =	sdelay $0x1  }
0x1c9: {  	v0 =	vadd.s32 v1, v0  }
0x1ca: {  	[tilespmem:s25+$0x2EA0] =	vst v0;
	v0 =	vadd.s32 $0xF4240, v0  }
0x1cb: {  	[tilespmem:s25+$0x47A0] =	vst v0  }
0x1cc: {  	v0 =	vld [tilespmem:$0x1930];
	_ =	sdelay $0x1  }
0x1cd: {  	v1 =	vld [tilespmem:s25+$0x1430];
	_ =	sdelay $0x2  }
0x1ce: {  	v0 =	vmul.u32 $0x2710, v0;
	_ =	sdelay $0x1  }
0x1cf: {  	v0 =	vadd.s32 v1, v0  }
0x1d0: {  	[tilespmem:s25+$0x2EB0] =	vst v0;
	v0 =	vadd.s32 $0xF4240, v0  }
0x1d1: {  	[tilespmem:s25+$0x47B0] =	vst v0  }
0x1d2: {  	v0 =	vld [tilespmem:$0x1940];
	_ =	sdelay $0x1  }
0x1d3: {  	v1 =	vld [tilespmem:s25+$0x1440];
	_ =	sdelay $0x2  }
0x1d4: {  	v0 =	vmul.u32 $0x2710, v0;
	_ =	sdelay $0x1  }
0x1d5: {  	v0 =	vadd.s32 v1, v0  }
0x1d6: {  	[tilespmem:s25+$0x2EC0] =	vst v0;
	v0 =	vadd.s32 $0xF4240, v0  }
0x1d7: {  	[tilespmem:s25+$0x47C0] =	vst v0  }
0x1d8: {  	v0 =	vld [tilespmem:$0x1950];
	_ =	sdelay $0x1  }
0x1d9: {  	v1 =	vld [tilespmem:s25+$0x1450];
	_ =	sdelay $0x2  }
0x1da: {  	v0 =	vmul.u32 $0x2710, v0;
	_ =	sdelay $0x1  }
0x1db: {  	v0 =	vadd.s32 v1, v0  }
0x1dc: {  	[tilespmem:s25+$0x2ED0] =	vst v0;
	v0 =	vadd.s32 $0xF4240, v0  }
0x1dd: {  	[tilespmem:s25+$0x47D0] =	vst v0  }
0x1de: {  	v0 =	vld [tilespmem:$0x1960];
	_ =	sdelay $0x1  }
0x1df: {  	v1 =	vld [tilespmem:s25+$0x1460];
	_ =	sdelay $0x2  }
0x1e0: {  	v0 =	vmul.u32 $0x2710, v0;
	_ =	sdelay $0x1  }
0x1e1: {  	v0 =	vadd.s32 v1, v0  }
0x1e2: {  	[tilespmem:s25+$0x2EE0] =	vst v0;
	v0 =	vadd.s32 $0xF4240, v0  }
0x1e3: {  	[tilespmem:s25+$0x47E0] =	vst v0  }
0x1e4: {  	v0 =	vld [tilespmem:$0x1970];
	_ =	sdelay $0x1  }
0x1e5: {  	v1 =	vld [tilespmem:s25+$0x1470];
	_ =	sdelay $0x2  }
0x1e6: {  	v0 =	vmul.u32 $0x2710, v0  }
.Ltmp4:
0x1e7: {  	(pc) =	sbr.rel @p0 .LBB2_10-.Ltmp4, $4  }
0x1e8: {  	v0 =	vadd.s32 v1, v0  }
0x1e9: {  	[tilespmem:s25+$0x2EF0] =	vst v0;
	v0 =	vadd.s32 $0xF4240, v0  }
0x1ea: {  	[tilespmem:s25+$0x47F0] =	vst v0  }
0x1eb: {  	s24 =	sadd.s32 $0x200, s24;
	v0 =	vld [tilespmem:$0x1900]  }
0x1ec: {  	s23 =	sshra.s32 s23, $0x2  }
0x1ed: {  	v1 =	vld [tilespmem:s23+$0x1400];
	_ =	sdelay $0x2  }
0x1ee: {  	v0 =	vmul.u32 $0x2710, v0;
	_ =	sdelay $0x1  }
0x1ef: {  	v0 =	vadd.s32 v1, v0  }
0x1f0: {  	[tilespmem:s23+$0x2E80] =	vst v0;
	v0 =	vadd.s32 $0xF4240, v0  }
0x1f1: {  	[tilespmem:s23+$0x4780] =	vst v0  }
0x1f2: {  	v0 =	vld [tilespmem:$0x1910];
	_ =	sdelay $0x1  }
0x1f3: {  	v1 =	vld [tilespmem:s23+$0x1410];
	_ =	sdelay $0x2  }
0x1f4: {  	v0 =	vmul.u32 $0x2710, v0;
	_ =	sdelay $0x1  }
0x1f5: {  	v0 =	vadd.s32 v1, v0  }
0x1f6: {  	[tilespmem:s23+$0x2E90] =	vst v0;
	v0 =	vadd.s32 $0xF4240, v0  }
0x1f7: {  	[tilespmem:s23+$0x4790] =	vst v0  }
0x1f8: {  	v0 =	vld [tilespmem:$0x1920];
	_ =	sdelay $0x1  }
0x1f9: {  	v1 =	vld [tilespmem:s23+$0x1420];
	_ =	sdelay $0x2  }
0x1fa: {  	v0 =	vmul.u32 $0x2710, v0;
	_ =	sdelay $0x1  }
0x1fb: {  	v0 =	vadd.s32 v1, v0  }
0x1fc: {  	[tilespmem:s23+$0x2EA0] =	vst v0;
	v0 =	vadd.s32 $0xF4240, v0  }
0x1fd: {  	[tilespmem:s23+$0x47A0] =	vst v0  }
0x1fe: {  	v0 =	vld [tilespmem:$0x1930];
	_ =	sdelay $0x1  }
0x1ff: {  	v1 =	vld [tilespmem:s23+$0x1430];
	_ =	sdelay $0x2  }
0x200: {  	v0 =	vmul.u32 $0x2710, v0;
	_ =	sdelay $0x1  }
0x201: {  	v0 =	vadd.s32 v1, v0  }
0x202: {  	[tilespmem:s23+$0x2EB0] =	vst v0;
	v0 =	vadd.s32 $0xF4240, v0  }
0x203: {  	[tilespmem:s23+$0x47B0] =	vst v0  }
0x204: {  	v0 =	vld [tilespmem:$0x1940];
	_ =	sdelay $0x1  }
0x205: {  	v1 =	vld [tilespmem:s23+$0x1440];
	_ =	sdelay $0x2  }
0x206: {  	v0 =	vmul.u32 $0x2710, v0;
	_ =	sdelay $0x1  }
0x207: {  	v0 =	vadd.s32 v1, v0  }
0x208: {  	[tilespmem:s23+$0x2EC0] =	vst v0;
	v0 =	vadd.s32 $0xF4240, v0  }
0x209: {  	[tilespmem:s23+$0x47C0] =	vst v0  }
0x20a: {  	v0 =	vld [tilespmem:$0x1950];
	_ =	sdelay $0x1  }
0x20b: {  	v1 =	vld [tilespmem:s23+$0x1450];
	_ =	sdelay $0x2  }
0x20c: {  	v0 =	vmul.u32 $0x2710, v0;
	_ =	sdelay $0x1  }
0x20d: {  	v0 =	vadd.s32 v1, v0  }
0x20e: {  	[tilespmem:s23+$0x2ED0] =	vst v0;
	v0 =	vadd.s32 $0xF4240, v0  }
0x20f: {  	[tilespmem:s23+$0x47D0] =	vst v0  }
0x210: {  	v0 =	vld [tilespmem:$0x1960];
	_ =	sdelay $0x1  }
0x211: {  	v1 =	vld [tilespmem:s23+$0x1460];
	_ =	sdelay $0x2  }
0x212: {  	v0 =	vmul.u32 $0x2710, v0;
	_ =	sdelay $0x1  }
0x213: {  	v0 =	vadd.s32 v1, v0  }
0x214: {  	[tilespmem:s23+$0x2EE0] =	vst v0;
	v0 =	vadd.s32 $0xF4240, v0  }
0x215: {  	[tilespmem:s23+$0x47E0] =	vst v0  }
0x216: {  	v0 =	vld [tilespmem:$0x1970];
	_ =	sdelay $0x1  }
0x217: {  	v1 =	vld [tilespmem:s23+$0x1470];
	_ =	sdelay $0x2  }
0x218: {  	v0 =	vmul.u32 $0x2710, v0;
	_ =	sdelay $0x1  }
0x219: {  	v0 =	vadd.s32 v1, v0  }
0x21a: {  	[tilespmem:s23+$0x2EF0] =	vst v0;
	v0 =	vadd.s32 $0xF4240, v0  }
0x21b: {  	[tilespmem:s23+$0x47F0] =	vst v0  }
0x21c: {  	[tilespmem:s13], [sflag:$0x1] =	stream.indirect.gather [hbm4b:s3+s17], $0x1, s12, s17, $0xb8;
	[tilespmem:$0x7F10] =	vst v63  }
0x21d: {  	_ = 	snop  }
0x21e: {  	[tilespmem:s15], [sflag:$0x1] =	stream.indirect.gather [hbm4b:s3+s17], $0x1, s14, s17, $0xb8;
	[tilespmem:$0x7F10] =	vst v63  }
0x21f: {  	_ =	swait.ge [sflag:s18], $0x500  }
0x220: {  	[sflag:s18] =	ssyncset.done $0x0  }
0x221: {  	[sflag:s18] =	ssyncadd.s32 $0xFFFFFB00  }
0x222: {  	_ =	swait.ge [sflag:s18], $0x500  }
0x223: {  	[sflag:s18] =	ssyncset.done $0x0  }
0x224: {  	s25 =	simm.s32 $0x0;
	[sflag:s18] =	ssyncadd.s32 $0xFFFFFB00  }
0x225: {  	v0 =	vld [tilespmem:s25+$0x65F0]  }
0x226: {  	v1 =	vld [tilespmem:s25+$0x4C80]  }
0x227: {  	v2 =	vld [tilespmem:s25+$0x6580]  }
0x228: {  	v3 =	vld [tilespmem:s25+$0x4C90]  }
0x229: {  	v4 =	vld [tilespmem:s25+$0x6590]  }
0x22a: {  	v5 =	vld [tilespmem:s25+$0x4CA0]  }
0x22b: {  	v6 =	vld [tilespmem:s25+$0x65A0]  }
0x22c: {  	v10 =	vld [tilespmem:s25+$0x4CB0]  }
0x22d: {  	v12 =	vld [tilespmem:s25+$0x65B0]  }
0x22e: {  	v11 =	vimm.f32 $0.0e+00;
	v13 =	vld [tilespmem:s25+$0x4CC0]  }
0x22f: {  	v14 =	vld [tilespmem:s25+$0x65C0];
	v7 =	vadd.f32 v0, v11  }
0x230: {  	v8 =	vadd.f32 v1, v11;
	v9 =	vadd.f32 v2, v11  }
0x231: {  	v16 =	vld [tilespmem:s25+$0x4CD0];
	v0 =	vadd.f32 v3, v11;
	v1 =	vadd.f32 v4, v11  }
0x232: {  	v17 =	vld [tilespmem:s25+$0x65D0];
	v2 =	vadd.f32 v5, v11;
	v3 =	vadd.f32 v6, v11  }
0x233: {  	v18 =	vld [tilespmem:s25+$0x4CE0];
	v4 =	vadd.f32 v10, v11;
	v5 =	vadd.f32 v12, v11  }
0x234: {  	v15 =	vimm.f32 $0.0e+00;
	v19 =	vld [tilespmem:s25+$0x65E0];
	v6 =	vadd.f32 v13, v11;
	v10 =	vadd.f32 v14, v11  }
0x235: {  	s24 =	simm.s32 $0x400;
	s23 =	simm.s32 $0x80;
	v20 =	vld [tilespmem:s25+$0x4CF0];
	v12 =	vimm.f32 $0.0e+00;
	v14 =	vimm.f32 $0.0e+00;
	v13 =	vimm.f32 $0.0e+00  }
.LBB2_12:
0x236: {  	p0 =	sne.s32 s24, $0x1200;
	v21 =	vld [tilespmem:s23+$0x65F0];
	v11 =	vadd.f32 v16, v11  }
0x237: {  	v16 =	vld [tilespmem:s23+$0x4C80];
	v12 =	vadd.f32 v17, v12  }
0x238: {  	v17 =	vld [tilespmem:s23+$0x6580];
	v14 =	vadd.f32 v18, v14  }
0x239: {  	v18 =	vld [tilespmem:s23+$0x4C90];
	v15 =	vadd.f32 v19, v15  }
0x23a: {  	v19 =	vld [tilespmem:s23+$0x6590];
	v13 =	vadd.f32 v20, v13  }
0x23b: {  	v20 =	vld [tilespmem:s23+$0x4CA0];
	v7 =	vadd.f32 v21, v7  }
0x23c: {  	v8 =	vadd.f32 v16, v8;
	v16 =	vld [tilespmem:s23+$0x65A0]  }
0x23d: {  	v9 =	vadd.f32 v17, v9;
	v17 =	vld [tilespmem:s23+$0x4CB0]  }
0x23e: {  	v0 =	vadd.f32 v18, v0;
	v18 =	vld [tilespmem:s23+$0x65B0]  }
0x23f: {  	v1 =	vadd.f32 v19, v1;
	v19 =	vld [tilespmem:s23+$0x4CC0]  }
0x240: {  	v2 =	vadd.f32 v20, v2;
	v20 =	vld [tilespmem:s23+$0x65C0]  }
.Ltmp5:
0x241: {  	v3 =	vadd.f32 v16, v3;
	v16 =	vld [tilespmem:s23+$0x4CD0];
	(pc) =	sbr.rel @p0 .LBB2_12-.Ltmp5, $4  }
0x242: {  	v4 =	vadd.f32 v17, v4;
	v17 =	vld [tilespmem:s23+$0x65D0]  }
0x243: {  	v5 =	vadd.f32 v18, v5;
	v18 =	vld [tilespmem:s23+$0x4CE0]  }
0x244: {  	v6 =	vadd.f32 v19, v6;
	v19 =	vld [tilespmem:s23+$0x65E0]  }
0x245: {  	v10 =	vadd.f32 v20, v10;
	v20 =	vld [tilespmem:s23+$0x4CF0];
	s23 =	sshra.s32 s24, $0x2;
	s24 =	sadd.s32 $0x200, s24  }
0x246: {  	v21 =	vld [tilespmem:s23+$0x65F0]  }
0x247: {  	v22 =	vld [tilespmem:s23+$0x4C80]  }
0x248: {  	v23 =	vld [tilespmem:s23+$0x6580]  }
0x249: {  	v24 =	vld [tilespmem:s23+$0x4C90]  }
0x24a: {  	v25 =	vld [tilespmem:s23+$0x6590]  }
0x24b: {  	v26 =	vld [tilespmem:s23+$0x4CA0]  }
0x24c: {  	v27 =	vld [tilespmem:s23+$0x65A0]  }
0x24d: {  	v28 =	vld [tilespmem:s23+$0x4CB0]  }
0x24e: {  	v29 =	vld [tilespmem:s23+$0x65B0]  }
0x24f: {  	v30 =	vld [tilespmem:s23+$0x4CC0]  }
0x250: {  	v31 =	vld [tilespmem:s23+$0x65C0]  }
0x251: {  	v32 =	vld [tilespmem:s23+$0x4CD0]  }
0x252: {  	v33 =	vld [tilespmem:s23+$0x65D0]  }
0x253: {  	v34 =	vld [tilespmem:s23+$0x4CE0]  }
0x254: {  	v35 =	vld [tilespmem:s23+$0x65E0]  }
0x255: {  	v36 =	vld [tilespmem:s23+$0x4CF0];
	_ =	swait.ge [sflag:s18], $0x500  }
0x256: {  	[sflag:s18] =	ssyncset.done $0x0  }
0x257: {  	[sflag:s18] =	ssyncadd.s32 $0xFFFFFB00  }
0x258: {  	_ =	swait.ge [sflag:s18], $0x500  }
0x259: {  	[sflag:s18] =	ssyncset.done $0x0  }
0x25a: {  	s25 =	simm.s32 $0x0;
	[sflag:s18] =	ssyncadd.s32 $0xFFFFFB00  }
0x25b: {  	v11 =	vadd.f32 v16, v11;
	v12 =	vadd.f32 v17, v12;
	v16 =	vld [tilespmem:s25+$0x6AF0]  }
0x25c: {  	v14 =	vadd.f32 v18, v14;
	v15 =	vadd.f32 v19, v15;
	v17 =	vld [tilespmem:s25+$0x5180]  }
0x25d: {  	v13 =	vadd.f32 v20, v13;
	v7 =	vadd.f32 v21, v7;
	v18 =	vld [tilespmem:s25+$0x6A80]  }
0x25e: {  	v8 =	vadd.f32 v22, v8;
	v9 =	vadd.f32 v23, v9;
	v19 =	vld [tilespmem:s25+$0x5190]  }
0x25f: {  	v20 =	vadd.f32 v24, v0;
	v21 =	vadd.f32 v25, v1;
	v22 =	vld [tilespmem:s25+$0x6A90]  }
0x260: {  	v23 =	vadd.f32 v26, v2;
	v55 =	vadd.f32 v27, v3;
	v56 =	vld [tilespmem:s25+$0x51A0]  }
0x261: {  	v57 =	vadd.f32 v28, v4;
	v58 =	vadd.f32 v29, v5;
	v59 =	vld [tilespmem:s25+$0x6AA0]  }
0x262: {  	v60 =	vadd.f32 v30, v6;
	v61 =	vadd.f32 v31, v10;
	v62 =	vld [tilespmem:s25+$0x51B0]  }
0x263: {  	v0 =	vadd.f32 v32, v11;
	v1 =	vadd.f32 v33, v12;
	v63 =	vld [tilespmem:s25+$0x6AB0]  }
0x264: {  	v2 =	vadd.f32 v34, v14;
	v3 =	vadd.f32 v35, v15;
	v14 =	vld [tilespmem:s25+$0x51C0]  }
0x265: {  	v4 =	vadd.f32 v36, v13;
	v15 =	vld [tilespmem:s25+$0x6AC0];
	v5 =	vadd.f32 v16, v7  }
0x266: {  	v6 =	vadd.f32 v17, v8;
	v7 =	vadd.f32 v18, v9;
	v16 =	vld [tilespmem:s25+$0x51D0]  }
0x267: {  	v8 =	vadd.f32 v19, v20;
	v9 =	vadd.f32 v22, v21;
	v17 =	vld [tilespmem:s25+$0x6AD0]  }
0x268: {  	v10 =	vadd.f32 v56, v23;
	v11 =	vadd.f32 v59, v55;
	v18 =	vld [tilespmem:s25+$0x51E0]  }
0x269: {  	v12 =	vadd.f32 v62, v57;
	v13 =	vadd.f32 v63, v58;
	v19 =	vld [tilespmem:s25+$0x6AE0]  }
0x26a: {  	s23 =	simm.s32 $0x80;
	s24 =	simm.s32 $0x400;
	v14 =	vadd.f32 v14, v60;
	v15 =	vadd.f32 v15, v61;
	v20 =	vld [tilespmem:s25+$0x51F0]  }
.LBB2_14:
0x26b: {  	p0 =	sne.s32 s24, $0x1200;
	v21 =	vld [tilespmem:s23+$0x6AF0];
	v0 =	vadd.f32 v16, v0  }
0x26c: {  	v16 =	vld [tilespmem:s23+$0x5180];
	v1 =	vadd.f32 v17, v1  }
0x26d: {  	v17 =	vld [tilespmem:s23+$0x6A80];
	v2 =	vadd.f32 v18, v2  }
0x26e: {  	v18 =	vld [tilespmem:s23+$0x5190];
	v3 =	vadd.f32 v19, v3  }
0x26f: {  	v19 =	vld [tilespmem:s23+$0x6A90];
	v4 =	vadd.f32 v20, v4  }
0x270: {  	v20 =	vld [tilespmem:s23+$0x51A0];
	v5 =	vadd.f32 v21, v5  }
0x271: {  	v6 =	vadd.f32 v16, v6;
	v16 =	vld [tilespmem:s23+$0x6AA0]  }
0x272: {  	v7 =	vadd.f32 v17, v7;
	v17 =	vld [tilespmem:s23+$0x51B0]  }
0x273: {  	v8 =	vadd.f32 v18, v8;
	v18 =	vld [tilespmem:s23+$0x6AB0]  }
0x274: {  	v9 =	vadd.f32 v19, v9;
	v19 =	vld [tilespmem:s23+$0x51C0]  }
0x275: {  	v10 =	vadd.f32 v20, v10;
	v20 =	vld [tilespmem:s23+$0x6AC0]  }
.Ltmp6:
0x276: {  	v11 =	vadd.f32 v16, v11;
	v16 =	vld [tilespmem:s23+$0x51D0];
	(pc) =	sbr.rel @p0 .LBB2_14-.Ltmp6, $4  }
0x277: {  	v12 =	vadd.f32 v17, v12;
	v17 =	vld [tilespmem:s23+$0x6AD0]  }
0x278: {  	v13 =	vadd.f32 v18, v13;
	v18 =	vld [tilespmem:s23+$0x51E0]  }
0x279: {  	v14 =	vadd.f32 v19, v14;
	v19 =	vld [tilespmem:s23+$0x6AE0]  }
0x27a: {  	v15 =	vadd.f32 v20, v15;
	v20 =	vld [tilespmem:s23+$0x51F0];
	s23 =	sshra.s32 s24, $0x2;
	s24 =	sadd.s32 $0x200, s24  }
0x27b: {  	v21 =	vld [tilespmem:s23+$0x6AF0]  }
0x27c: {  	v22 =	vld [tilespmem:s23+$0x5180]  }
0x27d: {  	v23 =	vld [tilespmem:s23+$0x6A80]  }
0x27e: {  	v24 =	vld [tilespmem:s23+$0x5190]  }
0x27f: {  	v25 =	vld [tilespmem:s23+$0x6A90]  }
0x280: {  	v26 =	vld [tilespmem:s23+$0x51A0]  }
0x281: {  	v27 =	vld [tilespmem:s23+$0x6AA0]  }
0x282: {  	v28 =	vld [tilespmem:s23+$0x51B0]  }
0x283: {  	v29 =	vld [tilespmem:s23+$0x6AB0]  }
0x284: {  	v30 =	vld [tilespmem:s23+$0x51C0]  }
0x285: {  	v31 =	vld [tilespmem:s23+$0x6AC0]  }
0x286: {  	v32 =	vld [tilespmem:s23+$0x51D0]  }
0x287: {  	v33 =	vld [tilespmem:s23+$0x6AD0]  }
0x288: {  	v34 =	vld [tilespmem:s23+$0x51E0]  }
0x289: {  	v35 =	vld [tilespmem:s23+$0x6AE0]  }
0x28a: {  	v36 =	vld [tilespmem:s23+$0x51F0];
	_ =	swait.ge [sflag:s18], $0x500  }
0x28b: {  	[sflag:s18] =	ssyncset.done $0x0  }
0x28c: {  	[sflag:s18] =	ssyncadd.s32 $0xFFFFFB00  }
0x28d: {  	_ =	swait.ge [sflag:s18], $0x500  }
0x28e: {  	[sflag:s18] =	ssyncset.done $0x0  }
0x28f: {  	s25 =	simm.s32 $0x0;
	[sflag:s18] =	ssyncadd.s32 $0xFFFFFB00  }
0x290: {  	v0 =	vadd.f32 v16, v0;
	v1 =	vadd.f32 v17, v1;
	v16 =	vld [tilespmem:s25+$0x6FF0]  }
0x291: {  	v2 =	vadd.f32 v18, v2;
	v3 =	vadd.f32 v19, v3;
	v17 =	vld [tilespmem:s25+$0x5680]  }
0x292: {  	v4 =	vadd.f32 v20, v4;
	v5 =	vadd.f32 v21, v5;
	v18 =	vld [tilespmem:s25+$0x6F80]  }
0x293: {  	v6 =	vadd.f32 v22, v6;
	v7 =	vadd.f32 v23, v7;
	v19 =	vld [tilespmem:s25+$0x5690]  }
0x294: {  	v8 =	vadd.f32 v24, v8;
	v9 =	vadd.f32 v25, v9;
	v20 =	vld [tilespmem:s25+$0x6F90]  }
0x295: {  	v10 =	vadd.f32 v26, v10;
	v11 =	vadd.f32 v27, v11;
	v21 =	vld [tilespmem:s25+$0x56A0]  }
0x296: {  	v12 =	vadd.f32 v28, v12;
	v13 =	vadd.f32 v29, v13;
	v22 =	vld [tilespmem:s25+$0x6FA0]  }
0x297: {  	v14 =	vadd.f32 v30, v14;
	v15 =	vadd.f32 v31, v15;
	v23 =	vld [tilespmem:s25+$0x56B0]  }
0x298: {  	v0 =	vadd.f32 v32, v0;
	v1 =	vadd.f32 v33, v1;
	v61 =	vld [tilespmem:s25+$0x6FB0]  }
0x299: {  	v2 =	vadd.f32 v34, v2;
	v3 =	vadd.f32 v35, v3;
	v62 =	vld [tilespmem:s25+$0x56C0]  }
0x29a: {  	v4 =	vadd.f32 v36, v4;
	v63 =	vld [tilespmem:s25+$0x6FC0];
	v5 =	vadd.f32 v16, v5  }
0x29b: {  	v6 =	vadd.f32 v17, v6;
	v7 =	vadd.f32 v18, v7;
	v16 =	vld [tilespmem:s25+$0x56D0]  }
0x29c: {  	v8 =	vadd.f32 v19, v8;
	v9 =	vadd.f32 v20, v9;
	v17 =	vld [tilespmem:s25+$0x6FD0]  }
0x29d: {  	v10 =	vadd.f32 v21, v10;
	v11 =	vadd.f32 v22, v11;
	v18 =	vld [tilespmem:s25+$0x56E0]  }
0x29e: {  	v12 =	vadd.f32 v23, v12;
	v13 =	vadd.f32 v61, v13;
	v19 =	vld [tilespmem:s25+$0x6FE0]  }
0x29f: {  	s23 =	simm.s32 $0x80;
	s24 =	simm.s32 $0x400;
	v14 =	vadd.f32 v62, v14;
	v15 =	vadd.f32 v63, v15;
	v20 =	vld [tilespmem:s25+$0x56F0]  }
.LBB2_16:
0x2a0: {  	p0 =	sne.s32 s24, $0x1200;
	v21 =	vld [tilespmem:s23+$0x6FF0];
	v0 =	vadd.f32 v16, v0  }
0x2a1: {  	v16 =	vld [tilespmem:s23+$0x5680];
	v1 =	vadd.f32 v17, v1  }
0x2a2: {  	v17 =	vld [tilespmem:s23+$0x6F80];
	v2 =	vadd.f32 v18, v2  }
0x2a3: {  	v18 =	vld [tilespmem:s23+$0x5690];
	v3 =	vadd.f32 v19, v3  }
0x2a4: {  	v19 =	vld [tilespmem:s23+$0x6F90];
	v4 =	vadd.f32 v20, v4  }
0x2a5: {  	v20 =	vld [tilespmem:s23+$0x56A0];
	v5 =	vadd.f32 v21, v5  }
0x2a6: {  	v6 =	vadd.f32 v16, v6;
	v16 =	vld [tilespmem:s23+$0x6FA0]  }
0x2a7: {  	v7 =	vadd.f32 v17, v7;
	v17 =	vld [tilespmem:s23+$0x56B0]  }
0x2a8: {  	v8 =	vadd.f32 v18, v8;
	v18 =	vld [tilespmem:s23+$0x6FB0]  }
0x2a9: {  	v9 =	vadd.f32 v19, v9;
	v19 =	vld [tilespmem:s23+$0x56C0]  }
0x2aa: {  	v10 =	vadd.f32 v20, v10;
	v20 =	vld [tilespmem:s23+$0x6FC0]  }
.Ltmp7:
0x2ab: {  	v11 =	vadd.f32 v16, v11;
	v16 =	vld [tilespmem:s23+$0x56D0];
	(pc) =	sbr.rel @p0 .LBB2_16-.Ltmp7, $4  }
0x2ac: {  	v12 =	vadd.f32 v17, v12;
	v17 =	vld [tilespmem:s23+$0x6FD0]  }
0x2ad: {  	v13 =	vadd.f32 v18, v13;
	v18 =	vld [tilespmem:s23+$0x56E0]  }
0x2ae: {  	v14 =	vadd.f32 v19, v14;
	v19 =	vld [tilespmem:s23+$0x6FE0]  }
0x2af: {  	v15 =	vadd.f32 v20, v15;
	v20 =	vld [tilespmem:s23+$0x56F0];
	s23 =	sshra.s32 s24, $0x2;
	s24 =	sadd.s32 $0x200, s24  }
0x2b0: {  	v21 =	vld [tilespmem:s23+$0x6FF0]  }
0x2b1: {  	v22 =	vld [tilespmem:s23+$0x5680]  }
0x2b2: {  	v23 =	vld [tilespmem:s23+$0x6F80]  }
0x2b3: {  	v24 =	vld [tilespmem:s23+$0x5690]  }
0x2b4: {  	v25 =	vld [tilespmem:s23+$0x6F90]  }
0x2b5: {  	v26 =	vld [tilespmem:s23+$0x56A0]  }
0x2b6: {  	v27 =	vld [tilespmem:s23+$0x6FA0]  }
0x2b7: {  	v28 =	vld [tilespmem:s23+$0x56B0]  }
0x2b8: {  	v29 =	vld [tilespmem:s23+$0x6FB0]  }
0x2b9: {  	v30 =	vld [tilespmem:s23+$0x56C0]  }
0x2ba: {  	v31 =	vld [tilespmem:s23+$0x6FC0]  }
0x2bb: {  	v32 =	vld [tilespmem:s23+$0x56D0]  }
0x2bc: {  	v33 =	vld [tilespmem:s23+$0x6FD0]  }
0x2bd: {  	v34 =	vld [tilespmem:s23+$0x56E0]  }
0x2be: {  	v35 =	vld [tilespmem:s23+$0x6FE0]  }
0x2bf: {  	v36 =	vld [tilespmem:s23+$0x56F0];
	_ =	swait.ge [sflag:s18], $0x500  }
0x2c0: {  	[sflag:s18] =	ssyncset.done $0x0  }
0x2c1: {  	[sflag:s18] =	ssyncadd.s32 $0xFFFFFB00  }
0x2c2: {  	_ =	swait.ge [sflag:s18], $0x500  }
0x2c3: {  	[sflag:s18] =	ssyncset.done $0x0  }
0x2c4: {  	s25 =	simm.s32 $0x0;
	[sflag:s18] =	ssyncadd.s32 $0xFFFFFB00  }
0x2c5: {  	v0 =	vadd.f32 v16, v0;
	v1 =	vadd.f32 v17, v1;
	v16 =	vld [tilespmem:s25+$0x74F0]  }
0x2c6: {  	v2 =	vadd.f32 v18, v2;
	v3 =	vadd.f32 v19, v3;
	v17 =	vld [tilespmem:s25+$0x5B80]  }
0x2c7: {  	v4 =	vadd.f32 v20, v4;
	v5 =	vadd.f32 v21, v5;
	v18 =	vld [tilespmem:s25+$0x7480]  }
0x2c8: {  	v6 =	vadd.f32 v22, v6;
	v7 =	vadd.f32 v23, v7;
	v19 =	vld [tilespmem:s25+$0x5B90]  }
0x2c9: {  	v8 =	vadd.f32 v24, v8;
	v9 =	vadd.f32 v25, v9;
	v20 =	vld [tilespmem:s25+$0x7490]  }
0x2ca: {  	v10 =	vadd.f32 v26, v10;
	v11 =	vadd.f32 v27, v11;
	v21 =	vld [tilespmem:s25+$0x5BA0]  }
0x2cb: {  	v12 =	vadd.f32 v28, v12;
	v13 =	vadd.f32 v29, v13;
	v22 =	vld [tilespmem:s25+$0x74A0]  }
0x2cc: {  	v14 =	vadd.f32 v30, v14;
	v15 =	vadd.f32 v31, v15;
	v23 =	vld [tilespmem:s25+$0x5BB0]  }
0x2cd: {  	v0 =	vadd.f32 v32, v0;
	v1 =	vadd.f32 v33, v1;
	v61 =	vld [tilespmem:s25+$0x74B0]  }
0x2ce: {  	v2 =	vadd.f32 v34, v2;
	v3 =	vadd.f32 v35, v3;
	v62 =	vld [tilespmem:s25+$0x5BC0]  }
0x2cf: {  	v4 =	vadd.f32 v36, v4;
	v63 =	vld [tilespmem:s25+$0x74C0];
	v5 =	vadd.f32 v16, v5  }
0x2d0: {  	v6 =	vadd.f32 v17, v6;
	v7 =	vadd.f32 v18, v7;
	v16 =	vld [tilespmem:s25+$0x5BD0]  }
0x2d1: {  	v8 =	vadd.f32 v19, v8;
	v9 =	vadd.f32 v20, v9;
	v17 =	vld [tilespmem:s25+$0x74D0]  }
0x2d2: {  	v10 =	vadd.f32 v21, v10;
	v11 =	vadd.f32 v22, v11;
	v18 =	vld [tilespmem:s25+$0x5BE0]  }
0x2d3: {  	v12 =	vadd.f32 v23, v12;
	v13 =	vadd.f32 v61, v13;
	v19 =	vld [tilespmem:s25+$0x74E0]  }
0x2d4: {  	s23 =	simm.s32 $0x80;
	s24 =	simm.s32 $0x400;
	v14 =	vadd.f32 v62, v14;
	v15 =	vadd.f32 v63, v15;
	v20 =	vld [tilespmem:s25+$0x5BF0]  }
.LBB2_18:
0x2d5: {  	p0 =	sne.s32 s24, $0x1200;
	v21 =	vld [tilespmem:s23+$0x74F0];
	v0 =	vadd.f32 v16, v0  }
0x2d6: {  	v16 =	vld [tilespmem:s23+$0x5B80];
	v1 =	vadd.f32 v17, v1  }
0x2d7: {  	v17 =	vld [tilespmem:s23+$0x7480];
	v2 =	vadd.f32 v18, v2  }
0x2d8: {  	v18 =	vld [tilespmem:s23+$0x5B90];
	v3 =	vadd.f32 v19, v3  }
0x2d9: {  	v19 =	vld [tilespmem:s23+$0x7490];
	v4 =	vadd.f32 v20, v4  }
0x2da: {  	v20 =	vld [tilespmem:s23+$0x5BA0];
	v5 =	vadd.f32 v21, v5  }
0x2db: {  	v6 =	vadd.f32 v16, v6;
	v16 =	vld [tilespmem:s23+$0x74A0]  }
0x2dc: {  	v7 =	vadd.f32 v17, v7;
	v17 =	vld [tilespmem:s23+$0x5BB0]  }
0x2dd: {  	v8 =	vadd.f32 v18, v8;
	v18 =	vld [tilespmem:s23+$0x74B0]  }
0x2de: {  	v9 =	vadd.f32 v19, v9;
	v19 =	vld [tilespmem:s23+$0x5BC0]  }
0x2df: {  	v10 =	vadd.f32 v20, v10;
	v20 =	vld [tilespmem:s23+$0x74C0]  }
.Ltmp8:
0x2e0: {  	v11 =	vadd.f32 v16, v11;
	v16 =	vld [tilespmem:s23+$0x5BD0];
	(pc) =	sbr.rel @p0 .LBB2_18-.Ltmp8, $4  }
0x2e1: {  	v12 =	vadd.f32 v17, v12;
	v17 =	vld [tilespmem:s23+$0x74D0]  }
0x2e2: {  	v13 =	vadd.f32 v18, v13;
	v18 =	vld [tilespmem:s23+$0x5BE0]  }
0x2e3: {  	v14 =	vadd.f32 v19, v14;
	v19 =	vld [tilespmem:s23+$0x74E0]  }
0x2e4: {  	v15 =	vadd.f32 v20, v15;
	v20 =	vld [tilespmem:s23+$0x5BF0];
	s23 =	sshra.s32 s24, $0x2;
	s24 =	sadd.s32 $0x200, s24  }
0x2e5: {  	v21 =	vld [tilespmem:s23+$0x74F0]  }
0x2e6: {  	v22 =	vld [tilespmem:s23+$0x5B80]  }
0x2e7: {  	v23 =	vld [tilespmem:s23+$0x7480]  }
0x2e8: {  	v24 =	vld [tilespmem:s23+$0x5B90]  }
0x2e9: {  	v25 =	vld [tilespmem:s23+$0x7490]  }
0x2ea: {  	v26 =	vld [tilespmem:s23+$0x5BA0]  }
0x2eb: {  	v27 =	vld [tilespmem:s23+$0x74A0]  }
0x2ec: {  	v28 =	vld [tilespmem:s23+$0x5BB0]  }
0x2ed: {  	v29 =	vld [tilespmem:s23+$0x74B0]  }
0x2ee: {  	v30 =	vld [tilespmem:s23+$0x5BC0]  }
0x2ef: {  	v31 =	vld [tilespmem:s23+$0x74C0]  }
0x2f0: {  	v32 =	vld [tilespmem:s23+$0x5BD0]  }
0x2f1: {  	v33 =	vld [tilespmem:s23+$0x74D0]  }
0x2f2: {  	v34 =	vld [tilespmem:s23+$0x5BE0]  }
0x2f3: {  	v35 =	vld [tilespmem:s23+$0x74E0]  }
0x2f4: {  	v36 =	vld [tilespmem:s23+$0x5BF0];
	_ =	swait.ge [sflag:s18], $0x500  }
0x2f5: {  	[sflag:s18] =	ssyncset.done $0x0  }
0x2f6: {  	[sflag:s18] =	ssyncadd.s32 $0xFFFFFB00  }
0x2f7: {  	_ =	swait.ge [sflag:s18], $0x500  }
0x2f8: {  	[sflag:s18] =	ssyncset.done $0x0  }
0x2f9: {  	s25 =	simm.s32 $0x0;
	[sflag:s18] =	ssyncadd.s32 $0xFFFFFB00  }
0x2fa: {  	v0 =	vadd.f32 v16, v0;
	v1 =	vadd.f32 v17, v1;
	v16 =	vld [tilespmem:s25+$0x79F0]  }
0x2fb: {  	v2 =	vadd.f32 v18, v2;
	v3 =	vadd.f32 v19, v3;
	v17 =	vld [tilespmem:s25+$0x6080]  }
0x2fc: {  	v18 =	vadd.f32 v20, v4;
	v5 =	vadd.f32 v21, v5;
	v19 =	vld [tilespmem:s25+$0x7980]  }
0x2fd: {  	v20 =	vadd.f32 v22, v6;
	v21 =	vadd.f32 v23, v7;
	v22 =	vld [tilespmem:s25+$0x6090]  }
0x2fe: {  	v23 =	vadd.f32 v24, v8;
	v59 =	vadd.f32 v25, v9;
	v60 =	vld [tilespmem:s25+$0x7990]  }
0x2ff: {  	v10 =	vadd.f32 v26, v10;
	v61 =	vadd.f32 v27, v11;
	v62 =	vld [tilespmem:s25+$0x60A0]  }
0x300: {  	v28 =	vadd.f32 v28, v12;
	v29 =	vadd.f32 v29, v13;
	v37 =	vld [tilespmem:s25+$0x79A0]  }
0x301: {  	v30 =	vadd.f32 v30, v14;
	v31 =	vadd.f32 v31, v15;
	v38 =	vld [tilespmem:s25+$0x60B0]  }
0x302: {  	v6 =	vadd.f32 v32, v0;
	v4 =	vadd.f32 v33, v1;
	v1 =	vld [tilespmem:s25+$0x79B0]  }
0x303: {  	v7 =	vadd.f32 v34, v2;
	v8 =	vadd.f32 v35, v3;
	v3 =	vld [tilespmem:s25+$0x60C0]  }
0x304: {  	v11 =	vadd.f32 v36, v18;
	v63 =	vld [tilespmem:s25+$0x79C0];
	v0 =	vadd.f32 v16, v5  }
0x305: {  	v12 =	vadd.f32 v17, v20;
	v9 =	vadd.f32 v19, v21;
	v16 =	vld [tilespmem:s25+$0x60D0]  }
0x306: {  	v15 =	vadd.f32 v22, v23;
	v13 =	vadd.f32 v60, v59;
	v17 =	vld [tilespmem:s25+$0x79D0]  }
0x307: {  	v18 =	vld [tilespmem:s25+$0x60E0];
	v14 =	vadd.f32 v62, v10;
	v5 =	vadd.f32 v37, v61  }
0x308: {  	v10 =	vadd.f32 v38, v28;
	v2 =	vadd.f32 v1, v29;
	v19 =	vld [tilespmem:s25+$0x79E0]  }
0x309: {  	s23 =	simm.s32 $0x80;
	s24 =	simm.s32 $0x400;
	v3 =	vadd.f32 v3, v30;
	v1 =	vadd.f32 v63, v31;
	v20 =	vld [tilespmem:s25+$0x60F0]  }
.LBB2_20:
0x30a: {  	p0 =	sne.s32 s24, $0x1200;
	v21 =	vld [tilespmem:s23+$0x79F0];
	v6 =	vadd.f32 v16, v6  }
0x30b: {  	v16 =	vld [tilespmem:s23+$0x6080];
	v4 =	vadd.f32 v17, v4  }
0x30c: {  	v17 =	vld [tilespmem:s23+$0x7980];
	v7 =	vadd.f32 v18, v7  }
0x30d: {  	v18 =	vld [tilespmem:s23+$0x6090];
	v8 =	vadd.f32 v19, v8  }
0x30e: {  	v19 =	vld [tilespmem:s23+$0x7990];
	v11 =	vadd.f32 v20, v11  }
0x30f: {  	v20 =	vld [tilespmem:s23+$0x60A0];
	v0 =	vadd.f32 v21, v0  }
0x310: {  	v12 =	vadd.f32 v16, v12;
	v16 =	vld [tilespmem:s23+$0x79A0]  }
0x311: {  	v9 =	vadd.f32 v17, v9;
	v17 =	vld [tilespmem:s23+$0x60B0]  }
0x312: {  	v15 =	vadd.f32 v18, v15;
	v18 =	vld [tilespmem:s23+$0x79B0]  }
0x313: {  	v13 =	vadd.f32 v19, v13;
	v19 =	vld [tilespmem:s23+$0x60C0]  }
0x314: {  	v14 =	vadd.f32 v20, v14;
	v20 =	vld [tilespmem:s23+$0x79C0]  }
.Ltmp9:
0x315: {  	v5 =	vadd.f32 v16, v5;
	v16 =	vld [tilespmem:s23+$0x60D0];
	(pc) =	sbr.rel @p0 .LBB2_20-.Ltmp9, $4  }
0x316: {  	v10 =	vadd.f32 v17, v10;
	v17 =	vld [tilespmem:s23+$0x79D0]  }
0x317: {  	v2 =	vadd.f32 v18, v2;
	v18 =	vld [tilespmem:s23+$0x60E0]  }
0x318: {  	v3 =	vadd.f32 v19, v3;
	v19 =	vld [tilespmem:s23+$0x79E0]  }
0x319: {  	v1 =	vadd.f32 v20, v1;
	v20 =	vld [tilespmem:s23+$0x60F0];
	s23 =	sshra.s32 s24, $0x2;
	s24 =	sadd.s32 $0x200, s24  }
0x31a: {  	v21 =	vld [tilespmem:s23+$0x79F0]  }
0x31b: {  	v22 =	vld [tilespmem:s23+$0x6080]  }
0x31c: {  	v23 =	vld [tilespmem:s23+$0x7980]  }
0x31d: {  	v24 =	vld [tilespmem:s23+$0x6090]  }
0x31e: {  	v25 =	vld [tilespmem:s23+$0x7990]  }
0x31f: {  	v26 =	vld [tilespmem:s23+$0x60A0]  }
0x320: {  	v27 =	vld [tilespmem:s23+$0x79A0]  }
0x321: {  	v28 =	vld [tilespmem:s23+$0x60B0]  }
0x322: {  	v29 =	vld [tilespmem:s23+$0x79B0]  }
0x323: {  	v30 =	vld [tilespmem:s23+$0x60C0]  }
0x324: {  	v31 =	vld [tilespmem:s23+$0x79C0]  }
0x325: {  	v32 =	vld [tilespmem:s23+$0x60D0]  }
0x326: {  	v33 =	vld [tilespmem:s23+$0x79D0]  }
0x327: {  	v34 =	vld [tilespmem:s23+$0x60E0]  }
0x328: {  	v35 =	vld [tilespmem:s23+$0x79E0]  }
0x329: {  	v36 =	vld [tilespmem:s23+$0x60F0];
	_ =	swait.ge [sflag:s16], $0x80  }
0x32a: {  	[sflag:s16] =	ssyncset.done $0x0  }
0x32b: {  	[sflag:s16] =	ssyncadd.s32 $0xFFFFFF80  }
0x32c: {  	_ =	swait.ge [sflag:s16], $0x80  }
0x32d: {  	[sflag:s16] =	ssyncset.done $0x0  }
0x32e: {  	v6 =	vadd.f32 v16, v6;
	[sflag:s16] =	ssyncadd.s32 $0xFFFFFF80  }
0x32f: {  	v4 =	vadd.f32 v17, v4;
	v7 =	vadd.f32 v18, v7;
	v37 =	vld [tilespmem:$0x1980]  }
0x330: {  	v8 =	vadd.f32 v19, v8;
	v11 =	vadd.f32 v20, v11;
	v62 =	vld [tilespmem:$0x1990]  }
0x331: {  	v12 =	vadd.f32 v22, v12;
	v15 =	vadd.f32 v24, v15;
	v24 =	vld [tilespmem:$0x19A0]  }
0x332: {  	v9 =	vadd.f32 v23, v9;
	v13 =	vadd.f32 v25, v13;
	v63 =	vld [tilespmem:$0x1A00]  }
0x333: {  	v14 =	vadd.f32 v26, v14;
	v5 =	vadd.f32 v27, v5;
	v26 =	vld [tilespmem:$0x19B0]  }
0x334: {  	v10 =	vadd.f32 v28, v10;
	v2 =	vadd.f32 v29, v2;
	v25 =	vld [tilespmem:$0x1A10]  }
0x335: {  	v3 =	vadd.f32 v30, v3;
	v38 =	vld [tilespmem:$0x19C0];
	v12 =	vmul.f32 v37, v12;
	v15 =	vmul.f32 v62, v15  }
0x336: {  	v1 =	vadd.f32 v31, v1;
	v6 =	vadd.f32 v32, v6;
	v28 =	vld [tilespmem:$0x1A20];
	v14 =	vmul.f32 v24, v14  }
0x337: {  	v42 =	vld [tilespmem:$0x19D0];
	v9 =	vadd.f32 v12, v9;
	v37 =	vadd.f32 v15, v13  }
0x338: {  	v4 =	vadd.f32 v33, v4;
	v41 =	vld [tilespmem:$0x1A30];
	v10 =	vmul.f32 v26, v10;
	v5 =	vadd.f32 v14, v5  }
0x339: {  	v46 =	vld [tilespmem:$0x19E0];
	v39 =	vsub.f32 v63, v9;
	v40 =	vsub.f32 v25, v37  }
0x33a: {  	v7 =	vadd.f32 v34, v7;
	v44 =	vld [tilespmem:$0x1A40];
	v3 =	vmul.f32 v38, v3;
	v2 =	vadd.f32 v10, v2  }
0x33b: {  	v48 =	vld [tilespmem:$0x19F0];
	v45 =	vsub.f32 v28, v5;
	v15 =	vmul.f32 v39, v39;
	v43 =	vmul.f32 v40, v40  }
0x33c: {  	v8 =	vadd.f32 v35, v8;
	v47 =	vld [tilespmem:$0x1A50];
	v6 =	vmul.f32 v42, v6;
	v1 =	vadd.f32 v3, v1  }
0x33d: {  	v51 =	vld [tilespmem:$0x1A60];
	v18 =	vsub.f32 v41, v2;
	v10 =	vmul.f32 v45, v45;
	v15 =	vadd.f32 v43, v15  }
0x33e: {  	v11 =	vadd.f32 v36, v11;
	v52 =	vmul.f32 v46, v7;
	v4 =	vadd.f32 v6, v4  }
0x33f: {  	v50 =	vsub.f32 v44, v1;
	v49 =	vmul.f32 v18, v18;
	v10 =	vadd.f32 v10, v15  }
0x340: {  	v0 =	vadd.f32 v21, v0;
	v55 =	vld [tilespmem:$0x1A70];
	v6 =	vadd.f32 v52, v8;
	v3 =	vmul.f32 v48, v11  }
0x341: {  	v56 =	vsub.f32 v47, v4;
	v54 =	vmul.f32 v50, v50;
	v53 =	vadd.f32 v49, v10  }
0x342: {  	v58 =	vsub.f32 v51, v6  }
0x343: {  	[tilespmem:$0x7E80] =	vst v9;
	v0 =	vadd.f32 v3, v0;
	v57 =	vmul.f32 v56, v56;
	v7 =	vadd.f32 v54, v53  }
0x344: {  	[tilespmem:$0x7E90] =	vst v37  }
0x345: {  	[tilespmem:$0x7EA0] =	vst v5;
	v60 =	vmul.f32 v58, v58;
	v61 =	vsub.f32 v55, v0;
	v59 =	vadd.f32 v57, v7  }
0x346: {  	[tilespmem:$0x7EB0] =	vst v2  }
0x347: {  	[tilespmem:$0x7EC0] =	vst v1;
	v63 =	vmul.f32 v61, v61;
	v62 =	vadd.f32 v60, v59  }
0x348: {  	[tilespmem:$0x7ED0] =	vst v4  }
0x349: {  	[tilespmem:$0x7EE0] =	vst v6;
	v1 =	vadd.f32 v63, v62  }
0x34a: {  	[tilespmem:$0x7EF0] =	vst v0  }
0x34b: {  	[tilespmem:$0x7F00] =	vst v1  }
0x34c: {  	[hbm4b:s8+s2] =	stream.linear.scatter [tilespmem:s19], [sflag:$0x3], $0x80, $0x38;
	[tilespmem:$0x7F10] =	vst v63  }
0x34d: {  	s22 =	sadd.s32 $0x1, s22;
	_ =	swait.ge [sflag:s20], $0x80  }
0x34e: {  	p0 =	sne.s32 s22, s10;
	[sflag:s20] =	ssyncset.done $0x0  }
.Ltmp10:
0x34f: {  	[sflag:s20] =	ssyncadd.s32 $0xFFFFFF80;
	(pc) =	sbr.rel @p0 .LBB2_1-.Ltmp10, $4  }
0x350: {  	[hbm4b:s9+s2] =	stream.linear.scatter [tilespmem:s21], [sflag:$0x3], $0x10, $0x38;
	[tilespmem:$0x7F10] =	vst v63  }
0x351: {  	_ =	swait.ge [sflag:s20], $0x10  }
0x352: {  	[sflag:s20] =	ssyncset.done $0x0  }
0x353: {  	[sflag:s20] =	ssyncadd.s32 $0xFFFFFFF0  }
0x354: {  	_ =	sfence.sel $0x180000  }
0x355: {  	[bflag:$0x0] =	sbarrier.arrive $0xFFFF  }
0x356: {  	_ =	strace $0x90000047  }
0x357: {  	s0 =	stileid.u32;
	[bflag:$0x2] =	sbarrier.arrive $0xFFFF  }
0x358: {  	p0 =	sne.s32 s0, $0x0;
	s0 =	rddreg [dreg:$0x5]  }
0x359: {  	s0 =	sadd.s32 @!p0 $0x100000, s0  }
0x35a: {  	[sflag:s0] =	ssyncadd.tile.s32 @!p0 $0x1;
	_ =	shalt  }
.Lfunc_end2:
_tile_overlayer_lowered:
.L_overlay_start_2:
0x35b: {  	(tag) =	ssettag $0x2  }
0x35c: {  	s0 =	rddreg [dreg:$0x0];
	s2 =	stileid.u32  }
0x35d: {  	s1 =	rddreg [dreg:$0x1];
	p0 =	sne.s32 s2, $0x0  }
0x35e: {  	s3 =	rddreg [dreg:$0x2];
	[bflag:$0x3] =	sbarrier.arrive $0xFFFF;
	s2 =	simm.s32 @!p0 $0x1C03  }
0x35f: {  	[timem:s3], [sflag:s2] =	dma.local @!p0 [hbm:s0], s1  }
0x360: {  	s0 =	simm.s32 @!p0 $0x3  }
0x361: {  	_ =	swait.ge @!p0 [sflag:s0], s1  }
0x362: {  	s1 =	ssub.s32 @!p0 $0x0, s1;
	[sflag:s0] =	ssyncset.done @!p0 $0x0  }
0x363: {  	[sflag:s0] =	ssyncadd.s32 @!p0 s1  }
0x364: {  	[bflag:$0x3] =	sbarrier.arrive $0xFFFF  }
0x365: {  	_ =	shalt  }

</sc_bundles>
